<compile_context>
chip_gen: v7x
topology: tpu7x:2x2x1
jax: 0.10.2.dev20260603
libtpu: 0.0.44.dev20260713+nightly
codegen_flags: <defaults>
</compile_context>

<pallas_src>
import math

import jax
import jax.numpy as jnp
from jax import lax
from jax.experimental import pallas as pl
from jax.experimental.pallas import tpu as pltpu
from jax.experimental.pallas import tpu_sc as plsc

_N = 10000
_NP = 10240
_HID = 128
_H = 8
_D = 16
_FF = 512
_TE = 2000
_NC = 2
_NS = 16
_NW = _NC * _NS
_CG = 200
_CS = 80

_F32 = jnp.float32
_PREC = jax.lax.Precision.HIGHEST



def _qkv_common(x, wq_ref, bq_ref, wk_ref, bk_ref, wv_ref, bv_ref, sel_ref,
                bro_ref, ev_ref, ea_out_ref):
    q = jnp.dot(x, wq_ref[...], precision=_PREC,
                preferred_element_type=_F32) + bq_ref[...]
    k = jnp.dot(x, wk_ref[...], precision=_PREC,
                preferred_element_type=_F32) + bk_ref[...]
    v = jnp.dot(x, wv_ref[...], precision=_PREC,
                preferred_element_type=_F32) + bv_ref[...]
    al = jnp.dot(q * k, sel_ref[...], precision=_PREC,
                 preferred_element_type=_F32)
    ea = jnp.exp(al)
    ea_out_ref[...] = ea
    ev_ref[...] = v * jnp.dot(ea, bro_ref[...], precision=_PREC,
                              preferred_element_type=_F32)


def _emb_qkv_body(ea_ref, wemb_ref, bemb_ref, wq_ref, bq_ref, wk_ref, bk_ref,
                  wv_ref, bv_ref, sel_ref, bro_ref, x_ref, ev_ref, ea_out_ref):
    x = jnp.dot(ea_ref[...], wemb_ref[...], precision=_PREC,
                preferred_element_type=_F32) + bemb_ref[...]
    x_ref[...] = x
    _qkv_common(x, wq_ref, bq_ref, wk_ref, bk_ref, wv_ref, bv_ref, sel_ref,
                bro_ref, ev_ref, ea_out_ref)


def _qkv_body(x_ref, wq_ref, bq_ref, wk_ref, bk_ref, wv_ref, bv_ref, sel_ref,
              bro_ref, ev_ref, ea_out_ref):
    _qkv_common(x_ref[...], wq_ref, bq_ref, wk_ref, bk_ref, wv_ref, bv_ref,
                sel_ref, bro_ref, ev_ref, ea_out_ref)


def _node_proj_body(n0_ref, n1_ref, s0_ref, s1_ref, bro_ref, wo_ref, bo_ref,
                    wet_ref, web_ref, be_ref, p_ref, q_ref):
    denom = jnp.dot(s0_ref[0] + s1_ref[0], bro_ref[...], precision=_PREC,
                    preferred_element_type=_F32) + 1e-16
    node = jnp.dot((n0_ref[0] + n1_ref[0]) / denom, wo_ref[...],
                   precision=_PREC, preferred_element_type=_F32) + bo_ref[...]
    p_ref[...] = jnp.dot(node, wet_ref[...], precision=_PREC,
                         preferred_element_type=_F32)
    q_ref[...] = jnp.dot(node, web_ref[...], precision=_PREC,
                         preferred_element_type=_F32) + be_ref[...]


def _ffn_body(x_ref, agg_ref, wf1_ref, bf1_ref, wf2_ref, bf2_ref, out_ref):
    x1 = x_ref[...] + agg_ref[...]
    h = jnp.maximum(jnp.dot(x1, wf1_ref[...], precision=_PREC,
                            preferred_element_type=_F32) + bf1_ref[...], 0.0)
    out_ref[...] = x1 + jnp.dot(h, wf2_ref[...], precision=_PREC,
                                preferred_element_type=_F32) + bf2_ref[...]


def _full(shape):
    return pl.BlockSpec(shape, lambda i: (0,) * len(shape))


def _rows(shape):
    return pl.BlockSpec(shape, lambda i: (i,) + (0,) * (len(shape) - 1))


def _emb_qkv_call(ea8, wemb8, bemb, wq, bq, wk, bk, wv, bv, sel, bro):
    e = ea8.shape[0]
    return pl.pallas_call(
        _emb_qkv_body,
        grid=(e // _TE,),
        in_specs=[_rows((_TE, 8)), _full((8, _HID)), _full((1, _HID)),
                  _full((_HID, _HID)), _full((1, _HID)),
                  _full((_HID, _HID)), _full((1, _HID)),
                  _full((_HID, _HID)), _full((1, _HID)),
                  _full((_HID, 16)), _full((16, _HID))],
        out_specs=[_rows((_TE, _HID)), _rows((_TE, _HID)), _rows((_TE, 16))],
        out_shape=[jax.ShapeDtypeStruct((e, _HID), _F32),
                   jax.ShapeDtypeStruct((e, _HID), _F32),
                   jax.ShapeDtypeStruct((e, 16), _F32)],
    )(ea8, wemb8, bemb, wq, bq, wk, bk, wv, bv, sel, bro)


def _qkv_call(x, wq, bq, wk, bk, wv, bv, sel, bro):
    e = x.shape[0]
    return pl.pallas_call(
        _qkv_body,
        grid=(e // _TE,),
        in_specs=[_rows((_TE, _HID)),
                  _full((_HID, _HID)), _full((1, _HID)),
                  _full((_HID, _HID)), _full((1, _HID)),
                  _full((_HID, _HID)), _full((1, _HID)),
                  _full((_HID, 16)), _full((16, _HID))],
        out_specs=[_rows((_TE, _HID)), _rows((_TE, 16))],
        out_shape=[jax.ShapeDtypeStruct((e, _HID), _F32),
                   jax.ShapeDtypeStruct((e, 16), _F32)],
    )(x, wq, bq, wk, bk, wv, bv, sel, bro)


def _node_proj_call(nparts, sparts, bro, wo, bo, wet, web, be):
    tn = 640
    return pl.pallas_call(
        _node_proj_body,
        grid=(_NP // tn,),
        in_specs=[pl.BlockSpec((1, tn, _HID), lambda i: (0, i, 0)),
                  pl.BlockSpec((1, tn, _HID), lambda i: (1, i, 0)),
                  pl.BlockSpec((1, tn, 16), lambda i: (0, i, 0)),
                  pl.BlockSpec((1, tn, 16), lambda i: (1, i, 0)),
                  _full((16, _HID)),
                  _full((_HID, _HID)), _full((1, _HID)),
                  _full((_HID, _HID)), _full((_HID, _HID)), _full((1, _HID))],
        out_specs=[_rows((tn, _HID)), _rows((tn, _HID))],
        out_shape=[jax.ShapeDtypeStruct((_NP, _HID), _F32),
                   jax.ShapeDtypeStruct((_NP, _HID), _F32)],
    )(nparts, nparts, sparts, sparts, bro, wo, bo, wet, web, be)


def _ffn_call(x, agg, wf1, bf1, wf2, bf2):
    e = x.shape[0]
    return pl.pallas_call(
        _ffn_body,
        grid=(e // _TE,),
        in_specs=[_rows((_TE, _HID)), _rows((_TE, _HID)),
                  _full((_HID, _FF)), _full((1, _FF)),
                  _full((_FF, _HID)), _full((1, _HID))],
        out_specs=_rows((_TE, _HID)),
        out_shape=jax.ShapeDtypeStruct((e, _HID), _F32),
    )(x, agg, wf1, bf1, wf2, bf2)



def _sc_scatter_body(dst_hbm, ea_hbm, ev_hbm, z16_hbm, z128_hbm,
                     sout_hbm, nout_hbm,
                     s_sh, node_sh, dst_b, ea_b, ev_b):
    c = lax.axis_index("c")
    s = lax.axis_index("s")
    wid = c * _NS + s
    e_total = dst_hbm.shape[0]
    cs = dst_b.shape[0]
    rps = _NP // _NS

    pltpu.sync_copy(z16_hbm.at[pl.ds(s * rps, rps)],
                    s_sh.at[pl.ds(s * rps, rps)])
    pltpu.sync_copy(z128_hbm.at[pl.ds(s * rps, rps)],
                    node_sh.at[pl.ds(s * rps, rps)])
    plsc.subcore_barrier()

    ept = e_total // _NW
    nch = ept // cs

    def chunk(i, carry):
        base = wid * ept + i * cs
        pltpu.sync_copy(dst_hbm.at[pl.ds(base, cs)], dst_b)
        pltpu.sync_copy(ea_hbm.at[pl.ds(base, cs)], ea_b)
        pltpu.sync_copy(ev_hbm.at[pl.ds(base, cs)], ev_b)
        pltpu.sync_copy(ea_b, s_sh.at[dst_b], add=True)
        pltpu.sync_copy(ev_b, node_sh.at[dst_b], add=True)
        return carry

    lax.fori_loop(0, nch, chunk, 0)
    plsc.subcore_barrier()

    pltpu.sync_copy(s_sh.at[pl.ds(s * rps, rps)],
                    sout_hbm.at[c, pl.ds(s * rps, rps)])
    pltpu.sync_copy(node_sh.at[pl.ds(s * rps, rps)],
                    nout_hbm.at[c, pl.ds(s * rps, rps)])


def _sc_scatter_call(dst, ealpha, ev, z16, z128):
    mesh = plsc.VectorSubcoreMesh(core_axis_name="c", subcore_axis_name="s")
    return pl.kernel(
        _sc_scatter_body,
        out_type=(jax.ShapeDtypeStruct((_NC, _NP, 16), _F32),
                  jax.ShapeDtypeStruct((_NC, _NP, _HID), _F32)),
        mesh=mesh,
        scratch_types=[
            pltpu.VMEM_SHARED((_NP, 16), _F32),
            pltpu.VMEM_SHARED((_NP, _HID), _F32),
            pltpu.VMEM((_CS,), jnp.int32),
            pltpu.VMEM((_CS, 16), _F32),
            pltpu.VMEM((_CS, _HID), _F32),
        ],
    )(dst, ealpha, ev, z16, z128)


def _sc_gather_body(src_hbm, dst_hbm, p_hbm, q_hbm, agg_hbm,
                    si_b, di_b, pr_b, qr_b, sem, sem2):
    c = lax.axis_index("c")
    s = lax.axis_index("s")
    wid = c * _NS + s
    e_total = src_hbm.shape[0]
    ept = e_total // _NW
    nch = ept // _CG

    def it(i, carry):
        base = wid * ept + i * _CG
        pltpu.sync_copy(src_hbm.at[pl.ds(base, _CG)], si_b)
        pltpu.sync_copy(dst_hbm.at[pl.ds(base, _CG)], di_b)
        cp1 = pltpu.async_copy(p_hbm.at[si_b], pr_b, sem)
        cp2 = pltpu.async_copy(q_hbm.at[di_b], qr_b, sem2)
        cp1.wait()
        cp2.wait()

        def add_row(e, cc):
            for h in range(_H):
                pr_b[e, pl.ds(h * _D, _D)] = (pr_b[e, pl.ds(h * _D, _D)] +
                                              qr_b[e, pl.ds(h * _D, _D)])
            return cc

        lax.fori_loop(0, _CG, add_row, 0)
        pltpu.sync_copy(pr_b, agg_hbm.at[pl.ds(base, _CG)])
        return carry

    lax.fori_loop(0, nch, it, 0)


def _sc_gather_call(src, dst, p, q):
    e = src.shape[0]
    mesh = plsc.VectorSubcoreMesh(core_axis_name="c", subcore_axis_name="s")
    return pl.kernel(
        _sc_gather_body,
        out_type=jax.ShapeDtypeStruct((e, _HID), _F32),
        mesh=mesh,
        scratch_types=[
            pltpu.VMEM((_CG,), jnp.int32),
            pltpu.VMEM((_CG,), jnp.int32),
            pltpu.VMEM((_CG, _HID), _F32),
            pltpu.VMEM((_CG, _HID), _F32),
            pltpu.SemaphoreType.DMA,
            pltpu.SemaphoreType.DMA,
        ],
    )(src, dst, p, q)



def kernel(edge_attr, edge_index, num_nodes, W_emb, b_emb, Wv, bv, Wq, bq,
           Wk, bk, Wo, bo, We, be, Wf1, bf1, Wf2, bf2):
    src = edge_index[0]
    dst = edge_index[1]

    rows = jnp.arange(_HID)
    sel = jnp.zeros((_HID, 16), _F32).at[rows, rows // _D].set(
        1.0 / math.sqrt(_D))
    bro = jnp.zeros((16, _HID), _F32).at[rows // _D, rows].set(1.0)

    ea8 = jnp.pad(edge_attr, ((0, 0), (0, 6)))
    wemb8 = jnp.pad(W_emb, ((0, 6), (0, 0)))

    z16 = jnp.zeros((_NP, 16), _F32)
    z128 = jnp.zeros((_NP, _HID), _F32)

    b2 = lambda b: b.reshape(1, -1)

    x = None
    for i in range(3):
        if i == 0:
            x, ev, ealpha = _emb_qkv_call(ea8, wemb8, b2(b_emb),
                                          Wq[0], b2(bq[0]), Wk[0], b2(bk[0]),
                                          Wv[0], b2(bv[0]), sel, bro)
        else:
            ev, ealpha = _qkv_call(x, Wq[i], b2(bq[i]), Wk[i], b2(bk[i]),
                                   Wv[i], b2(bv[i]), sel, bro)
        sparts, nparts = _sc_scatter_call(dst, ealpha, ev, z16, z128)
        p, q = _node_proj_call(nparts, sparts, bro, Wo[i], b2(bo[i]),
                               We[i][:_HID], We[i][_HID:], b2(be[i]))
        agg = _sc_gather_call(src, dst, p, q)
        x = _ffn_call(x, agg, Wf1[i], b2(bf1[i]), Wf2[i], b2(bf2[i]))
    return x

# --- scband reference (transcript-rebuilt; emitter-appended) ---
"""Pipeline reference for scband-greatencoder-83434034692197 (READ-ONLY COPY).

The authoritative reference and input builder live on the scoring server;
editing this copy changes nothing except your own understanding.
"""

import jax, jax.numpy as jnp
import numpy as np
import math

E = 320000
N_NODES = 10000
HID = 128
H = 8
D = HID // H
FF = 512
L = 3

def setup_inputs(seed: int = 0):
    key = jax.random.key(seed)
    ks = jax.random.split(key, 16)
    s = 0.05
    inp = {}
    inp["edge_attr"] = jax.random.normal(ks[0], (E, 2), jnp.float32)
    inp["edge_index"] = jax.random.randint(ks[1], (2, E), 0, N_NODES)
    inp["num_nodes"] = N_NODES
    inp["W_emb"] = jax.random.normal(ks[2], (2, HID), jnp.float32) * s
    inp["b_emb"] = jnp.zeros((HID,), jnp.float32)
    inp["Wv"] = jax.random.normal(ks[3], (L, HID, HID), jnp.float32) * s
    inp["bv"] = jnp.zeros((L, HID), jnp.float32)
    inp["Wq"] = jax.random.normal(ks[4], (L, HID, HID), jnp.float32) * s
    inp["bq"] = jnp.zeros((L, HID), jnp.float32)
    inp["Wk"] = jax.random.normal(ks[5], (L, HID, HID), jnp.float32) * s
    inp["bk"] = jnp.zeros((L, HID), jnp.float32)
    inp["Wo"] = jax.random.normal(ks[6], (L, HID, HID), jnp.float32) * s
    inp["bo"] = jnp.zeros((L, HID), jnp.float32)
    inp["We"] = jax.random.normal(ks[7], (L, 2 * HID, HID), jnp.float32) * s
    inp["be"] = jnp.zeros((L, HID), jnp.float32)
    inp["Wf1"] = jax.random.normal(ks[8], (L, HID, FF), jnp.float32) * s
    inp["bf1"] = jnp.zeros((L, FF), jnp.float32)
    inp["Wf2"] = jax.random.normal(ks[9], (L, FF, HID), jnp.float32) * s
    inp["bf2"] = jnp.zeros((L, HID), jnp.float32)
    return inp

def _segment_softmax(alpha, idx, num_segments):
    m = jax.ops.segment_max(alpha, idx, num_segments=num_segments)
    m = jnp.where(jnp.isfinite(m), m, 0.0)
    e = jnp.exp(alpha - m[idx])
    ssum = jax.ops.segment_sum(e, idx, num_segments=num_segments)
    return e / (ssum[idx] + 1e-16)

def reference(edge_attr, edge_index, num_nodes, W_emb, b_emb, Wv, bv, Wq, bq, Wk, bk, Wo, bo, We, be, Wf1, bf1, Wf2, bf2):
    src = edge_index[0]
    dst = edge_index[1] + (num_nodes - num_nodes)
    x = edge_attr @ W_emb + b_emb
    Ecur = x.shape[0]
    for i in range(L):
        # GREATLayer.message: per-edge Q/K/V, scatter-softmax over destination node
        v = (x @ Wv[i] + bv[i]).reshape(Ecur, H, D)
        q = (x @ Wq[i] + bq[i]).reshape(Ecur, H, D)
        k = (x @ Wk[i] + bk[i]).reshape(Ecur, H, D)
        alpha = jnp.sum(q * k, axis=-1) / math.sqrt(D)
        alpha = _segment_softmax(alpha, dst, N_NODES)
        msg = v * alpha[:, :, None]
        # aggregate (sum) messages to nodes, project
        node = jax.ops.segment_sum(msg, dst, num_segments=N_NODES).reshape(N_NODES, HID)
        node = node @ Wo[i] + bo[i]
        # edge update: concat endpoint node embeddings -> edge_o
        edge_agg = jnp.concatenate([node[src], node[dst]], axis=1) @ We[i] + be[i]
        # residual + feed-forward block (dropout=0 in eval)
        x = x + edge_agg
        x = x + jax.nn.relu(x @ Wf1[i] + bf1[i]) @ Wf2[i] + bf2[i]
    return x

if __name__ == "__main__":
    import jax
    _d = setup_inputs()
    print(jax.jit(kernel)(*tuple(_d.values())))

</pallas_src>

<mosaic_0001>
#map = affine_map<(d0, d1) -> (0)>
#map1 = affine_map<(d0, d1) -> (0, 0)>
module attributes {stable_mosaic.version = 14 : i64} {
  func.func @_sc_gather_body(%arg0: i32, %arg1: i32, %arg2: memref<320000xi32, #tpu.memory_space<hbm>>, %arg3: memref<320000xi32, #tpu.memory_space<hbm>>, %arg4: memref<10240x128xf32, #tpu.memory_space<hbm>>, %arg5: memref<10240x128xf32, #tpu.memory_space<hbm>>, %arg6: memref<320000x128xf32, #tpu.memory_space<hbm>>, %arg7: memref<200xi32, #tpu.memory_space<vmem>>, %arg8: memref<200xi32, #tpu.memory_space<vmem>>, %arg9: memref<200x128xf32, #tpu.memory_space<vmem>>, %arg10: memref<200x128xf32, #tpu.memory_space<vmem>>, %arg11: memref<!tpu.dma_semaphore, #tpu.memory_space<semaphore_mem>>, %arg12: memref<!tpu.dma_semaphore, #tpu.memory_space<semaphore_mem>>) attributes {dimension_semantics = [#tpu.dimension_semantics<core_parallel>, #tpu.dimension_semantics<subcore_parallel>], iteration_bounds = array<i64: 2, 16>, scalar_prefetch = 0 : i64, scratch_operands = 6 : i64, tpu.core_type = #tpu.core_type<sc_vector_subcore>, window_params = [{transform_indices = #map}, {transform_indices = #map}, {transform_indices = #map1}, {transform_indices = #map1}, {transform_indices = #map1}]} {
    %mul3A = arith.constant 16 : i32
    %mul3A_0 = arith.muli %arg0, %mul3A : i32
    %add3A = arith.addi %mul3A_0, %arg1 : i32
    %scan3A = arith.constant 0 : i32
    %scan3A_1 = arith.constant 0 : i32
    %scan3A_2 = arith.constant 50 : i32
    %scan3A_3 = arith.addi %scan3A_1, %scan3A_2 : i32
    %scan3A_4 = arith.constant 1 : i32
    scf.for %scan3A_6 = %scan3A_1 to %scan3A_3 step %scan3A_4  : i32 {
      %mul3A_7 = arith.constant 10000 : i32
      %mul3A_8 = arith.muli %add3A, %mul3A_7 : i32
      %mul3A_9 = arith.constant 200 : i32
      %mul3A_10 = arith.muli %scan3A_6, %mul3A_9 : i32
      %add3A_11 = arith.addi %mul3A_8, %mul3A_10 : i32
      "tpu.region"() ({
        %run_scoped3A = tpu.sem_alloc : memref<!tpu.dma_semaphore, #tpu.memory_space<semaphore_mem>>
        %dma_start3A_28 = tpu.memref_slice %arg2[%add3A_11] : memref<320000xi32, #tpu.memory_space<hbm>> -> memref<200xi32, #tpu.memory_space<hbm>>
        %dma_start3A_29 = tpu.memref_slice %arg2[%add3A_11] : memref<320000xi32, #tpu.memory_space<hbm>> -> memref<200xi32, #tpu.memory_space<hbm>>
        tpu.enqueue_dma source(%dma_start3A_29 : memref<200xi32, #tpu.memory_space<hbm>>) target(%arg7 : memref<200xi32, #tpu.memory_space<vmem>>) target_semaphore(%run_scoped3A : memref<!tpu.dma_semaphore, #tpu.memory_space<semaphore_mem>>)
        %dma_wait3A_30 = tpu.memref_slice %arg2[%add3A_11] : memref<320000xi32, #tpu.memory_space<hbm>> -> memref<200xi32, #tpu.memory_space<hbm>>
        %dma_wait3A_31 = tpu.memref_slice %arg2[%add3A_11] : memref<320000xi32, #tpu.memory_space<hbm>> -> memref<200xi32, #tpu.memory_space<hbm>>
        tpu.wait_dma2 semaphore(%run_scoped3A : memref<!tpu.dma_semaphore, #tpu.memory_space<semaphore_mem>>) src(%dma_wait3A_31 : memref<200xi32, #tpu.memory_space<hbm>>) dst(%arg7 : memref<200xi32, #tpu.memory_space<vmem>>)
        tpu.yield
      }) : () -> ()
      "tpu.region"() ({
        %run_scoped3A = tpu.sem_alloc : memref<!tpu.dma_semaphore, #tpu.memory_space<semaphore_mem>>
        %dma_start3A_28 = tpu.memref_slice %arg3[%add3A_11] : memref<320000xi32, #tpu.memory_space<hbm>> -> memref<200xi32, #tpu.memory_space<hbm>>
        %dma_start3A_29 = tpu.memref_slice %arg3[%add3A_11] : memref<320000xi32, #tpu.memory_space<hbm>> -> memref<200xi32, #tpu.memory_space<hbm>>
        tpu.enqueue_dma source(%dma_start3A_29 : memref<200xi32, #tpu.memory_space<hbm>>) target(%arg8 : memref<200xi32, #tpu.memory_space<vmem>>) target_semaphore(%run_scoped3A : memref<!tpu.dma_semaphore, #tpu.memory_space<semaphore_mem>>)
        %dma_wait3A_30 = tpu.memref_slice %arg3[%add3A_11] : memref<320000xi32, #tpu.memory_space<hbm>> -> memref<200xi32, #tpu.memory_space<hbm>>
        %dma_wait3A_31 = tpu.memref_slice %arg3[%add3A_11] : memref<320000xi32, #tpu.memory_space<hbm>> -> memref<200xi32, #tpu.memory_space<hbm>>
        tpu.wait_dma2 semaphore(%run_scoped3A : memref<!tpu.dma_semaphore, #tpu.memory_space<semaphore_mem>>) src(%dma_wait3A_31 : memref<200xi32, #tpu.memory_space<hbm>>) dst(%arg8 : memref<200xi32, #tpu.memory_space<vmem>>)
        tpu.yield
      }) : () -> ()
      %dma_start3A = arith.constant 0 : i32
      %dma_start3A_12 = arith.constant 0 : i32
      %dma_start3A_13 = tpu.memref_slice %arg4[%dma_start3A, %dma_start3A_12] : memref<10240x128xf32, #tpu.memory_space<hbm>> -> memref<10240x128xf32, #tpu.memory_space<hbm>>
      tpu.enqueue_indirect_dma source(%dma_start3A_13 : memref<10240x128xf32, #tpu.memory_space<hbm>>) target(%arg9 : memref<200x128xf32, #tpu.memory_space<vmem>>) offsets(%arg7 : memref<200xi32, #tpu.memory_space<vmem>>) semaphore(%arg11 : memref<!tpu.dma_semaphore, #tpu.memory_space<semaphore_mem>>)
      %dma_start3A_14 = arith.constant 0 : i32
      %dma_start3A_15 = arith.constant 0 : i32
      %dma_start3A_16 = tpu.memref_slice %arg5[%dma_start3A_14, %dma_start3A_15] : memref<10240x128xf32, #tpu.memory_space<hbm>> -> memref<10240x128xf32, #tpu.memory_space<hbm>>
      tpu.enqueue_indirect_dma source(%dma_start3A_16 : memref<10240x128xf32, #tpu.memory_space<hbm>>) target(%arg10 : memref<200x128xf32, #tpu.memory_space<vmem>>) offsets(%arg8 : memref<200xi32, #tpu.memory_space<vmem>>) semaphore(%arg12 : memref<!tpu.dma_semaphore, #tpu.memory_space<semaphore_mem>>)
      %dma_wait3A = arith.constant 0 : i32
      %dma_wait3A_17 = arith.constant 0 : i32
      %dma_wait3A_18 = tpu.memref_slice %arg4[%dma_wait3A, %dma_wait3A_17] : memref<10240x128xf32, #tpu.memory_space<hbm>> -> memref<10240x128xf32, #tpu.memory_space<hbm>>
      tpu.wait_indirect_dma semaphore(%arg11 : memref<!tpu.dma_semaphore, #tpu.memory_space<semaphore_mem>>) src(%dma_wait3A_18 : memref<10240x128xf32, #tpu.memory_space<hbm>>) dst(%arg9 : memref<200x128xf32, #tpu.memory_space<vmem>>)
      %dma_wait3A_19 = arith.constant 0 : i32
      %dma_wait3A_20 = arith.constant 0 : i32
      %dma_wait3A_21 = tpu.memref_slice %arg5[%dma_wait3A_19, %dma_wait3A_20] : memref<10240x128xf32, #tpu.memory_space<hbm>> -> memref<10240x128xf32, #tpu.memory_space<hbm>>
      tpu.wait_indirect_dma semaphore(%arg12 : memref<!tpu.dma_semaphore, #tpu.memory_space<semaphore_mem>>) src(%dma_wait3A_21 : memref<10240x128xf32, #tpu.memory_space<hbm>>) dst(%arg10 : memref<200x128xf32, #tpu.memory_space<vmem>>)
      %scan3A_22 = arith.constant 0 : i32
      %scan3A_23 = arith.constant 0 : i32
      %scan3A_24 = arith.constant 200 : i32
      %scan3A_25 = arith.addi %scan3A_23, %scan3A_24 : i32
      %scan3A_26 = arith.constant 1 : i32
      scf.for %scan3A_28 = %scan3A_23 to %scan3A_25 step %scan3A_26  : i32 {
        %get3A = arith.index_cast %scan3A_28 : i32 to index
        %get3A_29 = arith.constant 0 : index
        %get3A_30 = tpu.vector_load %arg9[%get3A, %get3A_29] {strides = array<i32>} : memref<200x128xf32, #tpu.memory_space<vmem>>, vector<1x16xf32>,
        %get3A_31 = vector.shape_cast %get3A_30 : vector<1x16xf32> to vector<16xf32>
        %get3A_32 = arith.index_cast %scan3A_28 : i32 to index
        %get3A_33 = arith.constant 0 : index
        %get3A_34 = tpu.vector_load %arg10[%get3A_32, %get3A_33] {strides = array<i32>} : memref<200x128xf32, #tpu.memory_space<vmem>>, vector<1x16xf32>,
        %get3A_35 = vector.shape_cast %get3A_34 : vector<1x16xf32> to vector<16xf32>
        %add3A_36 = arith.addf %get3A_31, %get3A_35 : vector<16xf32>
        %swap3A = arith.index_cast %scan3A_28 : i32 to index
        %swap3A_37 = arith.constant 0 : index
        %swap3A_38 = tpu.vector_load %arg9[%swap3A, %swap3A_37] {strides = array<i32>} : memref<200x128xf32, #tpu.memory_space<vmem>>, vector<1x16xf32>,
        %swap3A_39 = vector.shape_cast %swap3A_38 : vector<1x16xf32> to vector<16xf32>
        %swap3A_40 = vector.shape_cast %add3A_36 : vector<16xf32> to vector<1x16xf32>
        tpu.vector_store %arg9[%swap3A, %swap3A_37], %swap3A_40 {strides = array<i32>} : memref<200x128xf32, #tpu.memory_space<vmem>>, vector<1x16xf32>,
        %get3A_41 = arith.index_cast %scan3A_28 : i32 to index
        %get3A_42 = arith.constant 16 : index
        %get3A_43 = tpu.vector_load %arg9[%get3A_41, %get3A_42] {strides = array<i32>} : memref<200x128xf32, #tpu.memory_space<vmem>>, vector<1x16xf32>,
        %get3A_44 = vector.shape_cast %get3A_43 : vector<1x16xf32> to vector<16xf32>
        %get3A_45 = arith.index_cast %scan3A_28 : i32 to index
        %get3A_46 = arith.constant 16 : index
        %get3A_47 = tpu.vector_load %arg10[%get3A_45, %get3A_46] {strides = array<i32>} : memref<200x128xf32, #tpu.memory_space<vmem>>, vector<1x16xf32>,
        %get3A_48 = vector.shape_cast %get3A_47 : vector<1x16xf32> to vector<16xf32>
        %add3A_49 = arith.addf %get3A_44, %get3A_48 : vector<16xf32>
        %swap3A_50 = arith.index_cast %scan3A_28 : i32 to index
        %swap3A_51 = arith.constant 16 : index
        %swap3A_52 = tpu.vector_load %arg9[%swap3A_50, %swap3A_51] {strides = array<i32>} : memref<200x128xf32, #tpu.memory_space<vmem>>, vector<1x16xf32>,
        %swap3A_53 = vector.shape_cast %swap3A_52 : vector<1x16xf32> to vector<16xf32>
        %swap3A_54 = vector.shape_cast %add3A_49 : vector<16xf32> to vector<1x16xf32>
        tpu.vector_store %arg9[%swap3A_50, %swap3A_51], %swap3A_54 {strides = array<i32>} : memref<200x128xf32, #tpu.memory_space<vmem>>, vector<1x16xf32>,
        %get3A_55 = arith.index_cast %scan3A_28 : i32 to index
        %get3A_56 = arith.constant 32 : index
        %get3A_57 = tpu.vector_load %arg9[%get3A_55, %get3A_56] {strides = array<i32>} : memref<200x128xf32, #tpu.memory_space<vmem>>, vector<1x16xf32>,
        %get3A_58 = vector.shape_cast %get3A_57 : vector<1x16xf32> to vector<16xf32>
        %get3A_59 = arith.index_cast %scan3A_28 : i32 to index
        %get3A_60 = arith.constant 32 : index
        %get3A_61 = tpu.vector_load %arg10[%get3A_59, %get3A_60] {strides = array<i32>} : memref<200x128xf32, #tpu.memory_space<vmem>>, vector<1x16xf32>,
        %get3A_62 = vector.shape_cast %get3A_61 : vector<1x16xf32> to vector<16xf32>
        %add3A_63 = arith.addf %get3A_58, %get3A_62 : vector<16xf32>
        %swap3A_64 = arith.index_cast %scan3A_28 : i32 to index
        %swap3A_65 = arith.constant 32 : index
        %swap3A_66 = tpu.vector_load %arg9[%swap3A_64, %swap3A_65] {strides = array<i32>} : memref<200x128xf32, #tpu.memory_space<vmem>>, vector<1x16xf32>,
        %swap3A_67 = vector.shape_cast %swap3A_66 : vector<1x16xf32> to vector<16xf32>
        %swap3A_68 = vector.shape_cast %add3A_63 : vector<16xf32> to vector<1x16xf32>
        tpu.vector_store %arg9[%swap3A_64, %swap3A_65], %swap3A_68 {strides = array<i32>} : memref<200x128xf32, #tpu.memory_space<vmem>>, vector<1x16xf32>,
        %get3A_69 = arith.index_cast %scan3A_28 : i32 to index
        %get3A_70 = arith.constant 48 : index
        %get3A_71 = tpu.vector_load %arg9[%get3A_69, %get3A_70] {strides = array<i32>} : memref<200x128xf32, #tpu.memory_space<vmem>>, vector<1x16xf32>,
        %get3A_72 = vector.shape_cast %get3A_71 : vector<1x16xf32> to vector<16xf32>
        %get3A_73 = arith.index_cast %scan3A_28 : i32 to index
        %get3A_74 = arith.constant 48 : index
        %get3A_75 = tpu.vector_load %arg10[%get3A_73, %get3A_74] {strides = array<i32>} : memref<200x128xf32, #tpu.memory_space<vmem>>, vector<1x16xf32>,
        %get3A_76 = vector.shape_cast %get3A_75 : vector<1x16xf32> to vector<16xf32>
        %add3A_77 = arith.addf %get3A_72, %get3A_76 : vector<16xf32>
        %swap3A_78 = arith.index_cast %scan3A_28 : i32 to index
        %swap3A_79 = arith.constant 48 : index
        %swap3A_80 = tpu.vector_load %arg9[%swap3A_78, %swap3A_79] {strides = array<i32>} : memref<200x128xf32, #tpu.memory_space<vmem>>, vector<1x16xf32>,
        %swap3A_81 = vector.shape_cast %swap3A_80 : vector<1x16xf32> to vector<16xf32>
        %swap3A_82 = vector.shape_cast %add3A_77 : vector<16xf32> to vector<1x16xf32>
        tpu.vector_store %arg9[%swap3A_78, %swap3A_79], %swap3A_82 {strides = array<i32>} : memref<200x128xf32, #tpu.memory_space<vmem>>, vector<1x16xf32>,
        %get3A_83 = arith.index_cast %scan3A_28 : i32 to index
        %get3A_84 = arith.constant 64 : index
        %get3A_85 = tpu.vector_load %arg9[%get3A_83, %get3A_84] {strides = array<i32>} : memref<200x128xf32, #tpu.memory_space<vmem>>, vector<1x16xf32>,
        %get3A_86 = vector.shape_cast %get3A_85 : vector<1x16xf32> to vector<16xf32>
        %get3A_87 = arith.index_cast %scan3A_28 : i32 to index
        %get3A_88 = arith.constant 64 : index
        %get3A_89 = tpu.vector_load %arg10[%get3A_87, %get3A_88] {strides = array<i32>} : memref<200x128xf32, #tpu.memory_space<vmem>>, vector<1x16xf32>,
        %get3A_90 = vector.shape_cast %get3A_89 : vector<1x16xf32> to vector<16xf32>
        %add3A_91 = arith.addf %get3A_86, %get3A_90 : vector<16xf32>
        %swap3A_92 = arith.index_cast %scan3A_28 : i32 to index
        %swap3A_93 = arith.constant 64 : index
        %swap3A_94 = tpu.vector_load %arg9[%swap3A_92, %swap3A_93] {strides = array<i32>} : memref<200x128xf32, #tpu.memory_space<vmem>>, vector<1x16xf32>,
        %swap3A_95 = vector.shape_cast %swap3A_94 : vector<1x16xf32> to vector<16xf32>
        %swap3A_96 = vector.shape_cast %add3A_91 : vector<16xf32> to vector<1x16xf32>
        tpu.vector_store %arg9[%swap3A_92, %swap3A_93], %swap3A_96 {strides = array<i32>} : memref<200x128xf32, #tpu.memory_space<vmem>>, vector<1x16xf32>,
        %get3A_97 = arith.index_cast %scan3A_28 : i32 to index
        %get3A_98 = arith.constant 80 : index
        %get3A_99 = tpu.vector_load %arg9[%get3A_97, %get3A_98] {strides = array<i32>} : memref<200x128xf32, #tpu.memory_space<vmem>>, vector<1x16xf32>,
        %get3A_100 = vector.shape_cast %get3A_99 : vector<1x16xf32> to vector<16xf32>
        %get3A_101 = arith.index_cast %scan3A_28 : i32 to index
        %get3A_102 = arith.constant 80 : index
        %get3A_103 = tpu.vector_load %arg10[%get3A_101, %get3A_102] {strides = array<i32>} : memref<200x128xf32, #tpu.memory_space<vmem>>, vector<1x16xf32>,
        %get3A_104 = vector.shape_cast %get3A_103 : vector<1x16xf32> to vector<16xf32>
        %add3A_105 = arith.addf %get3A_100, %get3A_104 : vector<16xf32>
        %swap3A_106 = arith.index_cast %scan3A_28 : i32 to index
        %swap3A_107 = arith.constant 80 : index
        %swap3A_108 = tpu.vector_load %arg9[%swap3A_106, %swap3A_107] {strides = array<i32>} : memref<200x128xf32, #tpu.memory_space<vmem>>, vector<1x16xf32>,
        %swap3A_109 = vector.shape_cast %swap3A_108 : vector<1x16xf32> to vector<16xf32>
        %swap3A_110 = vector.shape_cast %add3A_105 : vector<16xf32> to vector<1x16xf32>
        tpu.vector_store %arg9[%swap3A_106, %swap3A_107], %swap3A_110 {strides = array<i32>} : memref<200x128xf32, #tpu.memory_space<vmem>>, vector<1x16xf32>,
        %get3A_111 = arith.index_cast %scan3A_28 : i32 to index
        %get3A_112 = arith.constant 96 : index
        %get3A_113 = tpu.vector_load %arg9[%get3A_111, %get3A_112] {strides = array<i32>} : memref<200x128xf32, #tpu.memory_space<vmem>>, vector<1x16xf32>,
        %get3A_114 = vector.shape_cast %get3A_113 : vector<1x16xf32> to vector<16xf32>
        %get3A_115 = arith.index_cast %scan3A_28 : i32 to index
        %get3A_116 = arith.constant 96 : index
        %get3A_117 = tpu.vector_load %arg10[%get3A_115, %get3A_116] {strides = array<i32>} : memref<200x128xf32, #tpu.memory_space<vmem>>, vector<1x16xf32>,
        %get3A_118 = vector.shape_cast %get3A_117 : vector<1x16xf32> to vector<16xf32>
        %add3A_119 = arith.addf %get3A_114, %get3A_118 : vector<16xf32>
        %swap3A_120 = arith.index_cast %scan3A_28 : i32 to index
        %swap3A_121 = arith.constant 96 : index
        %swap3A_122 = tpu.vector_load %arg9[%swap3A_120, %swap3A_121] {strides = array<i32>} : memref<200x128xf32, #tpu.memory_space<vmem>>, vector<1x16xf32>,
        %swap3A_123 = vector.shape_cast %swap3A_122 : vector<1x16xf32> to vector<16xf32>
        %swap3A_124 = vector.shape_cast %add3A_119 : vector<16xf32> to vector<1x16xf32>
        tpu.vector_store %arg9[%swap3A_120, %swap3A_121], %swap3A_124 {strides = array<i32>} : memref<200x128xf32, #tpu.memory_space<vmem>>, vector<1x16xf32>,
        %get3A_125 = arith.index_cast %scan3A_28 : i32 to index
        %get3A_126 = arith.constant 112 : index
        %get3A_127 = tpu.vector_load %arg9[%get3A_125, %get3A_126] {strides = array<i32>} : memref<200x128xf32, #tpu.memory_space<vmem>>, vector<1x16xf32>,
        %get3A_128 = vector.shape_cast %get3A_127 : vector<1x16xf32> to vector<16xf32>
        %get3A_129 = arith.index_cast %scan3A_28 : i32 to index
        %get3A_130 = arith.constant 112 : index
        %get3A_131 = tpu.vector_load %arg10[%get3A_129, %get3A_130] {strides = array<i32>} : memref<200x128xf32, #tpu.memory_space<vmem>>, vector<1x16xf32>,
        %get3A_132 = vector.shape_cast %get3A_131 : vector<1x16xf32> to vector<16xf32>
        %add3A_133 = arith.addf %get3A_128, %get3A_132 : vector<16xf32>
        %swap3A_134 = arith.index_cast %scan3A_28 : i32 to index
        %swap3A_135 = arith.constant 112 : index
        %swap3A_136 = tpu.vector_load %arg9[%swap3A_134, %swap3A_135] {strides = array<i32>} : memref<200x128xf32, #tpu.memory_space<vmem>>, vector<1x16xf32>,
        %swap3A_137 = vector.shape_cast %swap3A_136 : vector<1x16xf32> to vector<16xf32>
        %swap3A_138 = vector.shape_cast %add3A_133 : vector<16xf32> to vector<1x16xf32>
        tpu.vector_store %arg9[%swap3A_134, %swap3A_135], %swap3A_138 {strides = array<i32>} : memref<200x128xf32, #tpu.memory_space<vmem>>, vector<1x16xf32>,
      }
      %scan3A_27 = arith.constant 200 : i32
      "tpu.region"() ({
        %run_scoped3A = tpu.sem_alloc : memref<!tpu.dma_semaphore, #tpu.memory_space<semaphore_mem>>
        %dma_start3A_28 = arith.constant 0 : i32
        %dma_start3A_29 = tpu.memref_slice %arg6[%add3A_11, %dma_start3A_28] : memref<320000x128xf32, #tpu.memory_space<hbm>> -> memref<200x128xf32, #tpu.memory_space<hbm>>
        %dma_start3A_30 = arith.constant 0 : i32
        %dma_start3A_31 = tpu.memref_slice %arg6[%add3A_11, %dma_start3A_30] : memref<320000x128xf32, #tpu.memory_space<hbm>> -> memref<200x128xf32, #tpu.memory_space<hbm>>
        tpu.enqueue_dma source(%arg9 : memref<200x128xf32, #tpu.memory_space<vmem>>) target(%dma_start3A_31 : memref<200x128xf32, #tpu.memory_space<hbm>>) target_semaphore(%run_scoped3A : memref<!tpu.dma_semaphore, #tpu.memory_space<semaphore_mem>>)
        %dma_wait3A_32 = arith.constant 0 : i32
        %dma_wait3A_33 = tpu.memref_slice %arg6[%add3A_11, %dma_wait3A_32] : memref<320000x128xf32, #tpu.memory_space<hbm>> -> memref<200x128xf32, #tpu.memory_space<hbm>>
        %dma_wait3A_34 = arith.constant 0 : i32
        %dma_wait3A_35 = tpu.memref_slice %arg6[%add3A_11, %dma_wait3A_34] : memref<320000x128xf32, #tpu.memory_space<hbm>> -> memref<200x128xf32, #tpu.memory_space<hbm>>
        tpu.wait_dma2 semaphore(%run_scoped3A : memref<!tpu.dma_semaphore, #tpu.memory_space<semaphore_mem>>) src(%arg9 : memref<200x128xf32, #tpu.memory_space<vmem>>) dst(%dma_wait3A_35 : memref<200x128xf32, #tpu.memory_space<hbm>>)
        tpu.yield
      }) : () -> ()
    }
    %scan3A_5 = arith.constant 50 : i32
    return
  }
}

#map = affine_map<(d0, d1) -> (0)>
#map1 = affine_map<(d0, d1) -> (0, 0)>
module attributes {stable_mosaic.version = 14 : i64} {
  func.func @_sc_gather_body(%arg0: i32, %arg1: i32, %arg2: memref<320000xi32, #tpu.memory_space<hbm>>, %arg3: memref<320000xi32, #tpu.memory_space<hbm>>, %arg4: memref<10240x128xf32, #tpu.memory_space<hbm>>, %arg5: memref<10240x128xf32, #tpu.memory_space<hbm>>, %arg6: memref<320000x128xf32, #tpu.memory_space<hbm>>, %arg7: memref<200xi32, #tpu.memory_space<vmem>>, %arg8: memref<200xi32, #tpu.memory_space<vmem>>, %arg9: memref<200x128xf32, #tpu.memory_space<vmem>>, %arg10: memref<200x128xf32, #tpu.memory_space<vmem>>, %arg11: memref<!tpu.dma_semaphore, #tpu.memory_space<semaphore_mem>>, %arg12: memref<!tpu.dma_semaphore, #tpu.memory_space<semaphore_mem>>) attributes {dimension_semantics = [#tpu.dimension_semantics<core_parallel>, #tpu.dimension_semantics<subcore_parallel>], iteration_bounds = array<i64: 2, 16>, scalar_prefetch = 0 : i64, scratch_operands = 6 : i64, tpu.core_type = #tpu.core_type<sc_vector_subcore>, window_params = [{transform_indices = #map}, {transform_indices = #map}, {transform_indices = #map1}, {transform_indices = #map1}, {transform_indices = #map1}]} {
    %mul3A = arith.constant 16 : i32
    %mul3A_0 = arith.muli %arg0, %mul3A : i32
    %add3A = arith.addi %mul3A_0, %arg1 : i32
    %scan3A = arith.constant 0 : i32
    %scan3A_1 = arith.constant 0 : i32
    %scan3A_2 = arith.constant 50 : i32
    %scan3A_3 = arith.addi %scan3A_1, %scan3A_2 : i32
    %scan3A_4 = arith.constant 1 : i32
    scf.for %scan3A_6 = %scan3A_1 to %scan3A_3 step %scan3A_4  : i32 {
      %mul3A_7 = arith.constant 10000 : i32
      %mul3A_8 = arith.muli %add3A, %mul3A_7 : i32
      %mul3A_9 = arith.constant 200 : i32
      %mul3A_10 = arith.muli %scan3A_6, %mul3A_9 : i32
      %add3A_11 = arith.addi %mul3A_8, %mul3A_10 : i32
      "tpu.region"() ({
        %run_scoped3A = tpu.sem_alloc : memref<!tpu.dma_semaphore, #tpu.memory_space<semaphore_mem>>
        %dma_start3A_28 = tpu.memref_slice %arg2[%add3A_11] : memref<320000xi32, #tpu.memory_space<hbm>> -> memref<200xi32, #tpu.memory_space<hbm>>
        %dma_start3A_29 = tpu.memref_slice %arg2[%add3A_11] : memref<320000xi32, #tpu.memory_space<hbm>> -> memref<200xi32, #tpu.memory_space<hbm>>
        tpu.enqueue_dma source(%dma_start3A_29 : memref<200xi32, #tpu.memory_space<hbm>>) target(%arg7 : memref<200xi32, #tpu.memory_space<vmem>>) target_semaphore(%run_scoped3A : memref<!tpu.dma_semaphore, #tpu.memory_space<semaphore_mem>>)
        %dma_wait3A_30 = tpu.memref_slice %arg2[%add3A_11] : memref<320000xi32, #tpu.memory_space<hbm>> -> memref<200xi32, #tpu.memory_space<hbm>>
        %dma_wait3A_31 = tpu.memref_slice %arg2[%add3A_11] : memref<320000xi32, #tpu.memory_space<hbm>> -> memref<200xi32, #tpu.memory_space<hbm>>
        tpu.wait_dma2 semaphore(%run_scoped3A : memref<!tpu.dma_semaphore, #tpu.memory_space<semaphore_mem>>) src(%dma_wait3A_31 : memref<200xi32, #tpu.memory_space<hbm>>) dst(%arg7 : memref<200xi32, #tpu.memory_space<vmem>>)
        tpu.yield
      }) : () -> ()
      "tpu.region"() ({
        %run_scoped3A = tpu.sem_alloc : memref<!tpu.dma_semaphore, #tpu.memory_space<semaphore_mem>>
        %dma_start3A_28 = tpu.memref_slice %arg3[%add3A_11] : memref<320000xi32, #tpu.memory_space<hbm>> -> memref<200xi32, #tpu.memory_space<hbm>>
        %dma_start3A_29 = tpu.memref_slice %arg3[%add3A_11] : memref<320000xi32, #tpu.memory_space<hbm>> -> memref<200xi32, #tpu.memory_space<hbm>>
        tpu.enqueue_dma source(%dma_start3A_29 : memref<200xi32, #tpu.memory_space<hbm>>) target(%arg8 : memref<200xi32, #tpu.memory_space<vmem>>) target_semaphore(%run_scoped3A : memref<!tpu.dma_semaphore, #tpu.memory_space<semaphore_mem>>)
        %dma_wait3A_30 = tpu.memref_slice %arg3[%add3A_11] : memref<320000xi32, #tpu.memory_space<hbm>> -> memref<200xi32, #tpu.memory_space<hbm>>
        %dma_wait3A_31 = tpu.memref_slice %arg3[%add3A_11] : memref<320000xi32, #tpu.memory_space<hbm>> -> memref<200xi32, #tpu.memory_space<hbm>>
        tpu.wait_dma2 semaphore(%run_scoped3A : memref<!tpu.dma_semaphore, #tpu.memory_space<semaphore_mem>>) src(%dma_wait3A_31 : memref<200xi32, #tpu.memory_space<hbm>>) dst(%arg8 : memref<200xi32, #tpu.memory_space<vmem>>)
        tpu.yield
      }) : () -> ()
      %dma_start3A = arith.constant 0 : i32
      %dma_start3A_12 = arith.constant 0 : i32
      %dma_start3A_13 = tpu.memref_slice %arg4[%dma_start3A, %dma_start3A_12] : memref<10240x128xf32, #tpu.memory_space<hbm>> -> memref<10240x128xf32, #tpu.memory_space<hbm>>
      tpu.enqueue_indirect_dma source(%dma_start3A_13 : memref<10240x128xf32, #tpu.memory_space<hbm>>) target(%arg9 : memref<200x128xf32, #tpu.memory_space<vmem>>) offsets(%arg7 : memref<200xi32, #tpu.memory_space<vmem>>) semaphore(%arg11 : memref<!tpu.dma_semaphore, #tpu.memory_space<semaphore_mem>>)
      %dma_start3A_14 = arith.constant 0 : i32
      %dma_start3A_15 = arith.constant 0 : i32
      %dma_start3A_16 = tpu.memref_slice %arg5[%dma_start3A_14, %dma_start3A_15] : memref<10240x128xf32, #tpu.memory_space<hbm>> -> memref<10240x128xf32, #tpu.memory_space<hbm>>
      tpu.enqueue_indirect_dma source(%dma_start3A_16 : memref<10240x128xf32, #tpu.memory_space<hbm>>) target(%arg10 : memref<200x128xf32, #tpu.memory_space<vmem>>) offsets(%arg8 : memref<200xi32, #tpu.memory_space<vmem>>) semaphore(%arg12 : memref<!tpu.dma_semaphore, #tpu.memory_space<semaphore_mem>>)
      %dma_wait3A = arith.constant 0 : i32
      %dma_wait3A_17 = arith.constant 0 : i32
      %dma_wait3A_18 = tpu.memref_slice %arg4[%dma_wait3A, %dma_wait3A_17] : memref<10240x128xf32, #tpu.memory_space<hbm>> -> memref<10240x128xf32, #tpu.memory_space<hbm>>
      tpu.wait_indirect_dma semaphore(%arg11 : memref<!tpu.dma_semaphore, #tpu.memory_space<semaphore_mem>>) src(%dma_wait3A_18 : memref<10240x128xf32, #tpu.memory_space<hbm>>) dst(%arg9 : memref<200x128xf32, #tpu.memory_space<vmem>>)
      %dma_wait3A_19 = arith.constant 0 : i32
      %dma_wait3A_20 = arith.constant 0 : i32
      %dma_wait3A_21 = tpu.memref_slice %arg5[%dma_wait3A_19, %dma_wait3A_20] : memref<10240x128xf32, #tpu.memory_space<hbm>> -> memref<10240x128xf32, #tpu.memory_space<hbm>>
      tpu.wait_indirect_dma semaphore(%arg12 : memref<!tpu.dma_semaphore, #tpu.memory_space<semaphore_mem>>) src(%dma_wait3A_21 : memref<10240x128xf32, #tpu.memory_space<hbm>>) dst(%arg10 : memref<200x128xf32, #tpu.memory_space<vmem>>)
      %scan3A_22 = arith.constant 0 : i32
      %scan3A_23 = arith.constant 0 : i32
      %scan3A_24 = arith.constant 200 : i32
      %scan3A_25 = arith.addi %scan3A_23, %scan3A_24 : i32
      %scan3A_26 = arith.constant 1 : i32
      scf.for %scan3A_28 = %scan3A_23 to %scan3A_25 step %scan3A_26  : i32 {
        %get3A = arith.index_cast %scan3A_28 : i32 to index
        %get3A_29 = arith.constant 0 : index
        %get3A_30 = tpu.vector_load %arg9[%get3A, %get3A_29] {strides = array<i32>} : memref<200x128xf32, #tpu.memory_space<vmem>>, vector<1x16xf32>,
        %get3A_31 = vector.shape_cast %get3A_30 : vector<1x16xf32> to vector<16xf32>
        %get3A_32 = arith.index_cast %scan3A_28 : i32 to index
        %get3A_33 = arith.constant 0 : index
        %get3A_34 = tpu.vector_load %arg10[%get3A_32, %get3A_33] {strides = array<i32>} : memref<200x128xf32, #tpu.memory_space<vmem>>, vector<1x16xf32>,
        %get3A_35 = vector.shape_cast %get3A_34 : vector<1x16xf32> to vector<16xf32>
        %add3A_36 = arith.addf %get3A_31, %get3A_35 : vector<16xf32>
        %swap3A = arith.index_cast %scan3A_28 : i32 to index
        %swap3A_37 = arith.constant 0 : index
        %swap3A_38 = tpu.vector_load %arg9[%swap3A, %swap3A_37] {strides = array<i32>} : memref<200x128xf32, #tpu.memory_space<vmem>>, vector<1x16xf32>,
        %swap3A_39 = vector.shape_cast %swap3A_38 : vector<1x16xf32> to vector<16xf32>
        %swap3A_40 = vector.shape_cast %add3A_36 : vector<16xf32> to vector<1x16xf32>
        tpu.vector_store %arg9[%swap3A, %swap3A_37], %swap3A_40 {strides = array<i32>} : memref<200x128xf32, #tpu.memory_space<vmem>>, vector<1x16xf32>,
        %get3A_41 = arith.index_cast %scan3A_28 : i32 to index
        %get3A_42 = arith.constant 16 : index
        %get3A_43 = tpu.vector_load %arg9[%get3A_41, %get3A_42] {strides = array<i32>} : memref<200x128xf32, #tpu.memory_space<vmem>>, vector<1x16xf32>,
        %get3A_44 = vector.shape_cast %get3A_43 : vector<1x16xf32> to vector<16xf32>
        %get3A_45 = arith.index_cast %scan3A_28 : i32 to index
        %get3A_46 = arith.constant 16 : index
        %get3A_47 = tpu.vector_load %arg10[%get3A_45, %get3A_46] {strides = array<i32>} : memref<200x128xf32, #tpu.memory_space<vmem>>, vector<1x16xf32>,
        %get3A_48 = vector.shape_cast %get3A_47 : vector<1x16xf32> to vector<16xf32>
        %add3A_49 = arith.addf %get3A_44, %get3A_48 : vector<16xf32>
        %swap3A_50 = arith.index_cast %scan3A_28 : i32 to index
        %swap3A_51 = arith.constant 16 : index
        %swap3A_52 = tpu.vector_load %arg9[%swap3A_50, %swap3A_51] {strides = array<i32>} : memref<200x128xf32, #tpu.memory_space<vmem>>, vector<1x16xf32>,
        %swap3A_53 = vector.shape_cast %swap3A_52 : vector<1x16xf32> to vector<16xf32>
        %swap3A_54 = vector.shape_cast %add3A_49 : vector<16xf32> to vector<1x16xf32>
        tpu.vector_store %arg9[%swap3A_50, %swap3A_51], %swap3A_54 {strides = array<i32>} : memref<200x128xf32, #tpu.memory_space<vmem>>, vector<1x16xf32>,
        %get3A_55 = arith.index_cast %scan3A_28 : i32 to index
        %get3A_56 = arith.constant 32 : index
        %get3A_57 = tpu.vector_load %arg9[%get3A_55, %get3A_56] {strides = array<i32>} : memref<200x128xf32, #tpu.memory_space<vmem>>, vector<1x16xf32>,
        %get3A_58 = vector.shape_cast %get3A_57 : vector<1x16xf32> to vector<16xf32>
        %get3A_59 = arith.index_cast %scan3A_28 : i32 to index
        %get3A_60 = arith.constant 32 : index
        %get3A_61 = tpu.vector_load %arg10[%get3A_59, %get3A_60] {strides = array<i32>} : memref<200x128xf32, #tpu.memory_space<vmem>>, vector<1x16xf32>,
        %get3A_62 = vector.shape_cast %get3A_61 : vector<1x16xf32> to vector<16xf32>
        %add3A_63 = arith.addf %get3A_58, %get3A_62 : vector<16xf32>
        %swap3A_64 = arith.index_cast %scan3A_28 : i32 to index
        %swap3A_65 = arith.constant 32 : index
        %swap3A_66 = tpu.vector_load %arg9[%swap3A_64, %swap3A_65] {strides = array<i32>} : memref<200x128xf32, #tpu.memory_space<vmem>>, vector<1x16xf32>,
        %swap3A_67 = vector.shape_cast %swap3A_66 : vector<1x16xf32> to vector<16xf32>
        %swap3A_68 = vector.shape_cast %add3A_63 : vector<16xf32> to vector<1x16xf32>
        tpu.vector_store %arg9[%swap3A_64, %swap3A_65], %swap3A_68 {strides = array<i32>} : memref<200x128xf32, #tpu.memory_space<vmem>>, vector<1x16xf32>,
        %get3A_69 = arith.index_cast %scan3A_28 : i32 to index
        %get3A_70 = arith.constant 48 : index
        %get3A_71 = tpu.vector_load %arg9[%get3A_69, %get3A_70] {strides = array<i32>} : memref<200x128xf32, #tpu.memory_space<vmem>>, vector<1x16xf32>,
        %get3A_72 = vector.shape_cast %get3A_71 : vector<1x16xf32> to vector<16xf32>
        %get3A_73 = arith.index_cast %scan3A_28 : i32 to index
        %get3A_74 = arith.constant 48 : index
        %get3A_75 = tpu.vector_load %arg10[%get3A_73, %get3A_74] {strides = array<i32>} : memref<200x128xf32, #tpu.memory_space<vmem>>, vector<1x16xf32>,
        %get3A_76 = vector.shape_cast %get3A_75 : vector<1x16xf32> to vector<16xf32>
        %add3A_77 = arith.addf %get3A_72, %get3A_76 : vector<16xf32>
        %swap3A_78 = arith.index_cast %scan3A_28 : i32 to index
        %swap3A_79 = arith.constant 48 : index
        %swap3A_80 = tpu.vector_load %arg9[%swap3A_78, %swap3A_79] {strides = array<i32>} : memref<200x128xf32, #tpu.memory_space<vmem>>, vector<1x16xf32>,
        %swap3A_81 = vector.shape_cast %swap3A_80 : vector<1x16xf32> to vector<16xf32>
        %swap3A_82 = vector.shape_cast %add3A_77 : vector<16xf32> to vector<1x16xf32>
        tpu.vector_store %arg9[%swap3A_78, %swap3A_79], %swap3A_82 {strides = array<i32>} : memref<200x128xf32, #tpu.memory_space<vmem>>, vector<1x16xf32>,
        %get3A_83 = arith.index_cast %scan3A_28 : i32 to index
        %get3A_84 = arith.constant 64 : index
        %get3A_85 = tpu.vector_load %arg9[%get3A_83, %get3A_84] {strides = array<i32>} : memref<200x128xf32, #tpu.memory_space<vmem>>, vector<1x16xf32>,
        %get3A_86 = vector.shape_cast %get3A_85 : vector<1x16xf32> to vector<16xf32>
        %get3A_87 = arith.index_cast %scan3A_28 : i32 to index
        %get3A_88 = arith.constant 64 : index
        %get3A_89 = tpu.vector_load %arg10[%get3A_87, %get3A_88] {strides = array<i32>} : memref<200x128xf32, #tpu.memory_space<vmem>>, vector<1x16xf32>,
        %get3A_90 = vector.shape_cast %get3A_89 : vector<1x16xf32> to vector<16xf32>
        %add3A_91 = arith.addf %get3A_86, %get3A_90 : vector<16xf32>
        %swap3A_92 = arith.index_cast %scan3A_28 : i32 to index
        %swap3A_93 = arith.constant 64 : index
        %swap3A_94 = tpu.vector_load %arg9[%swap3A_92, %swap3A_93] {strides = array<i32>} : memref<200x128xf32, #tpu.memory_space<vmem>>, vector<1x16xf32>,
        %swap3A_95 = vector.shape_cast %swap3A_94 : vector<1x16xf32> to vector<16xf32>
        %swap3A_96 = vector.shape_cast %add3A_91 : vector<16xf32> to vector<1x16xf32>
        tpu.vector_store %arg9[%swap3A_92, %swap3A_93], %swap3A_96 {strides = array<i32>} : memref<200x128xf32, #tpu.memory_space<vmem>>, vector<1x16xf32>,
        %get3A_97 = arith.index_cast %scan3A_28 : i32 to index
        %get3A_98 = arith.constant 80 : index
        %get3A_99 = tpu.vector_load %arg9[%get3A_97, %get3A_98] {strides = array<i32>} : memref<200x128xf32, #tpu.memory_space<vmem>>, vector<1x16xf32>,
        %get3A_100 = vector.shape_cast %get3A_99 : vector<1x16xf32> to vector<16xf32>
        %get3A_101 = arith.index_cast %scan3A_28 : i32 to index
        %get3A_102 = arith.constant 80 : index
        %get3A_103 = tpu.vector_load %arg10[%get3A_101, %get3A_102] {strides = array<i32>} : memref<200x128xf32, #tpu.memory_space<vmem>>, vector<1x16xf32>,
        %get3A_104 = vector.shape_cast %get3A_103 : vector<1x16xf32> to vector<16xf32>
        %add3A_105 = arith.addf %get3A_100, %get3A_104 : vector<16xf32>
        %swap3A_106 = arith.index_cast %scan3A_28 : i32 to index
        %swap3A_107 = arith.constant 80 : index
        %swap3A_108 = tpu.vector_load %arg9[%swap3A_106, %swap3A_107] {strides = array<i32>} : memref<200x128xf32, #tpu.memory_space<vmem>>, vector<1x16xf32>,
        %swap3A_109 = vector.shape_cast %swap3A_108 : vector<1x16xf32> to vector<16xf32>
        %swap3A_110 = vector.shape_cast %add3A_105 : vector<16xf32> to vector<1x16xf32>
        tpu.vector_store %arg9[%swap3A_106, %swap3A_107], %swap3A_110 {strides = array<i32>} : memref<200x128xf32, #tpu.memory_space<vmem>>, vector<1x16xf32>,
        %get3A_111 = arith.index_cast %scan3A_28 : i32 to index
        %get3A_112 = arith.constant 96 : index
        %get3A_113 = tpu.vector_load %arg9[%get3A_111, %get3A_112] {strides = array<i32>} : memref<200x128xf32, #tpu.memory_space<vmem>>, vector<1x16xf32>,
        %get3A_114 = vector.shape_cast %get3A_113 : vector<1x16xf32> to vector<16xf32>
        %get3A_115 = arith.index_cast %scan3A_28 : i32 to index
        %get3A_116 = arith.constant 96 : index
        %get3A_117 = tpu.vector_load %arg10[%get3A_115, %get3A_116] {strides = array<i32>} : memref<200x128xf32, #tpu.memory_space<vmem>>, vector<1x16xf32>,
        %get3A_118 = vector.shape_cast %get3A_117 : vector<1x16xf32> to vector<16xf32>
        %add3A_119 = arith.addf %get3A_114, %get3A_118 : vector<16xf32>
        %swap3A_120 = arith.index_cast %scan3A_28 : i32 to index
        %swap3A_121 = arith.constant 96 : index
        %swap3A_122 = tpu.vector_load %arg9[%swap3A_120, %swap3A_121] {strides = array<i32>} : memref<200x128xf32, #tpu.memory_space<vmem>>, vector<1x16xf32>,
        %swap3A_123 = vector.shape_cast %swap3A_122 : vector<1x16xf32> to vector<16xf32>
        %swap3A_124 = vector.shape_cast %add3A_119 : vector<16xf32> to vector<1x16xf32>
        tpu.vector_store %arg9[%swap3A_120, %swap3A_121], %swap3A_124 {strides = array<i32>} : memref<200x128xf32, #tpu.memory_space<vmem>>, vector<1x16xf32>,
        %get3A_125 = arith.index_cast %scan3A_28 : i32 to index
        %get3A_126 = arith.constant 112 : index
        %get3A_127 = tpu.vector_load %arg9[%get3A_125, %get3A_126] {strides = array<i32>} : memref<200x128xf32, #tpu.memory_space<vmem>>, vector<1x16xf32>,
        %get3A_128 = vector.shape_cast %get3A_127 : vector<1x16xf32> to vector<16xf32>
        %get3A_129 = arith.index_cast %scan3A_28 : i32 to index
        %get3A_130 = arith.constant 112 : index
        %get3A_131 = tpu.vector_load %arg10[%get3A_129, %get3A_130] {strides = array<i32>} : memref<200x128xf32, #tpu.memory_space<vmem>>, vector<1x16xf32>,
        %get3A_132 = vector.shape_cast %get3A_131 : vector<1x16xf32> to vector<16xf32>
        %add3A_133 = arith.addf %get3A_128, %get3A_132 : vector<16xf32>
        %swap3A_134 = arith.index_cast %scan3A_28 : i32 to index
        %swap3A_135 = arith.constant 112 : index
        %swap3A_136 = tpu.vector_load %arg9[%swap3A_134, %swap3A_135] {strides = array<i32>} : memref<200x128xf32, #tpu.memory_space<vmem>>, vector<1x16xf32>,
        %swap3A_137 = vector.shape_cast %swap3A_136 : vector<1x16xf32> to vector<16xf32>
        %swap3A_138 = vector.shape_cast %add3A_133 : vector<16xf32> to vector<1x16xf32>
        tpu.vector_store %arg9[%swap3A_134, %swap3A_135], %swap3A_138 {strides = array<i32>} : memref<200x128xf32, #tpu.memory_space<vmem>>, vector<1x16xf32>,
      }
      %scan3A_27 = arith.constant 200 : i32
      "tpu.region"() ({
        %run_scoped3A = tpu.sem_alloc : memref<!tpu.dma_semaphore, #tpu.memory_space<semaphore_mem>>
        %dma_start3A_28 = arith.constant 0 : i32
        %dma_start3A_29 = tpu.memref_slice %arg6[%add3A_11, %dma_start3A_28] : memref<320000x128xf32, #tpu.memory_space<hbm>> -> memref<200x128xf32, #tpu.memory_space<hbm>>
        %dma_start3A_30 = arith.constant 0 : i32
        %dma_start3A_31 = tpu.memref_slice %arg6[%add3A_11, %dma_start3A_30] : memref<320000x128xf32, #tpu.memory_space<hbm>> -> memref<200x128xf32, #tpu.memory_space<hbm>>
        tpu.enqueue_dma source(%arg9 : memref<200x128xf32, #tpu.memory_space<vmem>>) target(%dma_start3A_31 : memref<200x128xf32, #tpu.memory_space<hbm>>) target_semaphore(%run_scoped3A : memref<!tpu.dma_semaphore, #tpu.memory_space<semaphore_mem>>)
        %dma_wait3A_32 = arith.constant 0 : i32
        %dma_wait3A_33 = tpu.memref_slice %arg6[%add3A_11, %dma_wait3A_32] : memref<320000x128xf32, #tpu.memory_space<hbm>> -> memref<200x128xf32, #tpu.memory_space<hbm>>
        %dma_wait3A_34 = arith.constant 0 : i32
        %dma_wait3A_35 = tpu.memref_slice %arg6[%add3A_11, %dma_wait3A_34] : memref<320000x128xf32, #tpu.memory_space<hbm>> -> memref<200x128xf32, #tpu.memory_space<hbm>>
        tpu.wait_dma2 semaphore(%run_scoped3A : memref<!tpu.dma_semaphore, #tpu.memory_space<semaphore_mem>>) src(%arg9 : memref<200x128xf32, #tpu.memory_space<vmem>>) dst(%dma_wait3A_35 : memref<200x128xf32, #tpu.memory_space<hbm>>)
        tpu.yield
      }) : () -> ()
    }
    %scan3A_5 = arith.constant 50 : i32
    return
  }
}

#map = affine_map<(d0, d1) -> (0)>
#map1 = affine_map<(d0, d1) -> (0, 0)>
#map2 = affine_map<(d0, d1) -> (0, 0, 0)>
module attributes {stable_mosaic.version = 14 : i64} {
  func.func @_sc_scatter_body(%arg0: i32, %arg1: i32, %arg2: memref<320000xi32, #tpu.memory_space<hbm>>, %arg3: memref<320000x16xf32, #tpu.memory_space<hbm>>, %arg4: memref<320000x128xf32, #tpu.memory_space<hbm>>, %arg5: memref<10240x16xf32, #tpu.memory_space<hbm>>, %arg6: memref<10240x128xf32, #tpu.memory_space<hbm>>, %arg7: memref<2x10240x16xf32, #tpu.memory_space<hbm>>, %arg8: memref<2x10240x128xf32, #tpu.memory_space<hbm>>, %arg9: memref<10240x16xf32, #tpu.memory_space<vmem_shared>>, %arg10: memref<10240x128xf32, #tpu.memory_space<vmem_shared>>, %arg11: memref<80xi32, #tpu.memory_space<vmem>>, %arg12: memref<80x16xf32, #tpu.memory_space<vmem>>, %arg13: memref<80x128xf32, #tpu.memory_space<vmem>>) attributes {dimension_semantics = [#tpu.dimension_semantics<core_parallel>, #tpu.dimension_semantics<subcore_parallel>], iteration_bounds = array<i64: 2, 16>, scalar_prefetch = 0 : i64, scratch_operands = 5 : i64, tpu.core_type = #tpu.core_type<sc_vector_subcore>, window_params = [{transform_indices = #map}, {transform_indices = #map1}, {transform_indices = #map1}, {transform_indices = #map1}, {transform_indices = #map1}, {transform_indices = #map2}, {transform_indices = #map2}]} {
    %mul3A = arith.constant 16 : i32
    %mul3A_0 = arith.muli %arg0, %mul3A : i32
    %add3A = arith.addi %mul3A_0, %arg1 : i32
    %mul3A_1 = arith.constant 640 : i32
    %mul3A_2 = arith.muli %arg1, %mul3A_1 : i32
    %mul3A_3 = arith.constant 640 : i32
    %mul3A_4 = arith.muli %arg1, %mul3A_3 : i32
    "tpu.region"() ({
      %run_scoped3A = tpu.sem_alloc : memref<!tpu.dma_semaphore, #tpu.memory_space<semaphore_mem>>
      %dma_start3A = arith.constant 0 : i32
      %dma_start3A_23 = tpu.memref_slice %arg9[%mul3A_4, %dma_start3A] : memref<10240x16xf32, #tpu.memory_space<vmem_shared>> -> memref<640x16xf32, #tpu.memory_space<vmem_shared>>
      %dma_start3A_24 = arith.constant 0 : i32
      %dma_start3A_25 = tpu.memref_slice %arg5[%mul3A_2, %dma_start3A_24] : memref<10240x16xf32, #tpu.memory_space<hbm>> -> memref<640x16xf32, #tpu.memory_space<hbm>>
      tpu.enqueue_dma source(%dma_start3A_25 : memref<640x16xf32, #tpu.memory_space<hbm>>) target(%dma_start3A_23 : memref<640x16xf32, #tpu.memory_space<vmem_shared>>) target_semaphore(%run_scoped3A : memref<!tpu.dma_semaphore, #tpu.memory_space<semaphore_mem>>)
      %dma_wait3A = arith.constant 0 : i32
      %dma_wait3A_26 = tpu.memref_slice %arg9[%mul3A_4, %dma_wait3A] : memref<10240x16xf32, #tpu.memory_space<vmem_shared>> -> memref<640x16xf32, #tpu.memory_space<vmem_shared>>
      %dma_wait3A_27 = arith.constant 0 : i32
      %dma_wait3A_28 = tpu.memref_slice %arg5[%mul3A_2, %dma_wait3A_27] : memref<10240x16xf32, #tpu.memory_space<hbm>> -> memref<640x16xf32, #tpu.memory_space<hbm>>
      tpu.wait_dma2 semaphore(%run_scoped3A : memref<!tpu.dma_semaphore, #tpu.memory_space<semaphore_mem>>) src(%dma_wait3A_28 : memref<640x16xf32, #tpu.memory_space<hbm>>) dst(%dma_wait3A_26 : memref<640x16xf32, #tpu.memory_space<vmem_shared>>)
      tpu.yield
    }) : () -> ()
    %mul3A_5 = arith.constant 640 : i32
    %mul3A_6 = arith.muli %arg1, %mul3A_5 : i32
    %mul3A_7 = arith.constant 640 : i32
    %mul3A_8 = arith.muli %arg1, %mul3A_7 : i32
    "tpu.region"() ({
      %run_scoped3A = tpu.sem_alloc : memref<!tpu.dma_semaphore, #tpu.memory_space<semaphore_mem>>
      %dma_start3A = arith.constant 0 : i32
      %dma_start3A_23 = tpu.memref_slice %arg10[%mul3A_8, %dma_start3A] : memref<10240x128xf32, #tpu.memory_space<vmem_shared>> -> memref<640x128xf32, #tpu.memory_space<vmem_shared>>
      %dma_start3A_24 = arith.constant 0 : i32
      %dma_start3A_25 = tpu.memref_slice %arg6[%mul3A_6, %dma_start3A_24] : memref<10240x128xf32, #tpu.memory_space<hbm>> -> memref<640x128xf32, #tpu.memory_space<hbm>>
      tpu.enqueue_dma source(%dma_start3A_25 : memref<640x128xf32, #tpu.memory_space<hbm>>) target(%dma_start3A_23 : memref<640x128xf32, #tpu.memory_space<vmem_shared>>) target_semaphore(%run_scoped3A : memref<!tpu.dma_semaphore, #tpu.memory_space<semaphore_mem>>)
      %dma_wait3A = arith.constant 0 : i32
      %dma_wait3A_26 = tpu.memref_slice %arg10[%mul3A_8, %dma_wait3A] : memref<10240x128xf32, #tpu.memory_space<vmem_shared>> -> memref<640x128xf32, #tpu.memory_space<vmem_shared>>
      %dma_wait3A_27 = arith.constant 0 : i32
      %dma_wait3A_28 = tpu.memref_slice %arg6[%mul3A_6, %dma_wait3A_27] : memref<10240x128xf32, #tpu.memory_space<hbm>> -> memref<640x128xf32, #tpu.memory_space<hbm>>
      tpu.wait_dma2 semaphore(%run_scoped3A : memref<!tpu.dma_semaphore, #tpu.memory_space<semaphore_mem>>) src(%dma_wait3A_28 : memref<640x128xf32, #tpu.memory_space<hbm>>) dst(%dma_wait3A_26 : memref<640x128xf32, #tpu.memory_space<vmem_shared>>)
      tpu.yield
    }) : () -> ()
    %barrier3A = arith.constant 0 : index
    tpu.barrier barrier_id(%barrier3A)
    %scan3A = arith.constant 0 : i32
    %scan3A_9 = arith.constant 0 : i32
    %scan3A_10 = arith.constant 125 : i32
    %scan3A_11 = arith.addi %scan3A_9, %scan3A_10 : i32
    %scan3A_12 = arith.constant 1 : i32
    scf.for %scan3A_23 = %scan3A_9 to %scan3A_11 step %scan3A_12  : i32 {
      %mul3A_24 = arith.constant 10000 : i32
      %mul3A_25 = arith.muli %add3A, %mul3A_24 : i32
      %mul3A_26 = arith.constant 80 : i32
      %mul3A_27 = arith.muli %scan3A_23, %mul3A_26 : i32
      %add3A_28 = arith.addi %mul3A_25, %mul3A_27 : i32
      "tpu.region"() ({
        %run_scoped3A = tpu.sem_alloc : memref<!tpu.dma_semaphore, #tpu.memory_space<semaphore_mem>>
        %dma_start3A = tpu.memref_slice %arg2[%add3A_28] : memref<320000xi32, #tpu.memory_space<hbm>> -> memref<80xi32, #tpu.memory_space<hbm>>
        %dma_start3A_29 = tpu.memref_slice %arg2[%add3A_28] : memref<320000xi32, #tpu.memory_space<hbm>> -> memref<80xi32, #tpu.memory_space<hbm>>
        tpu.enqueue_dma source(%dma_start3A_29 : memref<80xi32, #tpu.memory_space<hbm>>) target(%arg11 : memref<80xi32, #tpu.memory_space<vmem>>) target_semaphore(%run_scoped3A : memref<!tpu.dma_semaphore, #tpu.memory_space<semaphore_mem>>)
        %dma_wait3A = tpu.memref_slice %arg2[%add3A_28] : memref<320000xi32, #tpu.memory_space<hbm>> -> memref<80xi32, #tpu.memory_space<hbm>>
        %dma_wait3A_30 = tpu.memref_slice %arg2[%add3A_28] : memref<320000xi32, #tpu.memory_space<hbm>> -> memref<80xi32, #tpu.memory_space<hbm>>
        tpu.wait_dma2 semaphore(%run_scoped3A : memref<!tpu.dma_semaphore, #tpu.memory_space<semaphore_mem>>) src(%dma_wait3A_30 : memref<80xi32, #tpu.memory_space<hbm>>) dst(%arg11 : memref<80xi32, #tpu.memory_space<vmem>>)
        tpu.yield
      }) : () -> ()
      "tpu.region"() ({
        %run_scoped3A = tpu.sem_alloc : memref<!tpu.dma_semaphore, #tpu.memory_space<semaphore_mem>>
        %dma_start3A = arith.constant 0 : i32
        %dma_start3A_29 = tpu.memref_slice %arg3[%add3A_28, %dma_start3A] : memref<320000x16xf32, #tpu.memory_space<hbm>> -> memref<80x16xf32, #tpu.memory_space<hbm>>
        %dma_start3A_30 = arith.constant 0 : i32
        %dma_start3A_31 = tpu.memref_slice %arg3[%add3A_28, %dma_start3A_30] : memref<320000x16xf32, #tpu.memory_space<hbm>> -> memref<80x16xf32, #tpu.memory_space<hbm>>
        tpu.enqueue_dma source(%dma_start3A_31 : memref<80x16xf32, #tpu.memory_space<hbm>>) target(%arg12 : memref<80x16xf32, #tpu.memory_space<vmem>>) target_semaphore(%run_scoped3A : memref<!tpu.dma_semaphore, #tpu.memory_space<semaphore_mem>>)
        %dma_wait3A = arith.constant 0 : i32
        %dma_wait3A_32 = tpu.memref_slice %arg3[%add3A_28, %dma_wait3A] : memref<320000x16xf32, #tpu.memory_space<hbm>> -> memref<80x16xf32, #tpu.memory_space<hbm>>
        %dma_wait3A_33 = arith.constant 0 : i32
        %dma_wait3A_34 = tpu.memref_slice %arg3[%add3A_28, %dma_wait3A_33] : memref<320000x16xf32, #tpu.memory_space<hbm>> -> memref<80x16xf32, #tpu.memory_space<hbm>>
        tpu.wait_dma2 semaphore(%run_scoped3A : memref<!tpu.dma_semaphore, #tpu.memory_space<semaphore_mem>>) src(%dma_wait3A_34 : memref<80x16xf32, #tpu.memory_space<hbm>>) dst(%arg12 : memref<80x16xf32, #tpu.memory_space<vmem>>)
        tpu.yield
      }) : () -> ()
      "tpu.region"() ({
        %run_scoped3A = tpu.sem_alloc : memref<!tpu.dma_semaphore, #tpu.memory_space<semaphore_mem>>
        %dma_start3A = arith.constant 0 : i32
        %dma_start3A_29 = tpu.memref_slice %arg4[%add3A_28, %dma_start3A] : memref<320000x128xf32, #tpu.memory_space<hbm>> -> memref<80x128xf32, #tpu.memory_space<hbm>>
        %dma_start3A_30 = arith.constant 0 : i32
        %dma_start3A_31 = tpu.memref_slice %arg4[%add3A_28, %dma_start3A_30] : memref<320000x128xf32, #tpu.memory_space<hbm>> -> memref<80x128xf32, #tpu.memory_space<hbm>>
        tpu.enqueue_dma source(%dma_start3A_31 : memref<80x128xf32, #tpu.memory_space<hbm>>) target(%arg13 : memref<80x128xf32, #tpu.memory_space<vmem>>) target_semaphore(%run_scoped3A : memref<!tpu.dma_semaphore, #tpu.memory_space<semaphore_mem>>)
        %dma_wait3A = arith.constant 0 : i32
        %dma_wait3A_32 = tpu.memref_slice %arg4[%add3A_28, %dma_wait3A] : memref<320000x128xf32, #tpu.memory_space<hbm>> -> memref<80x128xf32, #tpu.memory_space<hbm>>
        %dma_wait3A_33 = arith.constant 0 : i32
        %dma_wait3A_34 = tpu.memref_slice %arg4[%add3A_28, %dma_wait3A_33] : memref<320000x128xf32, #tpu.memory_space<hbm>> -> memref<80x128xf32, #tpu.memory_space<hbm>>
        tpu.wait_dma2 semaphore(%run_scoped3A : memref<!tpu.dma_semaphore, #tpu.memory_space<semaphore_mem>>) src(%dma_wait3A_34 : memref<80x128xf32, #tpu.memory_space<hbm>>) dst(%arg13 : memref<80x128xf32, #tpu.memory_space<vmem>>)
        tpu.yield
      }) : () -> ()
      "tpu.region"() ({
        %run_scoped3A = tpu.sem_alloc : memref<!tpu.dma_semaphore, #tpu.memory_space<semaphore_mem>>
        %dma_start3A = arith.constant 0 : i32
        %dma_start3A_29 = arith.constant 0 : i32
        %dma_start3A_30 = tpu.memref_slice %arg9[%dma_start3A, %dma_start3A_29] : memref<10240x16xf32, #tpu.memory_space<vmem_shared>> -> memref<10240x16xf32, #tpu.memory_space<vmem_shared>>
        tpu.enqueue_indirect_dma source(%arg12 : memref<80x16xf32, #tpu.memory_space<vmem>>) target(%dma_start3A_30 : memref<10240x16xf32, #tpu.memory_space<vmem_shared>>) offsets(%arg11 : memref<80xi32, #tpu.memory_space<vmem>>) semaphore(%run_scoped3A : memref<!tpu.dma_semaphore, #tpu.memory_space<semaphore_mem>>) {add = true}
        %dma_wait3A = arith.constant 0 : i32
        %dma_wait3A_31 = arith.constant 0 : i32
        %dma_wait3A_32 = tpu.memref_slice %arg9[%dma_wait3A, %dma_wait3A_31] : memref<10240x16xf32, #tpu.memory_space<vmem_shared>> -> memref<10240x16xf32, #tpu.memory_space<vmem_shared>>
        tpu.wait_indirect_dma semaphore(%run_scoped3A : memref<!tpu.dma_semaphore, #tpu.memory_space<semaphore_mem>>) src(%arg12 : memref<80x16xf32, #tpu.memory_space<vmem>>) dst(%dma_wait3A_32 : memref<10240x16xf32, #tpu.memory_space<vmem_shared>>)
        tpu.yield
      }) : () -> ()
      "tpu.region"() ({
        %run_scoped3A = tpu.sem_alloc : memref<!tpu.dma_semaphore, #tpu.memory_space<semaphore_mem>>
        %dma_start3A = arith.constant 0 : i32
        %dma_start3A_29 = arith.constant 0 : i32
        %dma_start3A_30 = tpu.memref_slice %arg10[%dma_start3A, %dma_start3A_29] : memref<10240x128xf32, #tpu.memory_space<vmem_shared>> -> memref<10240x128xf32, #tpu.memory_space<vmem_shared>>
        tpu.enqueue_indirect_dma source(%arg13 : memref<80x128xf32, #tpu.memory_space<vmem>>) target(%dma_start3A_30 : memref<10240x128xf32, #tpu.memory_space<vmem_shared>>) offsets(%arg11 : memref<80xi32, #tpu.memory_space<vmem>>) semaphore(%run_scoped3A : memref<!tpu.dma_semaphore, #tpu.memory_space<semaphore_mem>>) {add = true}
        %dma_wait3A = arith.constant 0 : i32
        %dma_wait3A_31 = arith.constant 0 : i32
        %dma_wait3A_32 = tpu.memref_slice %arg10[%dma_wait3A, %dma_wait3A_31] : memref<10240x128xf32, #tpu.memory_space<vmem_shared>> -> memref<10240x128xf32, #tpu.memory_space<vmem_shared>>
        tpu.wait_indirect_dma semaphore(%run_scoped3A : memref<!tpu.dma_semaphore, #tpu.memory_space<semaphore_mem>>) src(%arg13 : memref<80x128xf32, #tpu.memory_space<vmem>>) dst(%dma_wait3A_32 : memref<10240x128xf32, #tpu.memory_space<vmem_shared>>)
        tpu.yield
      }) : () -> ()
    }
    %scan3A_13 = arith.constant 125 : i32
    %barrier3A_14 = arith.constant 0 : index
    tpu.barrier barrier_id(%barrier3A_14)
    %mul3A_15 = arith.constant 640 : i32
    %mul3A_16 = arith.muli %arg1, %mul3A_15 : i32
    %mul3A_17 = arith.constant 640 : i32
    %mul3A_18 = arith.muli %arg1, %mul3A_17 : i32
    "tpu.region"() ({
      %run_scoped3A = tpu.sem_alloc : memref<!tpu.dma_semaphore, #tpu.memory_space<semaphore_mem>>
      %dma_start3A = arith.constant 0 : i32
      %dma_start3A_23 = tpu.memref_slice %arg7[%arg0, %mul3A_18, %dma_start3A] : memref<2x10240x16xf32, #tpu.memory_space<hbm>> -> memref<1x640x16xf32, #tpu.memory_space<hbm>>
      %dma_start3A_24 = tpu.memref_squeeze %dma_start3A_23 : memref<1x640x16xf32, #tpu.memory_space<hbm>> -> memref<640x16xf32, #tpu.memory_space<hbm>>
      %dma_start3A_25 = arith.constant 0 : i32
      %dma_start3A_26 = tpu.memref_slice %arg9[%mul3A_16, %dma_start3A_25] : memref<10240x16xf32, #tpu.memory_space<vmem_shared>> -> memref<640x16xf32, #tpu.memory_space<vmem_shared>>
      tpu.enqueue_dma source(%dma_start3A_26 : memref<640x16xf32, #tpu.memory_space<vmem_shared>>) target(%dma_start3A_24 : memref<640x16xf32, #tpu.memory_space<hbm>>) target_semaphore(%run_scoped3A : memref<!tpu.dma_semaphore, #tpu.memory_space<semaphore_mem>>)
      %dma_wait3A = arith.constant 0 : i32
      %dma_wait3A_27 = tpu.memref_slice %arg7[%arg0, %mul3A_18, %dma_wait3A] : memref<2x10240x16xf32, #tpu.memory_space<hbm>> -> memref<1x640x16xf32, #tpu.memory_space<hbm>>
      %dma_wait3A_28 = tpu.memref_squeeze %dma_wait3A_27 : memref<1x640x16xf32, #tpu.memory_space<hbm>> -> memref<640x16xf32, #tpu.memory_space<hbm>>
      %dma_wait3A_29 = arith.constant 0 : i32
      %dma_wait3A_30 = tpu.memref_slice %arg9[%mul3A_16, %dma_wait3A_29] : memref<10240x16xf32, #tpu.memory_space<vmem_shared>> -> memref<640x16xf32, #tpu.memory_space<vmem_shared>>
      tpu.wait_dma2 semaphore(%run_scoped3A : memref<!tpu.dma_semaphore, #tpu.memory_space<semaphore_mem>>) src(%dma_wait3A_30 : memref<640x16xf32, #tpu.memory_space<vmem_shared>>) dst(%dma_wait3A_28 : memref<640x16xf32, #tpu.memory_space<hbm>>)
      tpu.yield
    }) : () -> ()
    %mul3A_19 = arith.constant 640 : i32
    %mul3A_20 = arith.muli %arg1, %mul3A_19 : i32
    %mul3A_21 = arith.constant 640 : i32
    %mul3A_22 = arith.muli %arg1, %mul3A_21 : i32
    "tpu.region"() ({
      %run_scoped3A = tpu.sem_alloc : memref<!tpu.dma_semaphore, #tpu.memory_space<semaphore_mem>>
      %dma_start3A = arith.constant 0 : i32
      %dma_start3A_23 = tpu.memref_slice %arg8[%arg0, %mul3A_22, %dma_start3A] : memref<2x10240x128xf32, #tpu.memory_space<hbm>> -> memref<1x640x128xf32, #tpu.memory_space<hbm>>
      %dma_start3A_24 = tpu.memref_squeeze %dma_start3A_23 : memref<1x640x128xf32, #tpu.memory_space<hbm>> -> memref<640x128xf32, #tpu.memory_space<hbm>>
      %dma_start3A_25 = arith.constant 0 : i32
      %dma_start3A_26 = tpu.memref_slice %arg10[%mul3A_20, %dma_start3A_25] : memref<10240x128xf32, #tpu.memory_space<vmem_shared>> -> memref<640x128xf32, #tpu.memory_space<vmem_shared>>
      tpu.enqueue_dma source(%dma_start3A_26 : memref<640x128xf32, #tpu.memory_space<vmem_shared>>) target(%dma_start3A_24 : memref<640x128xf32, #tpu.memory_space<hbm>>) target_semaphore(%run_scoped3A : memref<!tpu.dma_semaphore, #tpu.memory_space<semaphore_mem>>)
      %dma_wait3A = arith.constant 0 : i32
      %dma_wait3A_27 = tpu.memref_slice %arg8[%arg0, %mul3A_22, %dma_wait3A] : memref<2x10240x128xf32, #tpu.memory_space<hbm>> -> memref<1x640x128xf32, #tpu.memory_space<hbm>>
      %dma_wait3A_28 = tpu.memref_squeeze %dma_wait3A_27 : memref<1x640x128xf32, #tpu.memory_space<hbm>> -> memref<640x128xf32, #tpu.memory_space<hbm>>
      %dma_wait3A_29 = arith.constant 0 : i32
      %dma_wait3A_30 = tpu.memref_slice %arg10[%mul3A_20, %dma_wait3A_29] : memref<10240x128xf32, #tpu.memory_space<vmem_shared>> -> memref<640x128xf32, #tpu.memory_space<vmem_shared>>
      tpu.wait_dma2 semaphore(%run_scoped3A : memref<!tpu.dma_semaphore, #tpu.memory_space<semaphore_mem>>) src(%dma_wait3A_30 : memref<640x128xf32, #tpu.memory_space<vmem_shared>>) dst(%dma_wait3A_28 : memref<640x128xf32, #tpu.memory_space<hbm>>)
      tpu.yield
    }) : () -> ()
    return
  }
}

#map = affine_map<(d0, d1) -> (0)>
#map1 = affine_map<(d0, d1) -> (0, 0)>
#map2 = affine_map<(d0, d1) -> (0, 0, 0)>
module attributes {stable_mosaic.version = 14 : i64} {
  func.func @_sc_scatter_body(%arg0: i32, %arg1: i32, %arg2: memref<320000xi32, #tpu.memory_space<hbm>>, %arg3: memref<320000x16xf32, #tpu.memory_space<hbm>>, %arg4: memref<320000x128xf32, #tpu.memory_space<hbm>>, %arg5: memref<10240x16xf32, #tpu.memory_space<hbm>>, %arg6: memref<10240x128xf32, #tpu.memory_space<hbm>>, %arg7: memref<2x10240x16xf32, #tpu.memory_space<hbm>>, %arg8: memref<2x10240x128xf32, #tpu.memory_space<hbm>>, %arg9: memref<10240x16xf32, #tpu.memory_space<vmem_shared>>, %arg10: memref<10240x128xf32, #tpu.memory_space<vmem_shared>>, %arg11: memref<80xi32, #tpu.memory_space<vmem>>, %arg12: memref<80x16xf32, #tpu.memory_space<vmem>>, %arg13: memref<80x128xf32, #tpu.memory_space<vmem>>) attributes {dimension_semantics = [#tpu.dimension_semantics<core_parallel>, #tpu.dimension_semantics<subcore_parallel>], iteration_bounds = array<i64: 2, 16>, scalar_prefetch = 0 : i64, scratch_operands = 5 : i64, tpu.core_type = #tpu.core_type<sc_vector_subcore>, window_params = [{transform_indices = #map}, {transform_indices = #map1}, {transform_indices = #map1}, {transform_indices = #map1}, {transform_indices = #map1}, {transform_indices = #map2}, {transform_indices = #map2}]} {
    %mul3A = arith.constant 16 : i32
    %mul3A_0 = arith.muli %arg0, %mul3A : i32
    %add3A = arith.addi %mul3A_0, %arg1 : i32
    %mul3A_1 = arith.constant 640 : i32
    %mul3A_2 = arith.muli %arg1, %mul3A_1 : i32
    %mul3A_3 = arith.constant 640 : i32
    %mul3A_4 = arith.muli %arg1, %mul3A_3 : i32
    "tpu.region"() ({
      %run_scoped3A = tpu.sem_alloc : memref<!tpu.dma_semaphore, #tpu.memory_space<semaphore_mem>>
      %dma_start3A = arith.constant 0 : i32
      %dma_start3A_23 = tpu.memref_slice %arg9[%mul3A_4, %dma_start3A] : memref<10240x16xf32, #tpu.memory_space<vmem_shared>> -> memref<640x16xf32, #tpu.memory_space<vmem_shared>>
      %dma_start3A_24 = arith.constant 0 : i32
      %dma_start3A_25 = tpu.memref_slice %arg5[%mul3A_2, %dma_start3A_24] : memref<10240x16xf32, #tpu.memory_space<hbm>> -> memref<640x16xf32, #tpu.memory_space<hbm>>
      tpu.enqueue_dma source(%dma_start3A_25 : memref<640x16xf32, #tpu.memory_space<hbm>>) target(%dma_start3A_23 : memref<640x16xf32, #tpu.memory_space<vmem_shared>>) target_semaphore(%run_scoped3A : memref<!tpu.dma_semaphore, #tpu.memory_space<semaphore_mem>>)
      %dma_wait3A = arith.constant 0 : i32
      %dma_wait3A_26 = tpu.memref_slice %arg9[%mul3A_4, %dma_wait3A] : memref<10240x16xf32, #tpu.memory_space<vmem_shared>> -> memref<640x16xf32, #tpu.memory_space<vmem_shared>>
      %dma_wait3A_27 = arith.constant 0 : i32
      %dma_wait3A_28 = tpu.memref_slice %arg5[%mul3A_2, %dma_wait3A_27] : memref<10240x16xf32, #tpu.memory_space<hbm>> -> memref<640x16xf32, #tpu.memory_space<hbm>>
      tpu.wait_dma2 semaphore(%run_scoped3A : memref<!tpu.dma_semaphore, #tpu.memory_space<semaphore_mem>>) src(%dma_wait3A_28 : memref<640x16xf32, #tpu.memory_space<hbm>>) dst(%dma_wait3A_26 : memref<640x16xf32, #tpu.memory_space<vmem_shared>>)
      tpu.yield
    }) : () -> ()
    %mul3A_5 = arith.constant 640 : i32
    %mul3A_6 = arith.muli %arg1, %mul3A_5 : i32
    %mul3A_7 = arith.constant 640 : i32
    %mul3A_8 = arith.muli %arg1, %mul3A_7 : i32
    "tpu.region"() ({
      %run_scoped3A = tpu.sem_alloc : memref<!tpu.dma_semaphore, #tpu.memory_space<semaphore_mem>>
      %dma_start3A = arith.constant 0 : i32
      %dma_start3A_23 = tpu.memref_slice %arg10[%mul3A_8, %dma_start3A] : memref<10240x128xf32, #tpu.memory_space<vmem_shared>> -> memref<640x128xf32, #tpu.memory_space<vmem_shared>>
      %dma_start3A_24 = arith.constant 0 : i32
      %dma_start3A_25 = tpu.memref_slice %arg6[%mul3A_6, %dma_start3A_24] : memref<10240x128xf32, #tpu.memory_space<hbm>> -> memref<640x128xf32, #tpu.memory_space<hbm>>
      tpu.enqueue_dma source(%dma_start3A_25 : memref<640x128xf32, #tpu.memory_space<hbm>>) target(%dma_start3A_23 : memref<640x128xf32, #tpu.memory_space<vmem_shared>>) target_semaphore(%run_scoped3A : memref<!tpu.dma_semaphore, #tpu.memory_space<semaphore_mem>>)
      %dma_wait3A = arith.constant 0 : i32
      %dma_wait3A_26 = tpu.memref_slice %arg10[%mul3A_8, %dma_wait3A] : memref<10240x128xf32, #tpu.memory_space<vmem_shared>> -> memref<640x128xf32, #tpu.memory_space<vmem_shared>>
      %dma_wait3A_27 = arith.constant 0 : i32
      %dma_wait3A_28 = tpu.memref_slice %arg6[%mul3A_6, %dma_wait3A_27] : memref<10240x128xf32, #tpu.memory_space<hbm>> -> memref<640x128xf32, #tpu.memory_space<hbm>>
      tpu.wait_dma2 semaphore(%run_scoped3A : memref<!tpu.dma_semaphore, #tpu.memory_space<semaphore_mem>>) src(%dma_wait3A_28 : memref<640x128xf32, #tpu.memory_space<hbm>>) dst(%dma_wait3A_26 : memref<640x128xf32, #tpu.memory_space<vmem_shared>>)
      tpu.yield
    }) : () -> ()
    %barrier3A = arith.constant 0 : index
    tpu.barrier barrier_id(%barrier3A)
    %scan3A = arith.constant 0 : i32
    %scan3A_9 = arith.constant 0 : i32
    %scan3A_10 = arith.constant 125 : i32
    %scan3A_11 = arith.addi %scan3A_9, %scan3A_10 : i32
    %scan3A_12 = arith.constant 1 : i32
    scf.for %scan3A_23 = %scan3A_9 to %scan3A_11 step %scan3A_12  : i32 {
      %mul3A_24 = arith.constant 10000 : i32
      %mul3A_25 = arith.muli %add3A, %mul3A_24 : i32
      %mul3A_26 = arith.constant 80 : i32
      %mul3A_27 = arith.muli %scan3A_23, %mul3A_26 : i32
      %add3A_28 = arith.addi %mul3A_25, %mul3A_27 : i32
      "tpu.region"() ({
        %run_scoped3A = tpu.sem_alloc : memref<!tpu.dma_semaphore, #tpu.memory_space<semaphore_mem>>
        %dma_start3A = tpu.memref_slice %arg2[%add3A_28] : memref<320000xi32, #tpu.memory_space<hbm>> -> memref<80xi32, #tpu.memory_space<hbm>>
        %dma_start3A_29 = tpu.memref_slice %arg2[%add3A_28] : memref<320000xi32, #tpu.memory_space<hbm>> -> memref<80xi32, #tpu.memory_space<hbm>>
        tpu.enqueue_dma source(%dma_start3A_29 : memref<80xi32, #tpu.memory_space<hbm>>) target(%arg11 : memref<80xi32, #tpu.memory_space<vmem>>) target_semaphore(%run_scoped3A : memref<!tpu.dma_semaphore, #tpu.memory_space<semaphore_mem>>)
        %dma_wait3A = tpu.memref_slice %arg2[%add3A_28] : memref<320000xi32, #tpu.memory_space<hbm>> -> memref<80xi32, #tpu.memory_space<hbm>>
        %dma_wait3A_30 = tpu.memref_slice %arg2[%add3A_28] : memref<320000xi32, #tpu.memory_space<hbm>> -> memref<80xi32, #tpu.memory_space<hbm>>
        tpu.wait_dma2 semaphore(%run_scoped3A : memref<!tpu.dma_semaphore, #tpu.memory_space<semaphore_mem>>) src(%dma_wait3A_30 : memref<80xi32, #tpu.memory_space<hbm>>) dst(%arg11 : memref<80xi32, #tpu.memory_space<vmem>>)
        tpu.yield
      }) : () -> ()
      "tpu.region"() ({
        %run_scoped3A = tpu.sem_alloc : memref<!tpu.dma_semaphore, #tpu.memory_space<semaphore_mem>>
        %dma_start3A = arith.constant 0 : i32
        %dma_start3A_29 = tpu.memref_slice %arg3[%add3A_28, %dma_start3A] : memref<320000x16xf32, #tpu.memory_space<hbm>> -> memref<80x16xf32, #tpu.memory_space<hbm>>
        %dma_start3A_30 = arith.constant 0 : i32
        %dma_start3A_31 = tpu.memref_slice %arg3[%add3A_28, %dma_start3A_30] : memref<320000x16xf32, #tpu.memory_space<hbm>> -> memref<80x16xf32, #tpu.memory_space<hbm>>
        tpu.enqueue_dma source(%dma_start3A_31 : memref<80x16xf32, #tpu.memory_space<hbm>>) target(%arg12 : memref<80x16xf32, #tpu.memory_space<vmem>>) target_semaphore(%run_scoped3A : memref<!tpu.dma_semaphore, #tpu.memory_space<semaphore_mem>>)
        %dma_wait3A = arith.constant 0 : i32
        %dma_wait3A_32 = tpu.memref_slice %arg3[%add3A_28, %dma_wait3A] : memref<320000x16xf32, #tpu.memory_space<hbm>> -> memref<80x16xf32, #tpu.memory_space<hbm>>
        %dma_wait3A_33 = arith.constant 0 : i32
        %dma_wait3A_34 = tpu.memref_slice %arg3[%add3A_28, %dma_wait3A_33] : memref<320000x16xf32, #tpu.memory_space<hbm>> -> memref<80x16xf32, #tpu.memory_space<hbm>>
        tpu.wait_dma2 semaphore(%run_scoped3A : memref<!tpu.dma_semaphore, #tpu.memory_space<semaphore_mem>>) src(%dma_wait3A_34 : memref<80x16xf32, #tpu.memory_space<hbm>>) dst(%arg12 : memref<80x16xf32, #tpu.memory_space<vmem>>)
        tpu.yield
      }) : () -> ()
      "tpu.region"() ({
        %run_scoped3A = tpu.sem_alloc : memref<!tpu.dma_semaphore, #tpu.memory_space<semaphore_mem>>
        %dma_start3A = arith.constant 0 : i32
        %dma_start3A_29 = tpu.memref_slice %arg4[%add3A_28, %dma_start3A] : memref<320000x128xf32, #tpu.memory_space<hbm>> -> memref<80x128xf32, #tpu.memory_space<hbm>>
        %dma_start3A_30 = arith.constant 0 : i32
        %dma_start3A_31 = tpu.memref_slice %arg4[%add3A_28, %dma_start3A_30] : memref<320000x128xf32, #tpu.memory_space<hbm>> -> memref<80x128xf32, #tpu.memory_space<hbm>>
        tpu.enqueue_dma source(%dma_start3A_31 : memref<80x128xf32, #tpu.memory_space<hbm>>) target(%arg13 : memref<80x128xf32, #tpu.memory_space<vmem>>) target_semaphore(%run_scoped3A : memref<!tpu.dma_semaphore, #tpu.memory_space<semaphore_mem>>)
        %dma_wait3A = arith.constant 0 : i32
        %dma_wait3A_32 = tpu.memref_slice %arg4[%add3A_28, %dma_wait3A] : memref<320000x128xf32, #tpu.memory_space<hbm>> -> memref<80x128xf32, #tpu.memory_space<hbm>>
        %dma_wait3A_33 = arith.constant 0 : i32
        %dma_wait3A_34 = tpu.memref_slice %arg4[%add3A_28, %dma_wait3A_33] : memref<320000x128xf32, #tpu.memory_space<hbm>> -> memref<80x128xf32, #tpu.memory_space<hbm>>
        tpu.wait_dma2 semaphore(%run_scoped3A : memref<!tpu.dma_semaphore, #tpu.memory_space<semaphore_mem>>) src(%dma_wait3A_34 : memref<80x128xf32, #tpu.memory_space<hbm>>) dst(%arg13 : memref<80x128xf32, #tpu.memory_space<vmem>>)
        tpu.yield
      }) : () -> ()
      "tpu.region"() ({
        %run_scoped3A = tpu.sem_alloc : memref<!tpu.dma_semaphore, #tpu.memory_space<semaphore_mem>>
        %dma_start3A = arith.constant 0 : i32
        %dma_start3A_29 = arith.constant 0 : i32
        %dma_start3A_30 = tpu.memref_slice %arg9[%dma_start3A, %dma_start3A_29] : memref<10240x16xf32, #tpu.memory_space<vmem_shared>> -> memref<10240x16xf32, #tpu.memory_space<vmem_shared>>
        tpu.enqueue_indirect_dma source(%arg12 : memref<80x16xf32, #tpu.memory_space<vmem>>) target(%dma_start3A_30 : memref<10240x16xf32, #tpu.memory_space<vmem_shared>>) offsets(%arg11 : memref<80xi32, #tpu.memory_space<vmem>>) semaphore(%run_scoped3A : memref<!tpu.dma_semaphore, #tpu.memory_space<semaphore_mem>>) {add = true}
        %dma_wait3A = arith.constant 0 : i32
        %dma_wait3A_31 = arith.constant 0 : i32
        %dma_wait3A_32 = tpu.memref_slice %arg9[%dma_wait3A, %dma_wait3A_31] : memref<10240x16xf32, #tpu.memory_space<vmem_shared>> -> memref<10240x16xf32, #tpu.memory_space<vmem_shared>>
        tpu.wait_indirect_dma semaphore(%run_scoped3A : memref<!tpu.dma_semaphore, #tpu.memory_space<semaphore_mem>>) src(%arg12 : memref<80x16xf32, #tpu.memory_space<vmem>>) dst(%dma_wait3A_32 : memref<10240x16xf32, #tpu.memory_space<vmem_shared>>)
        tpu.yield
      }) : () -> ()
      "tpu.region"() ({
        %run_scoped3A = tpu.sem_alloc : memref<!tpu.dma_semaphore, #tpu.memory_space<semaphore_mem>>
        %dma_start3A = arith.constant 0 : i32
        %dma_start3A_29 = arith.constant 0 : i32
        %dma_start3A_30 = tpu.memref_slice %arg10[%dma_start3A, %dma_start3A_29] : memref<10240x128xf32, #tpu.memory_space<vmem_shared>> -> memref<10240x128xf32, #tpu.memory_space<vmem_shared>>
        tpu.enqueue_indirect_dma source(%arg13 : memref<80x128xf32, #tpu.memory_space<vmem>>) target(%dma_start3A_30 : memref<10240x128xf32, #tpu.memory_space<vmem_shared>>) offsets(%arg11 : memref<80xi32, #tpu.memory_space<vmem>>) semaphore(%run_scoped3A : memref<!tpu.dma_semaphore, #tpu.memory_space<semaphore_mem>>) {add = true}
        %dma_wait3A = arith.constant 0 : i32
        %dma_wait3A_31 = arith.constant 0 : i32
        %dma_wait3A_32 = tpu.memref_slice %arg10[%dma_wait3A, %dma_wait3A_31] : memref<10240x128xf32, #tpu.memory_space<vmem_shared>> -> memref<10240x128xf32, #tpu.memory_space<vmem_shared>>
        tpu.wait_indirect_dma semaphore(%run_scoped3A : memref<!tpu.dma_semaphore, #tpu.memory_space<semaphore_mem>>) src(%arg13 : memref<80x128xf32, #tpu.memory_space<vmem>>) dst(%dma_wait3A_32 : memref<10240x128xf32, #tpu.memory_space<vmem_shared>>)
        tpu.yield
      }) : () -> ()
    }
    %scan3A_13 = arith.constant 125 : i32
    %barrier3A_14 = arith.constant 0 : index
    tpu.barrier barrier_id(%barrier3A_14)
    %mul3A_15 = arith.constant 640 : i32
    %mul3A_16 = arith.muli %arg1, %mul3A_15 : i32
    %mul3A_17 = arith.constant 640 : i32
    %mul3A_18 = arith.muli %arg1, %mul3A_17 : i32
    "tpu.region"() ({
      %run_scoped3A = tpu.sem_alloc : memref<!tpu.dma_semaphore, #tpu.memory_space<semaphore_mem>>
      %dma_start3A = arith.constant 0 : i32
      %dma_start3A_23 = tpu.memref_slice %arg7[%arg0, %mul3A_18, %dma_start3A] : memref<2x10240x16xf32, #tpu.memory_space<hbm>> -> memref<1x640x16xf32, #tpu.memory_space<hbm>>
      %dma_start3A_24 = tpu.memref_squeeze %dma_start3A_23 : memref<1x640x16xf32, #tpu.memory_space<hbm>> -> memref<640x16xf32, #tpu.memory_space<hbm>>
      %dma_start3A_25 = arith.constant 0 : i32
      %dma_start3A_26 = tpu.memref_slice %arg9[%mul3A_16, %dma_start3A_25] : memref<10240x16xf32, #tpu.memory_space<vmem_shared>> -> memref<640x16xf32, #tpu.memory_space<vmem_shared>>
      tpu.enqueue_dma source(%dma_start3A_26 : memref<640x16xf32, #tpu.memory_space<vmem_shared>>) target(%dma_start3A_24 : memref<640x16xf32, #tpu.memory_space<hbm>>) target_semaphore(%run_scoped3A : memref<!tpu.dma_semaphore, #tpu.memory_space<semaphore_mem>>)
      %dma_wait3A = arith.constant 0 : i32
      %dma_wait3A_27 = tpu.memref_slice %arg7[%arg0, %mul3A_18, %dma_wait3A] : memref<2x10240x16xf32, #tpu.memory_space<hbm>> -> memref<1x640x16xf32, #tpu.memory_space<hbm>>
      %dma_wait3A_28 = tpu.memref_squeeze %dma_wait3A_27 : memref<1x640x16xf32, #tpu.memory_space<hbm>> -> memref<640x16xf32, #tpu.memory_space<hbm>>
      %dma_wait3A_29 = arith.constant 0 : i32
      %dma_wait3A_30 = tpu.memref_slice %arg9[%mul3A_16, %dma_wait3A_29] : memref<10240x16xf32, #tpu.memory_space<vmem_shared>> -> memref<640x16xf32, #tpu.memory_space<vmem_shared>>
      tpu.wait_dma2 semaphore(%run_scoped3A : memref<!tpu.dma_semaphore, #tpu.memory_space<semaphore_mem>>) src(%dma_wait3A_30 : memref<640x16xf32, #tpu.memory_space<vmem_shared>>) dst(%dma_wait3A_28 : memref<640x16xf32, #tpu.memory_space<hbm>>)
      tpu.yield
    }) : () -> ()
    %mul3A_19 = arith.constant 640 : i32
    %mul3A_20 = arith.muli %arg1, %mul3A_19 : i32
    %mul3A_21 = arith.constant 640 : i32
    %mul3A_22 = arith.muli %arg1, %mul3A_21 : i32
    "tpu.region"() ({
      %run_scoped3A = tpu.sem_alloc : memref<!tpu.dma_semaphore, #tpu.memory_space<semaphore_mem>>
      %dma_start3A = arith.constant 0 : i32
      %dma_start3A_23 = tpu.memref_slice %arg8[%arg0, %mul3A_22, %dma_start3A] : memref<2x10240x128xf32, #tpu.memory_space<hbm>> -> memref<1x640x128xf32, #tpu.memory_space<hbm>>
      %dma_start3A_24 = tpu.memref_squeeze %dma_start3A_23 : memref<1x640x128xf32, #tpu.memory_space<hbm>> -> memref<640x128xf32, #tpu.memory_space<hbm>>
      %dma_start3A_25 = arith.constant 0 : i32
      %dma_start3A_26 = tpu.memref_slice %arg10[%mul3A_20, %dma_start3A_25] : memref<10240x128xf32, #tpu.memory_space<vmem_shared>> -> memref<640x128xf32, #tpu.memory_space<vmem_shared>>
      tpu.enqueue_dma source(%dma_start3A_26 : memref<640x128xf32, #tpu.memory_space<vmem_shared>>) target(%dma_start3A_24 : memref<640x128xf32, #tpu.memory_space<hbm>>) target_semaphore(%run_scoped3A : memref<!tpu.dma_semaphore, #tpu.memory_space<semaphore_mem>>)
      %dma_wait3A = arith.constant 0 : i32
      %dma_wait3A_27 = tpu.memref_slice %arg8[%arg0, %mul3A_22, %dma_wait3A] : memref<2x10240x128xf32, #tpu.memory_space<hbm>> -> memref<1x640x128xf32, #tpu.memory_space<hbm>>
      %dma_wait3A_28 = tpu.memref_squeeze %dma_wait3A_27 : memref<1x640x128xf32, #tpu.memory_space<hbm>> -> memref<640x128xf32, #tpu.memory_space<hbm>>
      %dma_wait3A_29 = arith.constant 0 : i32
      %dma_wait3A_30 = tpu.memref_slice %arg10[%mul3A_20, %dma_wait3A_29] : memref<10240x128xf32, #tpu.memory_space<vmem_shared>> -> memref<640x128xf32, #tpu.memory_space<vmem_shared>>
      tpu.wait_dma2 semaphore(%run_scoped3A : memref<!tpu.dma_semaphore, #tpu.memory_space<semaphore_mem>>) src(%dma_wait3A_30 : memref<640x128xf32, #tpu.memory_space<vmem_shared>>) dst(%dma_wait3A_28 : memref<640x128xf32, #tpu.memory_space<hbm>>)
      tpu.yield
    }) : () -> ()
    return
  }
}

#map = affine_map<(d0, d1) -> (0)>
#map1 = affine_map<(d0, d1) -> (0, 0)>
module attributes {stable_mosaic.version = 14 : i64} {
  func.func @_sc_gather_body(%arg0: i32, %arg1: i32, %arg2: memref<320000xi32, #tpu.memory_space<hbm>>, %arg3: memref<320000xi32, #tpu.memory_space<hbm>>, %arg4: memref<10240x128xf32, #tpu.memory_space<hbm>>, %arg5: memref<10240x128xf32, #tpu.memory_space<hbm>>, %arg6: memref<320000x128xf32, #tpu.memory_space<hbm>>, %arg7: memref<200xi32, #tpu.memory_space<vmem>>, %arg8: memref<200xi32, #tpu.memory_space<vmem>>, %arg9: memref<200x128xf32, #tpu.memory_space<vmem>>, %arg10: memref<200x128xf32, #tpu.memory_space<vmem>>, %arg11: memref<!tpu.dma_semaphore, #tpu.memory_space<semaphore_mem>>, %arg12: memref<!tpu.dma_semaphore, #tpu.memory_space<semaphore_mem>>) attributes {dimension_semantics = [#tpu.dimension_semantics<core_parallel>, #tpu.dimension_semantics<subcore_parallel>], iteration_bounds = array<i64: 2, 16>, scalar_prefetch = 0 : i64, scratch_operands = 6 : i64, tpu.core_type = #tpu.core_type<sc_vector_subcore>, window_params = [{transform_indices = #map}, {transform_indices = #map}, {transform_indices = #map1}, {transform_indices = #map1}, {transform_indices = #map1}]} {
    %mul3A = arith.constant 16 : i32
    %mul3A_0 = arith.muli %arg0, %mul3A : i32
    %add3A = arith.addi %mul3A_0, %arg1 : i32
    %scan3A = arith.constant 0 : i32
    %scan3A_1 = arith.constant 0 : i32
    %scan3A_2 = arith.constant 50 : i32
    %scan3A_3 = arith.addi %scan3A_1, %scan3A_2 : i32
    %scan3A_4 = arith.constant 1 : i32
    scf.for %scan3A_6 = %scan3A_1 to %scan3A_3 step %scan3A_4  : i32 {
      %mul3A_7 = arith.constant 10000 : i32
      %mul3A_8 = arith.muli %add3A, %mul3A_7 : i32
      %mul3A_9 = arith.constant 200 : i32
      %mul3A_10 = arith.muli %scan3A_6, %mul3A_9 : i32
      %add3A_11 = arith.addi %mul3A_8, %mul3A_10 : i32
      "tpu.region"() ({
        %run_scoped3A = tpu.sem_alloc : memref<!tpu.dma_semaphore, #tpu.memory_space<semaphore_mem>>
        %dma_start3A_28 = tpu.memref_slice %arg2[%add3A_11] : memref<320000xi32, #tpu.memory_space<hbm>> -> memref<200xi32, #tpu.memory_space<hbm>>
        %dma_start3A_29 = tpu.memref_slice %arg2[%add3A_11] : memref<320000xi32, #tpu.memory_space<hbm>> -> memref<200xi32, #tpu.memory_space<hbm>>
        tpu.enqueue_dma source(%dma_start3A_29 : memref<200xi32, #tpu.memory_space<hbm>>) target(%arg7 : memref<200xi32, #tpu.memory_space<vmem>>) target_semaphore(%run_scoped3A : memref<!tpu.dma_semaphore, #tpu.memory_space<semaphore_mem>>)
        %dma_wait3A_30 = tpu.memref_slice %arg2[%add3A_11] : memref<320000xi32, #tpu.memory_space<hbm>> -> memref<200xi32, #tpu.memory_space<hbm>>
        %dma_wait3A_31 = tpu.memref_slice %arg2[%add3A_11] : memref<320000xi32, #tpu.memory_space<hbm>> -> memref<200xi32, #tpu.memory_space<hbm>>
        tpu.wait_dma2 semaphore(%run_scoped3A : memref<!tpu.dma_semaphore, #tpu.memory_space<semaphore_mem>>) src(%dma_wait3A_31 : memref<200xi32, #tpu.memory_space<hbm>>) dst(%arg7 : memref<200xi32, #tpu.memory_space<vmem>>)
        tpu.yield
      }) : () -> ()
      "tpu.region"() ({
        %run_scoped3A = tpu.sem_alloc : memref<!tpu.dma_semaphore, #tpu.memory_space<semaphore_mem>>
        %dma_start3A_28 = tpu.memref_slice %arg3[%add3A_11] : memref<320000xi32, #tpu.memory_space<hbm>> -> memref<200xi32, #tpu.memory_space<hbm>>
        %dma_start3A_29 = tpu.memref_slice %arg3[%add3A_11] : memref<320000xi32, #tpu.memory_space<hbm>> -> memref<200xi32, #tpu.memory_space<hbm>>
        tpu.enqueue_dma source(%dma_start3A_29 : memref<200xi32, #tpu.memory_space<hbm>>) target(%arg8 : memref<200xi32, #tpu.memory_space<vmem>>) target_semaphore(%run_scoped3A : memref<!tpu.dma_semaphore, #tpu.memory_space<semaphore_mem>>)
        %dma_wait3A_30 = tpu.memref_slice %arg3[%add3A_11] : memref<320000xi32, #tpu.memory_space<hbm>> -> memref<200xi32, #tpu.memory_space<hbm>>
        %dma_wait3A_31 = tpu.memref_slice %arg3[%add3A_11] : memref<320000xi32, #tpu.memory_space<hbm>> -> memref<200xi32, #tpu.memory_space<hbm>>
        tpu.wait_dma2 semaphore(%run_scoped3A : memref<!tpu.dma_semaphore, #tpu.memory_space<semaphore_mem>>) src(%dma_wait3A_31 : memref<200xi32, #tpu.memory_space<hbm>>) dst(%arg8 : memref<200xi32, #tpu.memory_space<vmem>>)
        tpu.yield
      }) : () -> ()
      %dma_start3A = arith.constant 0 : i32
      %dma_start3A_12 = arith.constant 0 : i32
      %dma_start3A_13 = tpu.memref_slice %arg4[%dma_start3A, %dma_start3A_12] : memref<10240x128xf32, #tpu.memory_space<hbm>> -> memref<10240x128xf32, #tpu.memory_space<hbm>>
      tpu.enqueue_indirect_dma source(%dma_start3A_13 : memref<10240x128xf32, #tpu.memory_space<hbm>>) target(%arg9 : memref<200x128xf32, #tpu.memory_space<vmem>>) offsets(%arg7 : memref<200xi32, #tpu.memory_space<vmem>>) semaphore(%arg11 : memref<!tpu.dma_semaphore, #tpu.memory_space<semaphore_mem>>)
      %dma_start3A_14 = arith.constant 0 : i32
      %dma_start3A_15 = arith.constant 0 : i32
      %dma_start3A_16 = tpu.memref_slice %arg5[%dma_start3A_14, %dma_start3A_15] : memref<10240x128xf32, #tpu.memory_space<hbm>> -> memref<10240x128xf32, #tpu.memory_space<hbm>>
      tpu.enqueue_indirect_dma source(%dma_start3A_16 : memref<10240x128xf32, #tpu.memory_space<hbm>>) target(%arg10 : memref<200x128xf32, #tpu.memory_space<vmem>>) offsets(%arg8 : memref<200xi32, #tpu.memory_space<vmem>>) semaphore(%arg12 : memref<!tpu.dma_semaphore, #tpu.memory_space<semaphore_mem>>)
      %dma_wait3A = arith.constant 0 : i32
      %dma_wait3A_17 = arith.constant 0 : i32
      %dma_wait3A_18 = tpu.memref_slice %arg4[%dma_wait3A, %dma_wait3A_17] : memref<10240x128xf32, #tpu.memory_space<hbm>> -> memref<10240x128xf32, #tpu.memory_space<hbm>>
      tpu.wait_indirect_dma semaphore(%arg11 : memref<!tpu.dma_semaphore, #tpu.memory_space<semaphore_mem>>) src(%dma_wait3A_18 : memref<10240x128xf32, #tpu.memory_space<hbm>>) dst(%arg9 : memref<200x128xf32, #tpu.memory_space<vmem>>)
      %dma_wait3A_19 = arith.constant 0 : i32
      %dma_wait3A_20 = arith.constant 0 : i32
      %dma_wait3A_21 = tpu.memref_slice %arg5[%dma_wait3A_19, %dma_wait3A_20] : memref<10240x128xf32, #tpu.memory_space<hbm>> -> memref<10240x128xf32, #tpu.memory_space<hbm>>
      tpu.wait_indirect_dma semaphore(%arg12 : memref<!tpu.dma_semaphore, #tpu.memory_space<semaphore_mem>>) src(%dma_wait3A_21 : memref<10240x128xf32, #tpu.memory_space<hbm>>) dst(%arg10 : memref<200x128xf32, #tpu.memory_space<vmem>>)
      %scan3A_22 = arith.constant 0 : i32
      %scan3A_23 = arith.constant 0 : i32
      %scan3A_24 = arith.constant 200 : i32
      %scan3A_25 = arith.addi %scan3A_23, %scan3A_24 : i32
      %scan3A_26 = arith.constant 1 : i32
      scf.for %scan3A_28 = %scan3A_23 to %scan3A_25 step %scan3A_26  : i32 {
        %get3A = arith.index_cast %scan3A_28 : i32 to index
        %get3A_29 = arith.constant 0 : index
        %get3A_30 = tpu.vector_load %arg9[%get3A, %get3A_29] {strides = array<i32>} : memref<200x128xf32, #tpu.memory_space<vmem>>, vector<1x16xf32>,
        %get3A_31 = vector.shape_cast %get3A_30 : vector<1x16xf32> to vector<16xf32>
        %get3A_32 = arith.index_cast %scan3A_28 : i32 to index
        %get3A_33 = arith.constant 0 : index
        %get3A_34 = tpu.vector_load %arg10[%get3A_32, %get3A_33] {strides = array<i32>} : memref<200x128xf32, #tpu.memory_space<vmem>>, vector<1x16xf32>,
        %get3A_35 = vector.shape_cast %get3A_34 : vector<1x16xf32> to vector<16xf32>
        %add3A_36 = arith.addf %get3A_31, %get3A_35 : vector<16xf32>
        %swap3A = arith.index_cast %scan3A_28 : i32 to index
        %swap3A_37 = arith.constant 0 : index
        %swap3A_38 = tpu.vector_load %arg9[%swap3A, %swap3A_37] {strides = array<i32>} : memref<200x128xf32, #tpu.memory_space<vmem>>, vector<1x16xf32>,
        %swap3A_39 = vector.shape_cast %swap3A_38 : vector<1x16xf32> to vector<16xf32>
        %swap3A_40 = vector.shape_cast %add3A_36 : vector<16xf32> to vector<1x16xf32>
        tpu.vector_store %arg9[%swap3A, %swap3A_37], %swap3A_40 {strides = array<i32>} : memref<200x128xf32, #tpu.memory_space<vmem>>, vector<1x16xf32>,
        %get3A_41 = arith.index_cast %scan3A_28 : i32 to index
        %get3A_42 = arith.constant 16 : index
        %get3A_43 = tpu.vector_load %arg9[%get3A_41, %get3A_42] {strides = array<i32>} : memref<200x128xf32, #tpu.memory_space<vmem>>, vector<1x16xf32>,
        %get3A_44 = vector.shape_cast %get3A_43 : vector<1x16xf32> to vector<16xf32>
        %get3A_45 = arith.index_cast %scan3A_28 : i32 to index
        %get3A_46 = arith.constant 16 : index
        %get3A_47 = tpu.vector_load %arg10[%get3A_45, %get3A_46] {strides = array<i32>} : memref<200x128xf32, #tpu.memory_space<vmem>>, vector<1x16xf32>,
        %get3A_48 = vector.shape_cast %get3A_47 : vector<1x16xf32> to vector<16xf32>
        %add3A_49 = arith.addf %get3A_44, %get3A_48 : vector<16xf32>
        %swap3A_50 = arith.index_cast %scan3A_28 : i32 to index
        %swap3A_51 = arith.constant 16 : index
        %swap3A_52 = tpu.vector_load %arg9[%swap3A_50, %swap3A_51] {strides = array<i32>} : memref<200x128xf32, #tpu.memory_space<vmem>>, vector<1x16xf32>,
        %swap3A_53 = vector.shape_cast %swap3A_52 : vector<1x16xf32> to vector<16xf32>
        %swap3A_54 = vector.shape_cast %add3A_49 : vector<16xf32> to vector<1x16xf32>
        tpu.vector_store %arg9[%swap3A_50, %swap3A_51], %swap3A_54 {strides = array<i32>} : memref<200x128xf32, #tpu.memory_space<vmem>>, vector<1x16xf32>,
        %get3A_55 = arith.index_cast %scan3A_28 : i32 to index
        %get3A_56 = arith.constant 32 : index
        %get3A_57 = tpu.vector_load %arg9[%get3A_55, %get3A_56] {strides = array<i32>} : memref<200x128xf32, #tpu.memory_space<vmem>>, vector<1x16xf32>,
        %get3A_58 = vector.shape_cast %get3A_57 : vector<1x16xf32> to vector<16xf32>
        %get3A_59 = arith.index_cast %scan3A_28 : i32 to index
        %get3A_60 = arith.constant 32 : index
        %get3A_61 = tpu.vector_load %arg10[%get3A_59, %get3A_60] {strides = array<i32>} : memref<200x128xf32, #tpu.memory_space<vmem>>, vector<1x16xf32>,
        %get3A_62 = vector.shape_cast %get3A_61 : vector<1x16xf32> to vector<16xf32>
        %add3A_63 = arith.addf %get3A_58, %get3A_62 : vector<16xf32>
        %swap3A_64 = arith.index_cast %scan3A_28 : i32 to index
        %swap3A_65 = arith.constant 32 : index
        %swap3A_66 = tpu.vector_load %arg9[%swap3A_64, %swap3A_65] {strides = array<i32>} : memref<200x128xf32, #tpu.memory_space<vmem>>, vector<1x16xf32>,
        %swap3A_67 = vector.shape_cast %swap3A_66 : vector<1x16xf32> to vector<16xf32>
        %swap3A_68 = vector.shape_cast %add3A_63 : vector<16xf32> to vector<1x16xf32>
        tpu.vector_store %arg9[%swap3A_64, %swap3A_65], %swap3A_68 {strides = array<i32>} : memref<200x128xf32, #tpu.memory_space<vmem>>, vector<1x16xf32>,
        %get3A_69 = arith.index_cast %scan3A_28 : i32 to index
        %get3A_70 = arith.constant 48 : index
        %get3A_71 = tpu.vector_load %arg9[%get3A_69, %get3A_70] {strides = array<i32>} : memref<200x128xf32, #tpu.memory_space<vmem>>, vector<1x16xf32>,
        %get3A_72 = vector.shape_cast %get3A_71 : vector<1x16xf32> to vector<16xf32>
        %get3A_73 = arith.index_cast %scan3A_28 : i32 to index
        %get3A_74 = arith.constant 48 : index
        %get3A_75 = tpu.vector_load %arg10[%get3A_73, %get3A_74] {strides = array<i32>} : memref<200x128xf32, #tpu.memory_space<vmem>>, vector<1x16xf32>,
        %get3A_76 = vector.shape_cast %get3A_75 : vector<1x16xf32> to vector<16xf32>
        %add3A_77 = arith.addf %get3A_72, %get3A_76 : vector<16xf32>
        %swap3A_78 = arith.index_cast %scan3A_28 : i32 to index
        %swap3A_79 = arith.constant 48 : index
        %swap3A_80 = tpu.vector_load %arg9[%swap3A_78, %swap3A_79] {strides = array<i32>} : memref<200x128xf32, #tpu.memory_space<vmem>>, vector<1x16xf32>,
        %swap3A_81 = vector.shape_cast %swap3A_80 : vector<1x16xf32> to vector<16xf32>
        %swap3A_82 = vector.shape_cast %add3A_77 : vector<16xf32> to vector<1x16xf32>
        tpu.vector_store %arg9[%swap3A_78, %swap3A_79], %swap3A_82 {strides = array<i32>} : memref<200x128xf32, #tpu.memory_space<vmem>>, vector<1x16xf32>,
        %get3A_83 = arith.index_cast %scan3A_28 : i32 to index
        %get3A_84 = arith.constant 64 : index
        %get3A_85 = tpu.vector_load %arg9[%get3A_83, %get3A_84] {strides = array<i32>} : memref<200x128xf32, #tpu.memory_space<vmem>>, vector<1x16xf32>,
        %get3A_86 = vector.shape_cast %get3A_85 : vector<1x16xf32> to vector<16xf32>
        %get3A_87 = arith.index_cast %scan3A_28 : i32 to index
        %get3A_88 = arith.constant 64 : index
        %get3A_89 = tpu.vector_load %arg10[%get3A_87, %get3A_88] {strides = array<i32>} : memref<200x128xf32, #tpu.memory_space<vmem>>, vector<1x16xf32>,
        %get3A_90 = vector.shape_cast %get3A_89 : vector<1x16xf32> to vector<16xf32>
        %add3A_91 = arith.addf %get3A_86, %get3A_90 : vector<16xf32>
        %swap3A_92 = arith.index_cast %scan3A_28 : i32 to index
        %swap3A_93 = arith.constant 64 : index
        %swap3A_94 = tpu.vector_load %arg9[%swap3A_92, %swap3A_93] {strides = array<i32>} : memref<200x128xf32, #tpu.memory_space<vmem>>, vector<1x16xf32>,
        %swap3A_95 = vector.shape_cast %swap3A_94 : vector<1x16xf32> to vector<16xf32>
        %swap3A_96 = vector.shape_cast %add3A_91 : vector<16xf32> to vector<1x16xf32>
        tpu.vector_store %arg9[%swap3A_92, %swap3A_93], %swap3A_96 {strides = array<i32>} : memref<200x128xf32, #tpu.memory_space<vmem>>, vector<1x16xf32>,
        %get3A_97 = arith.index_cast %scan3A_28 : i32 to index
        %get3A_98 = arith.constant 80 : index
        %get3A_99 = tpu.vector_load %arg9[%get3A_97, %get3A_98] {strides = array<i32>} : memref<200x128xf32, #tpu.memory_space<vmem>>, vector<1x16xf32>,
        %get3A_100 = vector.shape_cast %get3A_99 : vector<1x16xf32> to vector<16xf32>
        %get3A_101 = arith.index_cast %scan3A_28 : i32 to index
        %get3A_102 = arith.constant 80 : index
        %get3A_103 = tpu.vector_load %arg10[%get3A_101, %get3A_102] {strides = array<i32>} : memref<200x128xf32, #tpu.memory_space<vmem>>, vector<1x16xf32>,
        %get3A_104 = vector.shape_cast %get3A_103 : vector<1x16xf32> to vector<16xf32>
        %add3A_105 = arith.addf %get3A_100, %get3A_104 : vector<16xf32>
        %swap3A_106 = arith.index_cast %scan3A_28 : i32 to index
        %swap3A_107 = arith.constant 80 : index
        %swap3A_108 = tpu.vector_load %arg9[%swap3A_106, %swap3A_107] {strides = array<i32>} : memref<200x128xf32, #tpu.memory_space<vmem>>, vector<1x16xf32>,
        %swap3A_109 = vector.shape_cast %swap3A_108 : vector<1x16xf32> to vector<16xf32>
        %swap3A_110 = vector.shape_cast %add3A_105 : vector<16xf32> to vector<1x16xf32>
        tpu.vector_store %arg9[%swap3A_106, %swap3A_107], %swap3A_110 {strides = array<i32>} : memref<200x128xf32, #tpu.memory_space<vmem>>, vector<1x16xf32>,
        %get3A_111 = arith.index_cast %scan3A_28 : i32 to index
        %get3A_112 = arith.constant 96 : index
        %get3A_113 = tpu.vector_load %arg9[%get3A_111, %get3A_112] {strides = array<i32>} : memref<200x128xf32, #tpu.memory_space<vmem>>, vector<1x16xf32>,
        %get3A_114 = vector.shape_cast %get3A_113 : vector<1x16xf32> to vector<16xf32>
        %get3A_115 = arith.index_cast %scan3A_28 : i32 to index
        %get3A_116 = arith.constant 96 : index
        %get3A_117 = tpu.vector_load %arg10[%get3A_115, %get3A_116] {strides = array<i32>} : memref<200x128xf32, #tpu.memory_space<vmem>>, vector<1x16xf32>,
        %get3A_118 = vector.shape_cast %get3A_117 : vector<1x16xf32> to vector<16xf32>
        %add3A_119 = arith.addf %get3A_114, %get3A_118 : vector<16xf32>
        %swap3A_120 = arith.index_cast %scan3A_28 : i32 to index
        %swap3A_121 = arith.constant 96 : index
        %swap3A_122 = tpu.vector_load %arg9[%swap3A_120, %swap3A_121] {strides = array<i32>} : memref<200x128xf32, #tpu.memory_space<vmem>>, vector<1x16xf32>,
        %swap3A_123 = vector.shape_cast %swap3A_122 : vector<1x16xf32> to vector<16xf32>
        %swap3A_124 = vector.shape_cast %add3A_119 : vector<16xf32> to vector<1x16xf32>
        tpu.vector_store %arg9[%swap3A_120, %swap3A_121], %swap3A_124 {strides = array<i32>} : memref<200x128xf32, #tpu.memory_space<vmem>>, vector<1x16xf32>,
        %get3A_125 = arith.index_cast %scan3A_28 : i32 to index
        %get3A_126 = arith.constant 112 : index
        %get3A_127 = tpu.vector_load %arg9[%get3A_125, %get3A_126] {strides = array<i32>} : memref<200x128xf32, #tpu.memory_space<vmem>>, vector<1x16xf32>,
        %get3A_128 = vector.shape_cast %get3A_127 : vector<1x16xf32> to vector<16xf32>
        %get3A_129 = arith.index_cast %scan3A_28 : i32 to index
        %get3A_130 = arith.constant 112 : index
        %get3A_131 = tpu.vector_load %arg10[%get3A_129, %get3A_130] {strides = array<i32>} : memref<200x128xf32, #tpu.memory_space<vmem>>, vector<1x16xf32>,
        %get3A_132 = vector.shape_cast %get3A_131 : vector<1x16xf32> to vector<16xf32>
        %add3A_133 = arith.addf %get3A_128, %get3A_132 : vector<16xf32>
        %swap3A_134 = arith.index_cast %scan3A_28 : i32 to index
        %swap3A_135 = arith.constant 112 : index
        %swap3A_136 = tpu.vector_load %arg9[%swap3A_134, %swap3A_135] {strides = array<i32>} : memref<200x128xf32, #tpu.memory_space<vmem>>, vector<1x16xf32>,
        %swap3A_137 = vector.shape_cast %swap3A_136 : vector<1x16xf32> to vector<16xf32>
        %swap3A_138 = vector.shape_cast %add3A_133 : vector<16xf32> to vector<1x16xf32>
        tpu.vector_store %arg9[%swap3A_134, %swap3A_135], %swap3A_138 {strides = array<i32>} : memref<200x128xf32, #tpu.memory_space<vmem>>, vector<1x16xf32>,
      }
      %scan3A_27 = arith.constant 200 : i32
      "tpu.region"() ({
        %run_scoped3A = tpu.sem_alloc : memref<!tpu.dma_semaphore, #tpu.memory_space<semaphore_mem>>
        %dma_start3A_28 = arith.constant 0 : i32
        %dma_start3A_29 = tpu.memref_slice %arg6[%add3A_11, %dma_start3A_28] : memref<320000x128xf32, #tpu.memory_space<hbm>> -> memref<200x128xf32, #tpu.memory_space<hbm>>
        %dma_start3A_30 = arith.constant 0 : i32
        %dma_start3A_31 = tpu.memref_slice %arg6[%add3A_11, %dma_start3A_30] : memref<320000x128xf32, #tpu.memory_space<hbm>> -> memref<200x128xf32, #tpu.memory_space<hbm>>
        tpu.enqueue_dma source(%arg9 : memref<200x128xf32, #tpu.memory_space<vmem>>) target(%dma_start3A_31 : memref<200x128xf32, #tpu.memory_space<hbm>>) target_semaphore(%run_scoped3A : memref<!tpu.dma_semaphore, #tpu.memory_space<semaphore_mem>>)
        %dma_wait3A_32 = arith.constant 0 : i32
        %dma_wait3A_33 = tpu.memref_slice %arg6[%add3A_11, %dma_wait3A_32] : memref<320000x128xf32, #tpu.memory_space<hbm>> -> memref<200x128xf32, #tpu.memory_space<hbm>>
        %dma_wait3A_34 = arith.constant 0 : i32
        %dma_wait3A_35 = tpu.memref_slice %arg6[%add3A_11, %dma_wait3A_34] : memref<320000x128xf32, #tpu.memory_space<hbm>> -> memref<200x128xf32, #tpu.memory_space<hbm>>
        tpu.wait_dma2 semaphore(%run_scoped3A : memref<!tpu.dma_semaphore, #tpu.memory_space<semaphore_mem>>) src(%arg9 : memref<200x128xf32, #tpu.memory_space<vmem>>) dst(%dma_wait3A_35 : memref<200x128xf32, #tpu.memory_space<hbm>>)
        tpu.yield
      }) : () -> ()
    }
    %scan3A_5 = arith.constant 50 : i32
    return
  }
}

#map = affine_map<(d0, d1) -> (0)>
#map1 = affine_map<(d0, d1) -> (0, 0)>
#map2 = affine_map<(d0, d1) -> (0, 0, 0)>
module attributes {stable_mosaic.version = 14 : i64} {
  func.func @_sc_scatter_body(%arg0: i32, %arg1: i32, %arg2: memref<320000xi32, #tpu.memory_space<hbm>>, %arg3: memref<320000x16xf32, #tpu.memory_space<hbm>>, %arg4: memref<320000x128xf32, #tpu.memory_space<hbm>>, %arg5: memref<10240x16xf32, #tpu.memory_space<hbm>>, %arg6: memref<10240x128xf32, #tpu.memory_space<hbm>>, %arg7: memref<2x10240x16xf32, #tpu.memory_space<hbm>>, %arg8: memref<2x10240x128xf32, #tpu.memory_space<hbm>>, %arg9: memref<10240x16xf32, #tpu.memory_space<vmem_shared>>, %arg10: memref<10240x128xf32, #tpu.memory_space<vmem_shared>>, %arg11: memref<80xi32, #tpu.memory_space<vmem>>, %arg12: memref<80x16xf32, #tpu.memory_space<vmem>>, %arg13: memref<80x128xf32, #tpu.memory_space<vmem>>) attributes {dimension_semantics = [#tpu.dimension_semantics<core_parallel>, #tpu.dimension_semantics<subcore_parallel>], iteration_bounds = array<i64: 2, 16>, scalar_prefetch = 0 : i64, scratch_operands = 5 : i64, tpu.core_type = #tpu.core_type<sc_vector_subcore>, window_params = [{transform_indices = #map}, {transform_indices = #map1}, {transform_indices = #map1}, {transform_indices = #map1}, {transform_indices = #map1}, {transform_indices = #map2}, {transform_indices = #map2}]} {
    %mul3A = arith.constant 16 : i32
    %mul3A_0 = arith.muli %arg0, %mul3A : i32
    %add3A = arith.addi %mul3A_0, %arg1 : i32
    %mul3A_1 = arith.constant 640 : i32
    %mul3A_2 = arith.muli %arg1, %mul3A_1 : i32
    %mul3A_3 = arith.constant 640 : i32
    %mul3A_4 = arith.muli %arg1, %mul3A_3 : i32
    "tpu.region"() ({
      %run_scoped3A = tpu.sem_alloc : memref<!tpu.dma_semaphore, #tpu.memory_space<semaphore_mem>>
      %dma_start3A = arith.constant 0 : i32
      %dma_start3A_23 = tpu.memref_slice %arg9[%mul3A_4, %dma_start3A] : memref<10240x16xf32, #tpu.memory_space<vmem_shared>> -> memref<640x16xf32, #tpu.memory_space<vmem_shared>>
      %dma_start3A_24 = arith.constant 0 : i32
      %dma_start3A_25 = tpu.memref_slice %arg5[%mul3A_2, %dma_start3A_24] : memref<10240x16xf32, #tpu.memory_space<hbm>> -> memref<640x16xf32, #tpu.memory_space<hbm>>
      tpu.enqueue_dma source(%dma_start3A_25 : memref<640x16xf32, #tpu.memory_space<hbm>>) target(%dma_start3A_23 : memref<640x16xf32, #tpu.memory_space<vmem_shared>>) target_semaphore(%run_scoped3A : memref<!tpu.dma_semaphore, #tpu.memory_space<semaphore_mem>>)
      %dma_wait3A = arith.constant 0 : i32
      %dma_wait3A_26 = tpu.memref_slice %arg9[%mul3A_4, %dma_wait3A] : memref<10240x16xf32, #tpu.memory_space<vmem_shared>> -> memref<640x16xf32, #tpu.memory_space<vmem_shared>>
      %dma_wait3A_27 = arith.constant 0 : i32
      %dma_wait3A_28 = tpu.memref_slice %arg5[%mul3A_2, %dma_wait3A_27] : memref<10240x16xf32, #tpu.memory_space<hbm>> -> memref<640x16xf32, #tpu.memory_space<hbm>>
      tpu.wait_dma2 semaphore(%run_scoped3A : memref<!tpu.dma_semaphore, #tpu.memory_space<semaphore_mem>>) src(%dma_wait3A_28 : memref<640x16xf32, #tpu.memory_space<hbm>>) dst(%dma_wait3A_26 : memref<640x16xf32, #tpu.memory_space<vmem_shared>>)
      tpu.yield
    }) : () -> ()
    %mul3A_5 = arith.constant 640 : i32
    %mul3A_6 = arith.muli %arg1, %mul3A_5 : i32
    %mul3A_7 = arith.constant 640 : i32
    %mul3A_8 = arith.muli %arg1, %mul3A_7 : i32
    "tpu.region"() ({
      %run_scoped3A = tpu.sem_alloc : memref<!tpu.dma_semaphore, #tpu.memory_space<semaphore_mem>>
      %dma_start3A = arith.constant 0 : i32
      %dma_start3A_23 = tpu.memref_slice %arg10[%mul3A_8, %dma_start3A] : memref<10240x128xf32, #tpu.memory_space<vmem_shared>> -> memref<640x128xf32, #tpu.memory_space<vmem_shared>>
      %dma_start3A_24 = arith.constant 0 : i32
      %dma_start3A_25 = tpu.memref_slice %arg6[%mul3A_6, %dma_start3A_24] : memref<10240x128xf32, #tpu.memory_space<hbm>> -> memref<640x128xf32, #tpu.memory_space<hbm>>
      tpu.enqueue_dma source(%dma_start3A_25 : memref<640x128xf32, #tpu.memory_space<hbm>>) target(%dma_start3A_23 : memref<640x128xf32, #tpu.memory_space<vmem_shared>>) target_semaphore(%run_scoped3A : memref<!tpu.dma_semaphore, #tpu.memory_space<semaphore_mem>>)
      %dma_wait3A = arith.constant 0 : i32
      %dma_wait3A_26 = tpu.memref_slice %arg10[%mul3A_8, %dma_wait3A] : memref<10240x128xf32, #tpu.memory_space<vmem_shared>> -> memref<640x128xf32, #tpu.memory_space<vmem_shared>>
      %dma_wait3A_27 = arith.constant 0 : i32
      %dma_wait3A_28 = tpu.memref_slice %arg6[%mul3A_6, %dma_wait3A_27] : memref<10240x128xf32, #tpu.memory_space<hbm>> -> memref<640x128xf32, #tpu.memory_space<hbm>>
      tpu.wait_dma2 semaphore(%run_scoped3A : memref<!tpu.dma_semaphore, #tpu.memory_space<semaphore_mem>>) src(%dma_wait3A_28 : memref<640x128xf32, #tpu.memory_space<hbm>>) dst(%dma_wait3A_26 : memref<640x128xf32, #tpu.memory_space<vmem_shared>>)
      tpu.yield
    }) : () -> ()
    %barrier3A = arith.constant 0 : index
    tpu.barrier barrier_id(%barrier3A)
    %scan3A = arith.constant 0 : i32
    %scan3A_9 = arith.constant 0 : i32
    %scan3A_10 = arith.constant 125 : i32
    %scan3A_11 = arith.addi %scan3A_9, %scan3A_10 : i32
    %scan3A_12 = arith.constant 1 : i32
    scf.for %scan3A_23 = %scan3A_9 to %scan3A_11 step %scan3A_12  : i32 {
      %mul3A_24 = arith.constant 10000 : i32
      %mul3A_25 = arith.muli %add3A, %mul3A_24 : i32
      %mul3A_26 = arith.constant 80 : i32
      %mul3A_27 = arith.muli %scan3A_23, %mul3A_26 : i32
      %add3A_28 = arith.addi %mul3A_25, %mul3A_27 : i32
      "tpu.region"() ({
        %run_scoped3A = tpu.sem_alloc : memref<!tpu.dma_semaphore, #tpu.memory_space<semaphore_mem>>
        %dma_start3A = tpu.memref_slice %arg2[%add3A_28] : memref<320000xi32, #tpu.memory_space<hbm>> -> memref<80xi32, #tpu.memory_space<hbm>>
        %dma_start3A_29 = tpu.memref_slice %arg2[%add3A_28] : memref<320000xi32, #tpu.memory_space<hbm>> -> memref<80xi32, #tpu.memory_space<hbm>>
        tpu.enqueue_dma source(%dma_start3A_29 : memref<80xi32, #tpu.memory_space<hbm>>) target(%arg11 : memref<80xi32, #tpu.memory_space<vmem>>) target_semaphore(%run_scoped3A : memref<!tpu.dma_semaphore, #tpu.memory_space<semaphore_mem>>)
        %dma_wait3A = tpu.memref_slice %arg2[%add3A_28] : memref<320000xi32, #tpu.memory_space<hbm>> -> memref<80xi32, #tpu.memory_space<hbm>>
        %dma_wait3A_30 = tpu.memref_slice %arg2[%add3A_28] : memref<320000xi32, #tpu.memory_space<hbm>> -> memref<80xi32, #tpu.memory_space<hbm>>
        tpu.wait_dma2 semaphore(%run_scoped3A : memref<!tpu.dma_semaphore, #tpu.memory_space<semaphore_mem>>) src(%dma_wait3A_30 : memref<80xi32, #tpu.memory_space<hbm>>) dst(%arg11 : memref<80xi32, #tpu.memory_space<vmem>>)
        tpu.yield
      }) : () -> ()
      "tpu.region"() ({
        %run_scoped3A = tpu.sem_alloc : memref<!tpu.dma_semaphore, #tpu.memory_space<semaphore_mem>>
        %dma_start3A = arith.constant 0 : i32
        %dma_start3A_29 = tpu.memref_slice %arg3[%add3A_28, %dma_start3A] : memref<320000x16xf32, #tpu.memory_space<hbm>> -> memref<80x16xf32, #tpu.memory_space<hbm>>
        %dma_start3A_30 = arith.constant 0 : i32
        %dma_start3A_31 = tpu.memref_slice %arg3[%add3A_28, %dma_start3A_30] : memref<320000x16xf32, #tpu.memory_space<hbm>> -> memref<80x16xf32, #tpu.memory_space<hbm>>
        tpu.enqueue_dma source(%dma_start3A_31 : memref<80x16xf32, #tpu.memory_space<hbm>>) target(%arg12 : memref<80x16xf32, #tpu.memory_space<vmem>>) target_semaphore(%run_scoped3A : memref<!tpu.dma_semaphore, #tpu.memory_space<semaphore_mem>>)
        %dma_wait3A = arith.constant 0 : i32
        %dma_wait3A_32 = tpu.memref_slice %arg3[%add3A_28, %dma_wait3A] : memref<320000x16xf32, #tpu.memory_space<hbm>> -> memref<80x16xf32, #tpu.memory_space<hbm>>
        %dma_wait3A_33 = arith.constant 0 : i32
        %dma_wait3A_34 = tpu.memref_slice %arg3[%add3A_28, %dma_wait3A_33] : memref<320000x16xf32, #tpu.memory_space<hbm>> -> memref<80x16xf32, #tpu.memory_space<hbm>>
        tpu.wait_dma2 semaphore(%run_scoped3A : memref<!tpu.dma_semaphore, #tpu.memory_space<semaphore_mem>>) src(%dma_wait3A_34 : memref<80x16xf32, #tpu.memory_space<hbm>>) dst(%arg12 : memref<80x16xf32, #tpu.memory_space<vmem>>)
        tpu.yield
      }) : () -> ()
      "tpu.region"() ({
        %run_scoped3A = tpu.sem_alloc : memref<!tpu.dma_semaphore, #tpu.memory_space<semaphore_mem>>
        %dma_start3A = arith.constant 0 : i32
        %dma_start3A_29 = tpu.memref_slice %arg4[%add3A_28, %dma_start3A] : memref<320000x128xf32, #tpu.memory_space<hbm>> -> memref<80x128xf32, #tpu.memory_space<hbm>>
        %dma_start3A_30 = arith.constant 0 : i32
        %dma_start3A_31 = tpu.memref_slice %arg4[%add3A_28, %dma_start3A_30] : memref<320000x128xf32, #tpu.memory_space<hbm>> -> memref<80x128xf32, #tpu.memory_space<hbm>>
        tpu.enqueue_dma source(%dma_start3A_31 : memref<80x128xf32, #tpu.memory_space<hbm>>) target(%arg13 : memref<80x128xf32, #tpu.memory_space<vmem>>) target_semaphore(%run_scoped3A : memref<!tpu.dma_semaphore, #tpu.memory_space<semaphore_mem>>)
        %dma_wait3A = arith.constant 0 : i32
        %dma_wait3A_32 = tpu.memref_slice %arg4[%add3A_28, %dma_wait3A] : memref<320000x128xf32, #tpu.memory_space<hbm>> -> memref<80x128xf32, #tpu.memory_space<hbm>>
        %dma_wait3A_33 = arith.constant 0 : i32
        %dma_wait3A_34 = tpu.memref_slice %arg4[%add3A_28, %dma_wait3A_33] : memref<320000x128xf32, #tpu.memory_space<hbm>> -> memref<80x128xf32, #tpu.memory_space<hbm>>
        tpu.wait_dma2 semaphore(%run_scoped3A : memref<!tpu.dma_semaphore, #tpu.memory_space<semaphore_mem>>) src(%dma_wait3A_34 : memref<80x128xf32, #tpu.memory_space<hbm>>) dst(%arg13 : memref<80x128xf32, #tpu.memory_space<vmem>>)
        tpu.yield
      }) : () -> ()
      "tpu.region"() ({
        %run_scoped3A = tpu.sem_alloc : memref<!tpu.dma_semaphore, #tpu.memory_space<semaphore_mem>>
        %dma_start3A = arith.constant 0 : i32
        %dma_start3A_29 = arith.constant 0 : i32
        %dma_start3A_30 = tpu.memref_slice %arg9[%dma_start3A, %dma_start3A_29] : memref<10240x16xf32, #tpu.memory_space<vmem_shared>> -> memref<10240x16xf32, #tpu.memory_space<vmem_shared>>
        tpu.enqueue_indirect_dma source(%arg12 : memref<80x16xf32, #tpu.memory_space<vmem>>) target(%dma_start3A_30 : memref<10240x16xf32, #tpu.memory_space<vmem_shared>>) offsets(%arg11 : memref<80xi32, #tpu.memory_space<vmem>>) semaphore(%run_scoped3A : memref<!tpu.dma_semaphore, #tpu.memory_space<semaphore_mem>>) {add = true}
        %dma_wait3A = arith.constant 0 : i32
        %dma_wait3A_31 = arith.constant 0 : i32
        %dma_wait3A_32 = tpu.memref_slice %arg9[%dma_wait3A, %dma_wait3A_31] : memref<10240x16xf32, #tpu.memory_space<vmem_shared>> -> memref<10240x16xf32, #tpu.memory_space<vmem_shared>>
        tpu.wait_indirect_dma semaphore(%run_scoped3A : memref<!tpu.dma_semaphore, #tpu.memory_space<semaphore_mem>>) src(%arg12 : memref<80x16xf32, #tpu.memory_space<vmem>>) dst(%dma_wait3A_32 : memref<10240x16xf32, #tpu.memory_space<vmem_shared>>)
        tpu.yield
      }) : () -> ()
      "tpu.region"() ({
        %run_scoped3A = tpu.sem_alloc : memref<!tpu.dma_semaphore, #tpu.memory_space<semaphore_mem>>
        %dma_start3A = arith.constant 0 : i32
        %dma_start3A_29 = arith.constant 0 : i32
        %dma_start3A_30 = tpu.memref_slice %arg10[%dma_start3A, %dma_start3A_29] : memref<10240x128xf32, #tpu.memory_space<vmem_shared>> -> memref<10240x128xf32, #tpu.memory_space<vmem_shared>>
        tpu.enqueue_indirect_dma source(%arg13 : memref<80x128xf32, #tpu.memory_space<vmem>>) target(%dma_start3A_30 : memref<10240x128xf32, #tpu.memory_space<vmem_shared>>) offsets(%arg11 : memref<80xi32, #tpu.memory_space<vmem>>) semaphore(%run_scoped3A : memref<!tpu.dma_semaphore, #tpu.memory_space<semaphore_mem>>) {add = true}
        %dma_wait3A = arith.constant 0 : i32
        %dma_wait3A_31 = arith.constant 0 : i32
        %dma_wait3A_32 = tpu.memref_slice %arg10[%dma_wait3A, %dma_wait3A_31] : memref<10240x128xf32, #tpu.memory_space<vmem_shared>> -> memref<10240x128xf32, #tpu.memory_space<vmem_shared>>
        tpu.wait_indirect_dma semaphore(%run_scoped3A : memref<!tpu.dma_semaphore, #tpu.memory_space<semaphore_mem>>) src(%arg13 : memref<80x128xf32, #tpu.memory_space<vmem>>) dst(%dma_wait3A_32 : memref<10240x128xf32, #tpu.memory_space<vmem_shared>>)
        tpu.yield
      }) : () -> ()
    }
    %scan3A_13 = arith.constant 125 : i32
    %barrier3A_14 = arith.constant 0 : index
    tpu.barrier barrier_id(%barrier3A_14)
    %mul3A_15 = arith.constant 640 : i32
    %mul3A_16 = arith.muli %arg1, %mul3A_15 : i32
    %mul3A_17 = arith.constant 640 : i32
    %mul3A_18 = arith.muli %arg1, %mul3A_17 : i32
    "tpu.region"() ({
      %run_scoped3A = tpu.sem_alloc : memref<!tpu.dma_semaphore, #tpu.memory_space<semaphore_mem>>
      %dma_start3A = arith.constant 0 : i32
      %dma_start3A_23 = tpu.memref_slice %arg7[%arg0, %mul3A_18, %dma_start3A] : memref<2x10240x16xf32, #tpu.memory_space<hbm>> -> memref<1x640x16xf32, #tpu.memory_space<hbm>>
      %dma_start3A_24 = tpu.memref_squeeze %dma_start3A_23 : memref<1x640x16xf32, #tpu.memory_space<hbm>> -> memref<640x16xf32, #tpu.memory_space<hbm>>
      %dma_start3A_25 = arith.constant 0 : i32
      %dma_start3A_26 = tpu.memref_slice %arg9[%mul3A_16, %dma_start3A_25] : memref<10240x16xf32, #tpu.memory_space<vmem_shared>> -> memref<640x16xf32, #tpu.memory_space<vmem_shared>>
      tpu.enqueue_dma source(%dma_start3A_26 : memref<640x16xf32, #tpu.memory_space<vmem_shared>>) target(%dma_start3A_24 : memref<640x16xf32, #tpu.memory_space<hbm>>) target_semaphore(%run_scoped3A : memref<!tpu.dma_semaphore, #tpu.memory_space<semaphore_mem>>)
      %dma_wait3A = arith.constant 0 : i32
      %dma_wait3A_27 = tpu.memref_slice %arg7[%arg0, %mul3A_18, %dma_wait3A] : memref<2x10240x16xf32, #tpu.memory_space<hbm>> -> memref<1x640x16xf32, #tpu.memory_space<hbm>>
      %dma_wait3A_28 = tpu.memref_squeeze %dma_wait3A_27 : memref<1x640x16xf32, #tpu.memory_space<hbm>> -> memref<640x16xf32, #tpu.memory_space<hbm>>
      %dma_wait3A_29 = arith.constant 0 : i32
      %dma_wait3A_30 = tpu.memref_slice %arg9[%mul3A_16, %dma_wait3A_29] : memref<10240x16xf32, #tpu.memory_space<vmem_shared>> -> memref<640x16xf32, #tpu.memory_space<vmem_shared>>
      tpu.wait_dma2 semaphore(%run_scoped3A : memref<!tpu.dma_semaphore, #tpu.memory_space<semaphore_mem>>) src(%dma_wait3A_30 : memref<640x16xf32, #tpu.memory_space<vmem_shared>>) dst(%dma_wait3A_28 : memref<640x16xf32, #tpu.memory_space<hbm>>)
      tpu.yield
    }) : () -> ()
    %mul3A_19 = arith.constant 640 : i32
    %mul3A_20 = arith.muli %arg1, %mul3A_19 : i32
    %mul3A_21 = arith.constant 640 : i32
    %mul3A_22 = arith.muli %arg1, %mul3A_21 : i32
    "tpu.region"() ({
      %run_scoped3A = tpu.sem_alloc : memref<!tpu.dma_semaphore, #tpu.memory_space<semaphore_mem>>
      %dma_start3A = arith.constant 0 : i32
      %dma_start3A_23 = tpu.memref_slice %arg8[%arg0, %mul3A_22, %dma_start3A] : memref<2x10240x128xf32, #tpu.memory_space<hbm>> -> memref<1x640x128xf32, #tpu.memory_space<hbm>>
      %dma_start3A_24 = tpu.memref_squeeze %dma_start3A_23 : memref<1x640x128xf32, #tpu.memory_space<hbm>> -> memref<640x128xf32, #tpu.memory_space<hbm>>
      %dma_start3A_25 = arith.constant 0 : i32
      %dma_start3A_26 = tpu.memref_slice %arg10[%mul3A_20, %dma_start3A_25] : memref<10240x128xf32, #tpu.memory_space<vmem_shared>> -> memref<640x128xf32, #tpu.memory_space<vmem_shared>>
      tpu.enqueue_dma source(%dma_start3A_26 : memref<640x128xf32, #tpu.memory_space<vmem_shared>>) target(%dma_start3A_24 : memref<640x128xf32, #tpu.memory_space<hbm>>) target_semaphore(%run_scoped3A : memref<!tpu.dma_semaphore, #tpu.memory_space<semaphore_mem>>)
      %dma_wait3A = arith.constant 0 : i32
      %dma_wait3A_27 = tpu.memref_slice %arg8[%arg0, %mul3A_22, %dma_wait3A] : memref<2x10240x128xf32, #tpu.memory_space<hbm>> -> memref<1x640x128xf32, #tpu.memory_space<hbm>>
      %dma_wait3A_28 = tpu.memref_squeeze %dma_wait3A_27 : memref<1x640x128xf32, #tpu.memory_space<hbm>> -> memref<640x128xf32, #tpu.memory_space<hbm>>
      %dma_wait3A_29 = arith.constant 0 : i32
      %dma_wait3A_30 = tpu.memref_slice %arg10[%mul3A_20, %dma_wait3A_29] : memref<10240x128xf32, #tpu.memory_space<vmem_shared>> -> memref<640x128xf32, #tpu.memory_space<vmem_shared>>
      tpu.wait_dma2 semaphore(%run_scoped3A : memref<!tpu.dma_semaphore, #tpu.memory_space<semaphore_mem>>) src(%dma_wait3A_30 : memref<640x128xf32, #tpu.memory_space<vmem_shared>>) dst(%dma_wait3A_28 : memref<640x128xf32, #tpu.memory_space<hbm>>)
      tpu.yield
    }) : () -> ()
    return
  }
}

module attributes {stable_mosaic.version = 14 : i64} {
  func.func @_emb_qkv_body(%arg0: i32, %arg1: memref<2000x8xf32, #tpu.memory_space<vmem>>, %arg2: memref<8x128xf32, #tpu.memory_space<vmem>>, %arg3: memref<1x128xf32, #tpu.memory_space<vmem>>, %arg4: memref<128x128xf32, #tpu.memory_space<vmem>>, %arg5: memref<1x128xf32, #tpu.memory_space<vmem>>, %arg6: memref<128x128xf32, #tpu.memory_space<vmem>>, %arg7: memref<1x128xf32, #tpu.memory_space<vmem>>, %arg8: memref<128x128xf32, #tpu.memory_space<vmem>>, %arg9: memref<1x128xf32, #tpu.memory_space<vmem>>, %arg10: memref<128x16xf32, #tpu.memory_space<vmem>>, %arg11: memref<16x128xf32, #tpu.memory_space<vmem>>, %arg12: memref<2000x128xf32, #tpu.memory_space<vmem>>, %arg13: memref<2000x128xf32, #tpu.memory_space<vmem>>, %arg14: memref<2000x16xf32, #tpu.memory_space<vmem>>) attributes {dimension_semantics = [#tpu.dimension_semantics<arbitrary>], iteration_bounds = array<i64: 160>, scalar_prefetch = 0 : i64, scratch_operands = 0 : i64, tpu.core_type = #tpu.core_type<tc>, window_params = [{transform_indices = @transform_0, window_bounds = array<i64: 2000, 8>}, {pipeline_mode = #tpu.pipeline_mode<synchronous>, transform_indices = @transform_1, window_bounds = array<i64: 8, 128>}, {pipeline_mode = #tpu.pipeline_mode<synchronous>, transform_indices = @transform_2, window_bounds = array<i64: 1, 128>}, {pipeline_mode = #tpu.pipeline_mode<synchronous>, transform_indices = @transform_3, window_bounds = array<i64: 128, 128>}, {pipeline_mode = #tpu.pipeline_mode<synchronous>, transform_indices = @transform_4, window_bounds = array<i64: 1, 128>}, {pipeline_mode = #tpu.pipeline_mode<synchronous>, transform_indices = @transform_5, window_bounds = array<i64: 128, 128>}, {pipeline_mode = #tpu.pipeline_mode<synchronous>, transform_indices = @transform_6, window_bounds = array<i64: 1, 128>}, {pipeline_mode = #tpu.pipeline_mode<synchronous>, transform_indices = @transform_7, window_bounds = array<i64: 128, 128>}, {pipeline_mode = #tpu.pipeline_mode<synchronous>, transform_indices = @transform_8, window_bounds = array<i64: 1, 128>}, {pipeline_mode = #tpu.pipeline_mode<synchronous>, transform_indices = @transform_9, window_bounds = array<i64: 128, 16>}, {pipeline_mode = #tpu.pipeline_mode<synchronous>, transform_indices = @transform_10, window_bounds = array<i64: 16, 128>}, {transform_indices = @transform_11, window_bounds = array<i64: 2000, 128>}, {transform_indices = @transform_12, window_bounds = array<i64: 2000, 128>}, {transform_indices = @transform_13, window_bounds = array<i64: 2000, 16>}]} {
    %get3A = arith.constant 0 : index
    %get3A_0 = arith.constant 0 : index
    %get3A_1 = vector.load %arg1[%get3A, %get3A_0] : memref<2000x8xf32, #tpu.memory_space<vmem>>, vector<2000x8xf32>
    %get3A_2 = arith.constant 0 : index
    %get3A_3 = arith.constant 0 : index
    %get3A_4 = vector.load %arg2[%get3A_2, %get3A_3] : memref<8x128xf32, #tpu.memory_space<vmem>>, vector<8x128xf32>
    %dot_general3A = arith.constant dense<0.000000e+00> : vector<2000x128xf32>
    %dot_general3A_5 = tpu.matmul %get3A_1, %get3A_4, %dot_general3A {dimension_numbers = #tpu.dot_dimension_numbers<[1], [0], [0], [1], [0, 0, 1, 1], [], []>, precision = #tpu.contract_precision<fp32>, transpose_lhs_hint = false} : vector<2000x8xf32>, vector<8x128xf32>, vector<2000x128xf32> -> vector<2000x128xf32>
    %get3A_6 = arith.constant 0 : index
    %get3A_7 = arith.constant 0 : index
    %get3A_8 = vector.load %arg3[%get3A_6, %get3A_7] : memref<1x128xf32, #tpu.memory_space<vmem>>, vector<1x128xf32>
    %add3A = vector.broadcast %get3A_8 : vector<1x128xf32> to vector<2000x128xf32>
    %add3A_9 = arith.addf %dot_general3A_5, %add3A : vector<2000x128xf32>
    %swap3A = arith.constant 0 : index
    %swap3A_10 = arith.constant 0 : index
    %swap3A_11 = vector.load %arg12[%swap3A, %swap3A_10] : memref<2000x128xf32, #tpu.memory_space<vmem>>, vector<2000x128xf32>
    tpu.vector_store %arg12[%swap3A, %swap3A_10], %add3A_9 {strides = array<i32>} : memref<2000x128xf32, #tpu.memory_space<vmem>>, vector<2000x128xf32>,
    %get3A_12 = arith.constant 0 : index
    %get3A_13 = arith.constant 0 : index
    %get3A_14 = vector.load %arg4[%get3A_12, %get3A_13] : memref<128x128xf32, #tpu.memory_space<vmem>>, vector<128x128xf32>
    %dot_general3A_15 = arith.constant dense<0.000000e+00> : vector<2000x128xf32>
    %dot_general3A_16 = tpu.matmul %add3A_9, %get3A_14, %dot_general3A_15 {dimension_numbers = #tpu.dot_dimension_numbers<[1], [0], [0], [1], [0, 0, 1, 1], [], []>, precision = #tpu.contract_precision<fp32>, transpose_lhs_hint = false} : vector<2000x128xf32>, vector<128x128xf32>, vector<2000x128xf32> -> vector<2000x128xf32>
    %get3A_17 = arith.constant 0 : index
    %get3A_18 = arith.constant 0 : index
    %get3A_19 = vector.load %arg5[%get3A_17, %get3A_18] : memref<1x128xf32, #tpu.memory_space<vmem>>, vector<1x128xf32>
    %add3A_20 = vector.broadcast %get3A_19 : vector<1x128xf32> to vector<2000x128xf32>
    %add3A_21 = arith.addf %dot_general3A_16, %add3A_20 : vector<2000x128xf32>
    %get3A_22 = arith.constant 0 : index
    %get3A_23 = arith.constant 0 : index
    %get3A_24 = vector.load %arg6[%get3A_22, %get3A_23] : memref<128x128xf32, #tpu.memory_space<vmem>>, vector<128x128xf32>
    %dot_general3A_25 = arith.constant dense<0.000000e+00> : vector<2000x128xf32>
    %dot_general3A_26 = tpu.matmul %add3A_9, %get3A_24, %dot_general3A_25 {dimension_numbers = #tpu.dot_dimension_numbers<[1], [0], [0], [1], [0, 0, 1, 1], [], []>, precision = #tpu.contract_precision<fp32>, transpose_lhs_hint = false} : vector<2000x128xf32>, vector<128x128xf32>, vector<2000x128xf32> -> vector<2000x128xf32>
    %get3A_27 = arith.constant 0 : index
    %get3A_28 = arith.constant 0 : index
    %get3A_29 = vector.load %arg7[%get3A_27, %get3A_28] : memref<1x128xf32, #tpu.memory_space<vmem>>, vector<1x128xf32>
    %add3A_30 = vector.broadcast %get3A_29 : vector<1x128xf32> to vector<2000x128xf32>
    %add3A_31 = arith.addf %dot_general3A_26, %add3A_30 : vector<2000x128xf32>
    %get3A_32 = arith.constant 0 : index
    %get3A_33 = arith.constant 0 : index
    %get3A_34 = vector.load %arg8[%get3A_32, %get3A_33] : memref<128x128xf32, #tpu.memory_space<vmem>>, vector<128x128xf32>
    %dot_general3A_35 = arith.constant dense<0.000000e+00> : vector<2000x128xf32>
    %dot_general3A_36 = tpu.matmul %add3A_9, %get3A_34, %dot_general3A_35 {dimension_numbers = #tpu.dot_dimension_numbers<[1], [0], [0], [1], [0, 0, 1, 1], [], []>, precision = #tpu.contract_precision<fp32>, transpose_lhs_hint = false} : vector<2000x128xf32>, vector<128x128xf32>, vector<2000x128xf32> -> vector<2000x128xf32>
    %get3A_37 = arith.constant 0 : index
    %get3A_38 = arith.constant 0 : index
    %get3A_39 = vector.load %arg9[%get3A_37, %get3A_38] : memref<1x128xf32, #tpu.memory_space<vmem>>, vector<1x128xf32>
    %add3A_40 = vector.broadcast %get3A_39 : vector<1x128xf32> to vector<2000x128xf32>
    %add3A_41 = arith.addf %dot_general3A_36, %add3A_40 : vector<2000x128xf32>
    %mul3A = arith.mulf %add3A_21, %add3A_31 : vector<2000x128xf32>
    %get3A_42 = arith.constant 0 : index
    %get3A_43 = arith.constant 0 : index
    %get3A_44 = vector.load %arg10[%get3A_42, %get3A_43] : memref<128x16xf32, #tpu.memory_space<vmem>>, vector<128x16xf32>
    %dot_general3A_45 = arith.constant dense<0.000000e+00> : vector<2000x16xf32>
    %dot_general3A_46 = tpu.matmul %mul3A, %get3A_44, %dot_general3A_45 {dimension_numbers = #tpu.dot_dimension_numbers<[1], [0], [0], [1], [0, 0, 1, 1], [], []>, precision = #tpu.contract_precision<fp32>, transpose_lhs_hint = false} : vector<2000x128xf32>, vector<128x16xf32>, vector<2000x16xf32> -> vector<2000x16xf32>
    %exp3A = math.exp %dot_general3A_46 : vector<2000x16xf32>
    %swap3A_47 = arith.constant 0 : index
    %swap3A_48 = arith.constant 0 : index
    %swap3A_49 = vector.load %arg14[%swap3A_47, %swap3A_48] : memref<2000x16xf32, #tpu.memory_space<vmem>>, vector<2000x16xf32>
    tpu.vector_store %arg14[%swap3A_47, %swap3A_48], %exp3A {strides = array<i32>} : memref<2000x16xf32, #tpu.memory_space<vmem>>, vector<2000x16xf32>,
    %get3A_50 = arith.constant 0 : index
    %get3A_51 = arith.constant 0 : index
    %get3A_52 = vector.load %arg11[%get3A_50, %get3A_51] : memref<16x128xf32, #tpu.memory_space<vmem>>, vector<16x128xf32>
    %dot_general3A_53 = arith.constant dense<0.000000e+00> : vector<2000x128xf32>
    %dot_general3A_54 = tpu.matmul %exp3A, %get3A_52, %dot_general3A_53 {dimension_numbers = #tpu.dot_dimension_numbers<[1], [0], [0], [1], [0, 0, 1, 1], [], []>, precision = #tpu.contract_precision<fp32>, transpose_lhs_hint = false} : vector<2000x16xf32>, vector<16x128xf32>, vector<2000x128xf32> -> vector<2000x128xf32>
    %mul3A_55 = arith.mulf %add3A_41, %dot_general3A_54 : vector<2000x128xf32>
    %swap3A_56 = arith.constant 0 : index
    %swap3A_57 = arith.constant 0 : index
    %swap3A_58 = vector.load %arg13[%swap3A_56, %swap3A_57] : memref<2000x128xf32, #tpu.memory_space<vmem>>, vector<2000x128xf32>
    tpu.vector_store %arg13[%swap3A_56, %swap3A_57], %mul3A_55 {strides = array<i32>} : memref<2000x128xf32, #tpu.memory_space<vmem>>, vector<2000x128xf32>,
    return
  }
  func.func @transform_0(%arg0: i32) -> (i32, i32) {
    %c0_i32 = arith.constant 0 : i32
    %c0_i32_0 = arith.constant 0 : i32
    return %arg0, %c0_i32 : i32, i32
  }
  func.func @transform_1(%arg0: i32) -> (i32, i32) {
    %c0_i32 = arith.constant 0 : i32
    %c0_i32_0 = arith.constant 0 : i32
    %c0_i32_1 = arith.constant 0 : i32
    return %c0_i32, %c0_i32_0 : i32, i32
  }
  func.func @transform_2(%arg0: i32) -> (i32, i32) {
    %c0_i32 = arith.constant 0 : i32
    %c0_i32_0 = arith.constant 0 : i32
    %c0_i32_1 = arith.constant 0 : i32
    return %c0_i32, %c0_i32_0 : i32, i32
  }
  func.func @transform_3(%arg0: i32) -> (i32, i32) {
    %c0_i32 = arith.constant 0 : i32
    %c0_i32_0 = arith.constant 0 : i32
    %c0_i32_1 = arith.constant 0 : i32
    return %c0_i32, %c0_i32_0 : i32, i32
  }
  func.func @transform_4(%arg0: i32) -> (i32, i32) {
    %c0_i32 = arith.constant 0 : i32
    %c0_i32_0 = arith.constant 0 : i32
    %c0_i32_1 = arith.constant 0 : i32
    return %c0_i32, %c0_i32_0 : i32, i32
  }
  func.func @transform_5(%arg0: i32) -> (i32, i32) {
    %c0_i32 = arith.constant 0 : i32
    %c0_i32_0 = arith.constant 0 : i32
    %c0_i32_1 = arith.constant 0 : i32
    return %c0_i32, %c0_i32_0 : i32, i32
  }
  func.func @transform_6(%arg0: i32) -> (i32, i32) {
    %c0_i32 = arith.constant 0 : i32
    %c0_i32_0 = arith.constant 0 : i32
    %c0_i32_1 = arith.constant 0 : i32
    return %c0_i32, %c0_i32_0 : i32, i32
  }
  func.func @transform_7(%arg0: i32) -> (i32, i32) {
    %c0_i32 = arith.constant 0 : i32
    %c0_i32_0 = arith.constant 0 : i32
    %c0_i32_1 = arith.constant 0 : i32
    return %c0_i32, %c0_i32_0 : i32, i32
  }
  func.func @transform_8(%arg0: i32) -> (i32, i32) {
    %c0_i32 = arith.constant 0 : i32
    %c0_i32_0 = arith.constant 0 : i32
    %c0_i32_1 = arith.constant 0 : i32
    return %c0_i32, %c0_i32_0 : i32, i32
  }
  func.func @transform_9(%arg0: i32) -> (i32, i32) {
    %c0_i32 = arith.constant 0 : i32
    %c0_i32_0 = arith.constant 0 : i32
    %c0_i32_1 = arith.constant 0 : i32
    return %c0_i32, %c0_i32_0 : i32, i32
  }
  func.func @transform_10(%arg0: i32) -> (i32, i32) {
    %c0_i32 = arith.constant 0 : i32
    %c0_i32_0 = arith.constant 0 : i32
    %c0_i32_1 = arith.constant 0 : i32
    return %c0_i32, %c0_i32_0 : i32, i32
  }
  func.func @transform_11(%arg0: i32) -> (i32, i32) {
    %c0_i32 = arith.constant 0 : i32
    %c0_i32_0 = arith.constant 0 : i32
    return %arg0, %c0_i32 : i32, i32
  }
  func.func @transform_12(%arg0: i32) -> (i32, i32) {
    %c0_i32 = arith.constant 0 : i32
    %c0_i32_0 = arith.constant 0 : i32
    return %arg0, %c0_i32 : i32, i32
  }
  func.func @transform_13(%arg0: i32) -> (i32, i32) {
    %c0_i32 = arith.constant 0 : i32
    %c0_i32_0 = arith.constant 0 : i32
    return %arg0, %c0_i32 : i32, i32
  }
}

module attributes {stable_mosaic.version = 14 : i64} {
  func.func @_node_proj_body(%arg0: i32, %arg1: memref<1x640x128xf32, #tpu.memory_space<vmem>>, %arg2: memref<1x640x128xf32, #tpu.memory_space<vmem>>, %arg3: memref<1x640x16xf32, #tpu.memory_space<vmem>>, %arg4: memref<1x640x16xf32, #tpu.memory_space<vmem>>, %arg5: memref<16x128xf32, #tpu.memory_space<vmem>>, %arg6: memref<128x128xf32, #tpu.memory_space<vmem>>, %arg7: memref<1x128xf32, #tpu.memory_space<vmem>>, %arg8: memref<128x128xf32, #tpu.memory_space<vmem>>, %arg9: memref<128x128xf32, #tpu.memory_space<vmem>>, %arg10: memref<1x128xf32, #tpu.memory_space<vmem>>, %arg11: memref<640x128xf32, #tpu.memory_space<vmem>>, %arg12: memref<640x128xf32, #tpu.memory_space<vmem>>) attributes {dimension_semantics = [#tpu.dimension_semantics<arbitrary>], iteration_bounds = array<i64: 16>, scalar_prefetch = 0 : i64, scratch_operands = 0 : i64, tpu.core_type = #tpu.core_type<tc>, window_params = [{transform_indices = @transform_0, window_bounds = array<i64: 1, 640, 128>}, {transform_indices = @transform_1, window_bounds = array<i64: 1, 640, 128>}, {transform_indices = @transform_2, window_bounds = array<i64: 1, 640, 16>}, {transform_indices = @transform_3, window_bounds = array<i64: 1, 640, 16>}, {pipeline_mode = #tpu.pipeline_mode<synchronous>, transform_indices = @transform_4, window_bounds = array<i64: 16, 128>}, {pipeline_mode = #tpu.pipeline_mode<synchronous>, transform_indices = @transform_5, window_bounds = array<i64: 128, 128>}, {pipeline_mode = #tpu.pipeline_mode<synchronous>, transform_indices = @transform_6, window_bounds = array<i64: 1, 128>}, {pipeline_mode = #tpu.pipeline_mode<synchronous>, transform_indices = @transform_7, window_bounds = array<i64: 128, 128>}, {pipeline_mode = #tpu.pipeline_mode<synchronous>, transform_indices = @transform_8, window_bounds = array<i64: 128, 128>}, {pipeline_mode = #tpu.pipeline_mode<synchronous>, transform_indices = @transform_9, window_bounds = array<i64: 1, 128>}, {transform_indices = @transform_10, window_bounds = array<i64: 640, 128>}, {transform_indices = @transform_11, window_bounds = array<i64: 640, 128>}]} {
    %get3A = arith.constant 0 : index
    %get3A_0 = arith.constant 0 : index
    %get3A_1 = arith.constant 0 : index
    %get3A_2 = vector.load %arg3[%get3A, %get3A_0, %get3A_1] : memref<1x640x16xf32, #tpu.memory_space<vmem>>, vector<1x640x16xf32>
    %get3A_3 = vector.shape_cast %get3A_2 : vector<1x640x16xf32> to vector<640x16xf32>
    %get3A_4 = arith.constant 0 : index
    %get3A_5 = arith.constant 0 : index
    %get3A_6 = arith.constant 0 : index
    %get3A_7 = vector.load %arg4[%get3A_4, %get3A_5, %get3A_6] : memref<1x640x16xf32, #tpu.memory_space<vmem>>, vector<1x640x16xf32>
    %get3A_8 = vector.shape_cast %get3A_7 : vector<1x640x16xf32> to vector<640x16xf32>
    %add3A = arith.addf %get3A_3, %get3A_8 : vector<640x16xf32>
    %get3A_9 = arith.constant 0 : index
    %get3A_10 = arith.constant 0 : index
    %get3A_11 = vector.load %arg5[%get3A_9, %get3A_10] : memref<16x128xf32, #tpu.memory_space<vmem>>, vector<16x128xf32>
    %dot_general3A = arith.constant dense<0.000000e+00> : vector<640x128xf32>
    %dot_general3A_12 = tpu.matmul %add3A, %get3A_11, %dot_general3A {dimension_numbers = #tpu.dot_dimension_numbers<[1], [0], [0], [1], [0, 0, 1, 1], [], []>, precision = #tpu.contract_precision<fp32>, transpose_lhs_hint = false} : vector<640x16xf32>, vector<16x128xf32>, vector<640x128xf32> -> vector<640x128xf32>
    %add3A_13 = arith.constant 1.000000e-16 : f32
    %add3A_14 = vector.broadcast %add3A_13 : f32 to vector<640x128xf32>
    %add3A_15 = arith.addf %dot_general3A_12, %add3A_14 : vector<640x128xf32>
    %get3A_16 = arith.constant 0 : index
    %get3A_17 = arith.constant 0 : index
    %get3A_18 = arith.constant 0 : index
    %get3A_19 = vector.load %arg1[%get3A_16, %get3A_17, %get3A_18] : memref<1x640x128xf32, #tpu.memory_space<vmem>>, vector<1x640x128xf32>
    %get3A_20 = vector.shape_cast %get3A_19 : vector<1x640x128xf32> to vector<640x128xf32>
    %get3A_21 = arith.constant 0 : index
    %get3A_22 = arith.constant 0 : index
    %get3A_23 = arith.constant 0 : index
    %get3A_24 = vector.load %arg2[%get3A_21, %get3A_22, %get3A_23] : memref<1x640x128xf32, #tpu.memory_space<vmem>>, vector<1x640x128xf32>
    %get3A_25 = vector.shape_cast %get3A_24 : vector<1x640x128xf32> to vector<640x128xf32>
    %add3A_26 = arith.addf %get3A_20, %get3A_25 : vector<640x128xf32>
    %div3A = arith.divf %add3A_26, %add3A_15 : vector<640x128xf32>
    %get3A_27 = arith.constant 0 : index
    %get3A_28 = arith.constant 0 : index
    %get3A_29 = vector.load %arg6[%get3A_27, %get3A_28] : memref<128x128xf32, #tpu.memory_space<vmem>>, vector<128x128xf32>
    %dot_general3A_30 = arith.constant dense<0.000000e+00> : vector<640x128xf32>
    %dot_general3A_31 = tpu.matmul %div3A, %get3A_29, %dot_general3A_30 {dimension_numbers = #tpu.dot_dimension_numbers<[1], [0], [0], [1], [0, 0, 1, 1], [], []>, precision = #tpu.contract_precision<fp32>, transpose_lhs_hint = false} : vector<640x128xf32>, vector<128x128xf32>, vector<640x128xf32> -> vector<640x128xf32>
    %get3A_32 = arith.constant 0 : index
    %get3A_33 = arith.constant 0 : index
    %get3A_34 = vector.load %arg7[%get3A_32, %get3A_33] : memref<1x128xf32, #tpu.memory_space<vmem>>, vector<1x128xf32>
    %add3A_35 = vector.broadcast %get3A_34 : vector<1x128xf32> to vector<640x128xf32>
    %add3A_36 = arith.addf %dot_general3A_31, %add3A_35 : vector<640x128xf32>
    %get3A_37 = arith.constant 0 : index
    %get3A_38 = arith.constant 0 : index
    %get3A_39 = vector.load %arg8[%get3A_37, %get3A_38] : memref<128x128xf32, #tpu.memory_space<vmem>>, vector<128x128xf32>
    %dot_general3A_40 = arith.constant dense<0.000000e+00> : vector<640x128xf32>
    %dot_general3A_41 = tpu.matmul %add3A_36, %get3A_39, %dot_general3A_40 {dimension_numbers = #tpu.dot_dimension_numbers<[1], [0], [0], [1], [0, 0, 1, 1], [], []>, precision = #tpu.contract_precision<fp32>, transpose_lhs_hint = false} : vector<640x128xf32>, vector<128x128xf32>, vector<640x128xf32> -> vector<640x128xf32>
    %swap3A = arith.constant 0 : index
    %swap3A_42 = arith.constant 0 : index
    %swap3A_43 = vector.load %arg11[%swap3A, %swap3A_42] : memref<640x128xf32, #tpu.memory_space<vmem>>, vector<640x128xf32>
    tpu.vector_store %arg11[%swap3A, %swap3A_42], %dot_general3A_41 {strides = array<i32>} : memref<640x128xf32, #tpu.memory_space<vmem>>, vector<640x128xf32>,
    %get3A_44 = arith.constant 0 : index
    %get3A_45 = arith.constant 0 : index
    %get3A_46 = vector.load %arg9[%get3A_44, %get3A_45] : memref<128x128xf32, #tpu.memory_space<vmem>>, vector<128x128xf32>
    %dot_general3A_47 = arith.constant dense<0.000000e+00> : vector<640x128xf32>
    %dot_general3A_48 = tpu.matmul %add3A_36, %get3A_46, %dot_general3A_47 {dimension_numbers = #tpu.dot_dimension_numbers<[1], [0], [0], [1], [0, 0, 1, 1], [], []>, precision = #tpu.contract_precision<fp32>, transpose_lhs_hint = false} : vector<640x128xf32>, vector<128x128xf32>, vector<640x128xf32> -> vector<640x128xf32>
    %get3A_49 = arith.constant 0 : index
    %get3A_50 = arith.constant 0 : index
    %get3A_51 = vector.load %arg10[%get3A_49, %get3A_50] : memref<1x128xf32, #tpu.memory_space<vmem>>, vector<1x128xf32>
    %add3A_52 = vector.broadcast %get3A_51 : vector<1x128xf32> to vector<640x128xf32>
    %add3A_53 = arith.addf %dot_general3A_48, %add3A_52 : vector<640x128xf32>
    %swap3A_54 = arith.constant 0 : index
    %swap3A_55 = arith.constant 0 : index
    %swap3A_56 = vector.load %arg12[%swap3A_54, %swap3A_55] : memref<640x128xf32, #tpu.memory_space<vmem>>, vector<640x128xf32>
    tpu.vector_store %arg12[%swap3A_54, %swap3A_55], %add3A_53 {strides = array<i32>} : memref<640x128xf32, #tpu.memory_space<vmem>>, vector<640x128xf32>,
    return
  }
  func.func @transform_0(%arg0: i32) -> (i32, i32, i32) {
    %c0_i32 = arith.constant 0 : i32
    %c0_i32_0 = arith.constant 0 : i32
    %c0_i32_1 = arith.constant 0 : i32
    return %c0_i32, %arg0, %c0_i32_0 : i32, i32, i32
  }
  func.func @transform_1(%arg0: i32) -> (i32, i32, i32) {
    %c1_i32 = arith.constant 1 : i32
    %c0_i32 = arith.constant 0 : i32
    %c0_i32_0 = arith.constant 0 : i32
    return %c1_i32, %arg0, %c0_i32 : i32, i32, i32
  }
  func.func @transform_2(%arg0: i32) -> (i32, i32, i32) {
    %c0_i32 = arith.constant 0 : i32
    %c0_i32_0 = arith.constant 0 : i32
    %c0_i32_1 = arith.constant 0 : i32
    return %c0_i32, %arg0, %c0_i32_0 : i32, i32, i32
  }
  func.func @transform_3(%arg0: i32) -> (i32, i32, i32) {
    %c1_i32 = arith.constant 1 : i32
    %c0_i32 = arith.constant 0 : i32
    %c0_i32_0 = arith.constant 0 : i32
    return %c1_i32, %arg0, %c0_i32 : i32, i32, i32
  }
  func.func @transform_4(%arg0: i32) -> (i32, i32) {
    %c0_i32 = arith.constant 0 : i32
    %c0_i32_0 = arith.constant 0 : i32
    %c0_i32_1 = arith.constant 0 : i32
    return %c0_i32, %c0_i32_0 : i32, i32
  }
  func.func @transform_5(%arg0: i32) -> (i32, i32) {
    %c0_i32 = arith.constant 0 : i32
    %c0_i32_0 = arith.constant 0 : i32
    %c0_i32_1 = arith.constant 0 : i32
    return %c0_i32, %c0_i32_0 : i32, i32
  }
  func.func @transform_6(%arg0: i32) -> (i32, i32) {
    %c0_i32 = arith.constant 0 : i32
    %c0_i32_0 = arith.constant 0 : i32
    %c0_i32_1 = arith.constant 0 : i32
    return %c0_i32, %c0_i32_0 : i32, i32
  }
  func.func @transform_7(%arg0: i32) -> (i32, i32) {
    %c0_i32 = arith.constant 0 : i32
    %c0_i32_0 = arith.constant 0 : i32
    %c0_i32_1 = arith.constant 0 : i32
    return %c0_i32, %c0_i32_0 : i32, i32
  }
  func.func @transform_8(%arg0: i32) -> (i32, i32) {
    %c0_i32 = arith.constant 0 : i32
    %c0_i32_0 = arith.constant 0 : i32
    %c0_i32_1 = arith.constant 0 : i32
    return %c0_i32, %c0_i32_0 : i32, i32
  }
  func.func @transform_9(%arg0: i32) -> (i32, i32) {
    %c0_i32 = arith.constant 0 : i32
    %c0_i32_0 = arith.constant 0 : i32
    %c0_i32_1 = arith.constant 0 : i32
    return %c0_i32, %c0_i32_0 : i32, i32
  }
  func.func @transform_10(%arg0: i32) -> (i32, i32) {
    %c0_i32 = arith.constant 0 : i32
    %c0_i32_0 = arith.constant 0 : i32
    return %arg0, %c0_i32 : i32, i32
  }
  func.func @transform_11(%arg0: i32) -> (i32, i32) {
    %c0_i32 = arith.constant 0 : i32
    %c0_i32_0 = arith.constant 0 : i32
    return %arg0, %c0_i32 : i32, i32
  }
}

module attributes {stable_mosaic.version = 14 : i64} {
  func.func @_ffn_body(%arg0: i32, %arg1: memref<2000x128xf32, #tpu.memory_space<vmem>>, %arg2: memref<2000x128xf32, #tpu.memory_space<vmem>>, %arg3: memref<128x512xf32, #tpu.memory_space<vmem>>, %arg4: memref<1x512xf32, #tpu.memory_space<vmem>>, %arg5: memref<512x128xf32, #tpu.memory_space<vmem>>, %arg6: memref<1x128xf32, #tpu.memory_space<vmem>>, %arg7: memref<2000x128xf32, #tpu.memory_space<vmem>>) attributes {dimension_semantics = [#tpu.dimension_semantics<arbitrary>], iteration_bounds = array<i64: 160>, scalar_prefetch = 0 : i64, scratch_operands = 0 : i64, tpu.core_type = #tpu.core_type<tc>, window_params = [{transform_indices = @transform_0, window_bounds = array<i64: 2000, 128>}, {transform_indices = @transform_1, window_bounds = array<i64: 2000, 128>}, {pipeline_mode = #tpu.pipeline_mode<synchronous>, transform_indices = @transform_2, window_bounds = array<i64: 128, 512>}, {pipeline_mode = #tpu.pipeline_mode<synchronous>, transform_indices = @transform_3, window_bounds = array<i64: 1, 512>}, {pipeline_mode = #tpu.pipeline_mode<synchronous>, transform_indices = @transform_4, window_bounds = array<i64: 512, 128>}, {pipeline_mode = #tpu.pipeline_mode<synchronous>, transform_indices = @transform_5, window_bounds = array<i64: 1, 128>}, {transform_indices = @transform_6, window_bounds = array<i64: 2000, 128>}]} {
    %get3A = arith.constant 0 : index
    %get3A_0 = arith.constant 0 : index
    %get3A_1 = vector.load %arg1[%get3A, %get3A_0] : memref<2000x128xf32, #tpu.memory_space<vmem>>, vector<2000x128xf32>
    %get3A_2 = arith.constant 0 : index
    %get3A_3 = arith.constant 0 : index
    %get3A_4 = vector.load %arg2[%get3A_2, %get3A_3] : memref<2000x128xf32, #tpu.memory_space<vmem>>, vector<2000x128xf32>
    %add3A = arith.addf %get3A_1, %get3A_4 : vector<2000x128xf32>
    %get3A_5 = arith.constant 0 : index
    %get3A_6 = arith.constant 0 : index
    %get3A_7 = vector.load %arg3[%get3A_5, %get3A_6] : memref<128x512xf32, #tpu.memory_space<vmem>>, vector<128x512xf32>
    %dot_general3A = arith.constant dense<0.000000e+00> : vector<2000x512xf32>
    %dot_general3A_8 = tpu.matmul %add3A, %get3A_7, %dot_general3A {dimension_numbers = #tpu.dot_dimension_numbers<[1], [0], [0], [1], [0, 0, 1, 1], [], []>, precision = #tpu.contract_precision<fp32>, transpose_lhs_hint = false} : vector<2000x128xf32>, vector<128x512xf32>, vector<2000x512xf32> -> vector<2000x512xf32>
    %get3A_9 = arith.constant 0 : index
    %get3A_10 = arith.constant 0 : index
    %get3A_11 = vector.load %arg4[%get3A_9, %get3A_10] : memref<1x512xf32, #tpu.memory_space<vmem>>, vector<1x512xf32>
    %add3A_12 = vector.broadcast %get3A_11 : vector<1x512xf32> to vector<2000x512xf32>
    %add3A_13 = arith.addf %dot_general3A_8, %add3A_12 : vector<2000x512xf32>
    %max3A = arith.constant 0.000000e+00 : f32
    %max3A_14 = vector.broadcast %max3A : f32 to vector<2000x512xf32>
    %max3A_15 = arith.maximumf %add3A_13, %max3A_14 : vector<2000x512xf32>
    %get3A_16 = arith.constant 0 : index
    %get3A_17 = arith.constant 0 : index
    %get3A_18 = vector.load %arg5[%get3A_16, %get3A_17] : memref<512x128xf32, #tpu.memory_space<vmem>>, vector<512x128xf32>
    %dot_general3A_19 = arith.constant dense<0.000000e+00> : vector<2000x128xf32>
    %dot_general3A_20 = tpu.matmul %max3A_15, %get3A_18, %dot_general3A_19 {dimension_numbers = #tpu.dot_dimension_numbers<[1], [0], [0], [1], [0, 0, 1, 1], [], []>, precision = #tpu.contract_precision<fp32>, transpose_lhs_hint = false} : vector<2000x512xf32>, vector<512x128xf32>, vector<2000x128xf32> -> vector<2000x128xf32>
    %add3A_21 = arith.addf %add3A, %dot_general3A_20 : vector<2000x128xf32>
    %get3A_22 = arith.constant 0 : index
    %get3A_23 = arith.constant 0 : index
    %get3A_24 = vector.load %arg6[%get3A_22, %get3A_23] : memref<1x128xf32, #tpu.memory_space<vmem>>, vector<1x128xf32>
    %add3A_25 = vector.broadcast %get3A_24 : vector<1x128xf32> to vector<2000x128xf32>
    %add3A_26 = arith.addf %add3A_21, %add3A_25 : vector<2000x128xf32>
    %swap3A = arith.constant 0 : index
    %swap3A_27 = arith.constant 0 : index
    %swap3A_28 = vector.load %arg7[%swap3A, %swap3A_27] : memref<2000x128xf32, #tpu.memory_space<vmem>>, vector<2000x128xf32>
    tpu.vector_store %arg7[%swap3A, %swap3A_27], %add3A_26 {strides = array<i32>} : memref<2000x128xf32, #tpu.memory_space<vmem>>, vector<2000x128xf32>,
    return
  }
  func.func @transform_0(%arg0: i32) -> (i32, i32) {
    %c0_i32 = arith.constant 0 : i32
    %c0_i32_0 = arith.constant 0 : i32
    return %arg0, %c0_i32 : i32, i32
  }
  func.func @transform_1(%arg0: i32) -> (i32, i32) {
    %c0_i32 = arith.constant 0 : i32
    %c0_i32_0 = arith.constant 0 : i32
    return %arg0, %c0_i32 : i32, i32
  }
  func.func @transform_2(%arg0: i32) -> (i32, i32) {
    %c0_i32 = arith.constant 0 : i32
    %c0_i32_0 = arith.constant 0 : i32
    %c0_i32_1 = arith.constant 0 : i32
    return %c0_i32, %c0_i32_0 : i32, i32
  }
  func.func @transform_3(%arg0: i32) -> (i32, i32) {
    %c0_i32 = arith.constant 0 : i32
    %c0_i32_0 = arith.constant 0 : i32
    %c0_i32_1 = arith.constant 0 : i32
    return %c0_i32, %c0_i32_0 : i32, i32
  }
  func.func @transform_4(%arg0: i32) -> (i32, i32) {
    %c0_i32 = arith.constant 0 : i32
    %c0_i32_0 = arith.constant 0 : i32
    %c0_i32_1 = arith.constant 0 : i32
    return %c0_i32, %c0_i32_0 : i32, i32
  }
  func.func @transform_5(%arg0: i32) -> (i32, i32) {
    %c0_i32 = arith.constant 0 : i32
    %c0_i32_0 = arith.constant 0 : i32
    %c0_i32_1 = arith.constant 0 : i32
    return %c0_i32, %c0_i32_0 : i32, i32
  }
  func.func @transform_6(%arg0: i32) -> (i32, i32) {
    %c0_i32 = arith.constant 0 : i32
    %c0_i32_0 = arith.constant 0 : i32
    return %arg0, %c0_i32 : i32, i32
  }
}

module attributes {stable_mosaic.version = 14 : i64} {
  func.func @_qkv_body(%arg0: i32, %arg1: memref<2000x128xf32, #tpu.memory_space<vmem>>, %arg2: memref<128x128xf32, #tpu.memory_space<vmem>>, %arg3: memref<1x128xf32, #tpu.memory_space<vmem>>, %arg4: memref<128x128xf32, #tpu.memory_space<vmem>>, %arg5: memref<1x128xf32, #tpu.memory_space<vmem>>, %arg6: memref<128x128xf32, #tpu.memory_space<vmem>>, %arg7: memref<1x128xf32, #tpu.memory_space<vmem>>, %arg8: memref<128x16xf32, #tpu.memory_space<vmem>>, %arg9: memref<16x128xf32, #tpu.memory_space<vmem>>, %arg10: memref<2000x128xf32, #tpu.memory_space<vmem>>, %arg11: memref<2000x16xf32, #tpu.memory_space<vmem>>) attributes {dimension_semantics = [#tpu.dimension_semantics<arbitrary>], iteration_bounds = array<i64: 160>, scalar_prefetch = 0 : i64, scratch_operands = 0 : i64, tpu.core_type = #tpu.core_type<tc>, window_params = [{transform_indices = @transform_0, window_bounds = array<i64: 2000, 128>}, {pipeline_mode = #tpu.pipeline_mode<synchronous>, transform_indices = @transform_1, window_bounds = array<i64: 128, 128>}, {pipeline_mode = #tpu.pipeline_mode<synchronous>, transform_indices = @transform_2, window_bounds = array<i64: 1, 128>}, {pipeline_mode = #tpu.pipeline_mode<synchronous>, transform_indices = @transform_3, window_bounds = array<i64: 128, 128>}, {pipeline_mode = #tpu.pipeline_mode<synchronous>, transform_indices = @transform_4, window_bounds = array<i64: 1, 128>}, {pipeline_mode = #tpu.pipeline_mode<synchronous>, transform_indices = @transform_5, window_bounds = array<i64: 128, 128>}, {pipeline_mode = #tpu.pipeline_mode<synchronous>, transform_indices = @transform_6, window_bounds = array<i64: 1, 128>}, {pipeline_mode = #tpu.pipeline_mode<synchronous>, transform_indices = @transform_7, window_bounds = array<i64: 128, 16>}, {pipeline_mode = #tpu.pipeline_mode<synchronous>, transform_indices = @transform_8, window_bounds = array<i64: 16, 128>}, {transform_indices = @transform_9, window_bounds = array<i64: 2000, 128>}, {transform_indices = @transform_10, window_bounds = array<i64: 2000, 16>}]} {
    %get3A = arith.constant 0 : index
    %get3A_0 = arith.constant 0 : index
    %get3A_1 = vector.load %arg1[%get3A, %get3A_0] : memref<2000x128xf32, #tpu.memory_space<vmem>>, vector<2000x128xf32>
    %get3A_2 = arith.constant 0 : index
    %get3A_3 = arith.constant 0 : index
    %get3A_4 = vector.load %arg2[%get3A_2, %get3A_3] : memref<128x128xf32, #tpu.memory_space<vmem>>, vector<128x128xf32>
    %dot_general3A = arith.constant dense<0.000000e+00> : vector<2000x128xf32>
    %dot_general3A_5 = tpu.matmul %get3A_1, %get3A_4, %dot_general3A {dimension_numbers = #tpu.dot_dimension_numbers<[1], [0], [0], [1], [0, 0, 1, 1], [], []>, precision = #tpu.contract_precision<fp32>, transpose_lhs_hint = false} : vector<2000x128xf32>, vector<128x128xf32>, vector<2000x128xf32> -> vector<2000x128xf32>
    %get3A_6 = arith.constant 0 : index
    %get3A_7 = arith.constant 0 : index
    %get3A_8 = vector.load %arg3[%get3A_6, %get3A_7] : memref<1x128xf32, #tpu.memory_space<vmem>>, vector<1x128xf32>
    %add3A = vector.broadcast %get3A_8 : vector<1x128xf32> to vector<2000x128xf32>
    %add3A_9 = arith.addf %dot_general3A_5, %add3A : vector<2000x128xf32>
    %get3A_10 = arith.constant 0 : index
    %get3A_11 = arith.constant 0 : index
    %get3A_12 = vector.load %arg4[%get3A_10, %get3A_11] : memref<128x128xf32, #tpu.memory_space<vmem>>, vector<128x128xf32>
    %dot_general3A_13 = arith.constant dense<0.000000e+00> : vector<2000x128xf32>
    %dot_general3A_14 = tpu.matmul %get3A_1, %get3A_12, %dot_general3A_13 {dimension_numbers = #tpu.dot_dimension_numbers<[1], [0], [0], [1], [0, 0, 1, 1], [], []>, precision = #tpu.contract_precision<fp32>, transpose_lhs_hint = false} : vector<2000x128xf32>, vector<128x128xf32>, vector<2000x128xf32> -> vector<2000x128xf32>
    %get3A_15 = arith.constant 0 : index
    %get3A_16 = arith.constant 0 : index
    %get3A_17 = vector.load %arg5[%get3A_15, %get3A_16] : memref<1x128xf32, #tpu.memory_space<vmem>>, vector<1x128xf32>
    %add3A_18 = vector.broadcast %get3A_17 : vector<1x128xf32> to vector<2000x128xf32>
    %add3A_19 = arith.addf %dot_general3A_14, %add3A_18 : vector<2000x128xf32>
    %get3A_20 = arith.constant 0 : index
    %get3A_21 = arith.constant 0 : index
    %get3A_22 = vector.load %arg6[%get3A_20, %get3A_21] : memref<128x128xf32, #tpu.memory_space<vmem>>, vector<128x128xf32>
    %dot_general3A_23 = arith.constant dense<0.000000e+00> : vector<2000x128xf32>
    %dot_general3A_24 = tpu.matmul %get3A_1, %get3A_22, %dot_general3A_23 {dimension_numbers = #tpu.dot_dimension_numbers<[1], [0], [0], [1], [0, 0, 1, 1], [], []>, precision = #tpu.contract_precision<fp32>, transpose_lhs_hint = false} : vector<2000x128xf32>, vector<128x128xf32>, vector<2000x128xf32> -> vector<2000x128xf32>
    %get3A_25 = arith.constant 0 : index
    %get3A_26 = arith.constant 0 : index
    %get3A_27 = vector.load %arg7[%get3A_25, %get3A_26] : memref<1x128xf32, #tpu.memory_space<vmem>>, vector<1x128xf32>
    %add3A_28 = vector.broadcast %get3A_27 : vector<1x128xf32> to vector<2000x128xf32>
    %add3A_29 = arith.addf %dot_general3A_24, %add3A_28 : vector<2000x128xf32>
    %mul3A = arith.mulf %add3A_9, %add3A_19 : vector<2000x128xf32>
    %get3A_30 = arith.constant 0 : index
    %get3A_31 = arith.constant 0 : index
    %get3A_32 = vector.load %arg8[%get3A_30, %get3A_31] : memref<128x16xf32, #tpu.memory_space<vmem>>, vector<128x16xf32>
    %dot_general3A_33 = arith.constant dense<0.000000e+00> : vector<2000x16xf32>
    %dot_general3A_34 = tpu.matmul %mul3A, %get3A_32, %dot_general3A_33 {dimension_numbers = #tpu.dot_dimension_numbers<[1], [0], [0], [1], [0, 0, 1, 1], [], []>, precision = #tpu.contract_precision<fp32>, transpose_lhs_hint = false} : vector<2000x128xf32>, vector<128x16xf32>, vector<2000x16xf32> -> vector<2000x16xf32>
    %exp3A = math.exp %dot_general3A_34 : vector<2000x16xf32>
    %swap3A = arith.constant 0 : index
    %swap3A_35 = arith.constant 0 : index
    %swap3A_36 = vector.load %arg11[%swap3A, %swap3A_35] : memref<2000x16xf32, #tpu.memory_space<vmem>>, vector<2000x16xf32>
    tpu.vector_store %arg11[%swap3A, %swap3A_35], %exp3A {strides = array<i32>} : memref<2000x16xf32, #tpu.memory_space<vmem>>, vector<2000x16xf32>,
    %get3A_37 = arith.constant 0 : index
    %get3A_38 = arith.constant 0 : index
    %get3A_39 = vector.load %arg9[%get3A_37, %get3A_38] : memref<16x128xf32, #tpu.memory_space<vmem>>, vector<16x128xf32>
    %dot_general3A_40 = arith.constant dense<0.000000e+00> : vector<2000x128xf32>
    %dot_general3A_41 = tpu.matmul %exp3A, %get3A_39, %dot_general3A_40 {dimension_numbers = #tpu.dot_dimension_numbers<[1], [0], [0], [1], [0, 0, 1, 1], [], []>, precision = #tpu.contract_precision<fp32>, transpose_lhs_hint = false} : vector<2000x16xf32>, vector<16x128xf32>, vector<2000x128xf32> -> vector<2000x128xf32>
    %mul3A_42 = arith.mulf %add3A_29, %dot_general3A_41 : vector<2000x128xf32>
    %swap3A_43 = arith.constant 0 : index
    %swap3A_44 = arith.constant 0 : index
    %swap3A_45 = vector.load %arg10[%swap3A_43, %swap3A_44] : memref<2000x128xf32, #tpu.memory_space<vmem>>, vector<2000x128xf32>
    tpu.vector_store %arg10[%swap3A_43, %swap3A_44], %mul3A_42 {strides = array<i32>} : memref<2000x128xf32, #tpu.memory_space<vmem>>, vector<2000x128xf32>,
    return
  }
  func.func @transform_0(%arg0: i32) -> (i32, i32) {
    %c0_i32 = arith.constant 0 : i32
    %c0_i32_0 = arith.constant 0 : i32
    return %arg0, %c0_i32 : i32, i32
  }
  func.func @transform_1(%arg0: i32) -> (i32, i32) {
    %c0_i32 = arith.constant 0 : i32
    %c0_i32_0 = arith.constant 0 : i32
    %c0_i32_1 = arith.constant 0 : i32
    return %c0_i32, %c0_i32_0 : i32, i32
  }
  func.func @transform_2(%arg0: i32) -> (i32, i32) {
    %c0_i32 = arith.constant 0 : i32
    %c0_i32_0 = arith.constant 0 : i32
    %c0_i32_1 = arith.constant 0 : i32
    return %c0_i32, %c0_i32_0 : i32, i32
  }
  func.func @transform_3(%arg0: i32) -> (i32, i32) {
    %c0_i32 = arith.constant 0 : i32
    %c0_i32_0 = arith.constant 0 : i32
    %c0_i32_1 = arith.constant 0 : i32
    return %c0_i32, %c0_i32_0 : i32, i32
  }
  func.func @transform_4(%arg0: i32) -> (i32, i32) {
    %c0_i32 = arith.constant 0 : i32
    %c0_i32_0 = arith.constant 0 : i32
    %c0_i32_1 = arith.constant 0 : i32
    return %c0_i32, %c0_i32_0 : i32, i32
  }
  func.func @transform_5(%arg0: i32) -> (i32, i32) {
    %c0_i32 = arith.constant 0 : i32
    %c0_i32_0 = arith.constant 0 : i32
    %c0_i32_1 = arith.constant 0 : i32
    return %c0_i32, %c0_i32_0 : i32, i32
  }
  func.func @transform_6(%arg0: i32) -> (i32, i32) {
    %c0_i32 = arith.constant 0 : i32
    %c0_i32_0 = arith.constant 0 : i32
    %c0_i32_1 = arith.constant 0 : i32
    return %c0_i32, %c0_i32_0 : i32, i32
  }
  func.func @transform_7(%arg0: i32) -> (i32, i32) {
    %c0_i32 = arith.constant 0 : i32
    %c0_i32_0 = arith.constant 0 : i32
    %c0_i32_1 = arith.constant 0 : i32
    return %c0_i32, %c0_i32_0 : i32, i32
  }
  func.func @transform_8(%arg0: i32) -> (i32, i32) {
    %c0_i32 = arith.constant 0 : i32
    %c0_i32_0 = arith.constant 0 : i32
    %c0_i32_1 = arith.constant 0 : i32
    return %c0_i32, %c0_i32_0 : i32, i32
  }
  func.func @transform_9(%arg0: i32) -> (i32, i32) {
    %c0_i32 = arith.constant 0 : i32
    %c0_i32_0 = arith.constant 0 : i32
    return %arg0, %c0_i32 : i32, i32
  }
  func.func @transform_10(%arg0: i32) -> (i32, i32) {
    %c0_i32 = arith.constant 0 : i32
    %c0_i32_0 = arith.constant 0 : i32
    return %arg0, %c0_i32 : i32, i32
  }
}

</mosaic_0001>

<sc_bundles>
// kernel: kernel.17.cloned.1.call-start
scs
__scs_entry_jumppad:
0x0: {  	(pc) =	sbr.rel $0x88, $3  }
0x1: {  	(tag) =	ssettag $0x0;
	lr =	simm.s32 $0x1  }
0x2: {  	[smem:$0x3F8F] =	sst lr;
	_ =	strace $0xD0000000  }
0x3: {  	_ = 	snop  }
0x4: {  	_ = 	snop  }
0x5: {  	_ = 	snop  }
0x6: {  	_ = 	snop  }
0x7: {  	_ = 	snop  }
__scs_overlays_trampoline_lowered:
0x8: {  	[smem:$0x3F9E] =	sst s0  }
0x9: {  	[smem:$0x3F9F] =	sst s1  }
0xa: {  	[smem:$0x3FA0] =	sst s2  }
0xb: {  	[smem:$0x3FA1] =	sst s3  }
0xc: {  	[smem:$0x3FA2] =	sst s4  }
0xd: {  	[smem:$0x3FA3] =	sst s5  }
0xe: {  	[smem:$0x3FA4] =	sst s6  }
0xf: {  	[smem:$0x3FA5] =	sst s7  }
0x10: {  	[smem:$0x3FA6] =	sst s8  }
0x11: {  	[smem:$0x3FA7] =	sst s9;
	s0 =	simm.s32 @!p0 $0x0  }
0x12: {  	s1 =	sld [smem:$0x3F8D];
	s0 =	simm.s32 @p0 $0x1  }
0x13: {  	[smem:$0x3FA8] =	sst s0;
	s0 =	simm.s32 @!p1 $0x0  }
0x14: {  	s2 =	sld [smem:$0x3F8C];
	s0 =	simm.s32 @p1 $0x1  }
0x15: {  	[smem:$0x3FA9] =	sst s0;
	s0 =	simm.s32 @!p2 $0x0  }
0x16: {  	s3 =	sld [smem:$0x3FDB];
	s0 =	simm.s32 @p2 $0x1  }
0x17: {  	s4 =	simm.s32 $0x1BF5;
	[smem:$0x3FAB] =	sst s0  }
0x18: {  	s0 =	sld [smem:$0x3F8E];
	_ =	swait.ge [sflag:s4], $0x0  }
0x19: {  	s7 =	sld [smem:$0x3F8F]  }
0x1a: {  	s8 =	sadd.s32 $0xFFFFE003, lr  }
0x1b: {  	s9 =	sadd.s32 $0xFFFFFEF7, lr;
	s5 =	simm.s32 $0xFFFFFFFF;
	p2 =	slt.u32 s8, $0xFFFFF086  }
0x1c: {  	p1 =	slt.u32 s9, $0xF7A;
	s5 =	simm.s32 @!p2 $0x0  }
0x1d: {  	s5 =	simm.s32 @p1 $0x1;
	p0 =	seq.s32 s7, s2  }
0x1e: {  	s7 =	smul.u32 @!p0 $0xF7A, s2;
	p2 =	seq.s32 @!p0 s5, $0x0  }
0x1f: {  	s9 =	smul.u32 $0xF7A, s1;
	s8 =	simm.s32 @!p0 $0x1BF5;
	p2 =	por !p2, p0  }
0x20: {  	[sflag:s8] =	ssyncset.s32 @!p0 $0xFFFFF086;
	s6 =	sadd.s32 @!p0 s3, s7;
	s7 =	simm.s32 @!p0 $0x108  }
0x21: {  	s3 =	sadd.s32 s3, s9;
	s6 =	sadd.s32 @!p0 $0x88, s6;
	s7 =	simm.s32 @p2 $0x1082  }
0x22: {  	[simem:s7], [sflag:s8] =	dma.local @!p0 [hbm:s6], $0xF7A  }
0x23: {  	s9 =	sor.u32 $0xD0000000, s2;
	s6 =	simm.s32 $0x108;
	_ =	swait.ge @!p0 [sflag:s8], $0x0  }
0x24: {  	s3 =	sadd.s32 $0x88, s3;
	s6 =	simm.s32 @!p1 $0x1082;
	[sflag:s4] =	ssyncset.s32 $0xFFFFF086  }
0x25: {  	[simem:s6], [sflag:s4] =	dma.local [hbm:s3], $0xF7A  }
0x26: {  	[smem:$0x3F8F] =	sst s1;
	(tag) =	ssettag s2;
	_ =	strace s9  }
0x27: {  	s1 =	sld [smem:$0x3F9F]  }
0x28: {  	s2 =	sld [smem:$0x3FA0]  }
0x29: {  	s4 =	sld [smem:$0x3FA2]  }
0x2a: {  	p0 =	seq.s32 s5, $0x0;
	s5 =	sld [smem:$0x3FA3]  }
0x2b: {  	s6 =	sld [smem:$0x3FA4]  }
0x2c: {  	s7 =	sld [smem:$0x3FA5]  }
0x2d: {  	s3 =	simm.s32 $0x108;
	s8 =	sld [smem:$0x3FA6]  }
0x2e: {  	s3 =	simm.s32 @!p0 $0x1082;
	s9 =	sld [smem:$0x3FA7]  }
0x2f: {  	lr =	sadd.s32 s0, s3;
	s0 =	sld [smem:$0x3F9E]  }
0x30: {  	s3 =	sld [smem:$0x3FA1]  }
0x31: {  	[smem:$0x3FAA] =	sst s10  }
0x32: {  	s10 =	sld [smem:$0x3FA8];
	_ =	sdelay $0x3  }
0x33: {  	p0 =	seq.s32 s10, $0x1;
	s10 =	sld [smem:$0x3FAA];
	_ =	sdelay $0x3  }
0x34: {  	[smem:$0x3FAA] =	sst s10  }
0x35: {  	s10 =	sld [smem:$0x3FA9];
	_ =	sdelay $0x3  }
0x36: {  	p1 =	seq.s32 s10, $0x1;
	s10 =	sld [smem:$0x3FAA];
	_ =	sdelay $0x3  }
0x37: {  	[smem:$0x3FAA] =	sst s10  }
0x38: {  	s10 =	sld [smem:$0x3FAB]  }
0x39: {  	_ = 	snop;
	(pc) =	sbr.ind lr, $3  }
0x3a: {  	_ = 	snop  }
0x3b: {  	_ = 	snop  }
0x3c: {  	p2 =	seq.s32 s10, $0x1;
	s10 =	sld [smem:$0x3FAA]  }
0x3d: {  	_ =	shalt  }
0x3e: {  	_ =	shalt  }
0x3f: {  	_ =	shalt  }
0x40: {  	_ =	shalt  }
0x41: {  	_ =	shalt  }
0x42: {  	_ =	shalt  }
0x43: {  	_ =	shalt  }
0x44: {  	_ =	shalt  }
0x45: {  	_ =	shalt  }
0x46: {  	_ =	shalt  }
0x47: {  	_ =	shalt  }
0x48: {  	_ =	shalt  }
0x49: {  	_ =	shalt  }
0x4a: {  	_ =	shalt  }
0x4b: {  	_ =	shalt  }
0x4c: {  	_ =	shalt  }
0x4d: {  	_ =	shalt  }
0x4e: {  	_ =	shalt  }
0x4f: {  	_ =	shalt  }
0x50: {  	_ =	shalt  }
0x51: {  	_ =	shalt  }
0x52: {  	_ =	shalt  }
0x53: {  	_ =	shalt  }
0x54: {  	_ =	shalt  }
0x55: {  	_ =	shalt  }
0x56: {  	_ =	shalt  }
0x57: {  	_ =	shalt  }
0x58: {  	_ =	shalt  }
0x59: {  	_ =	shalt  }
0x5a: {  	_ =	shalt  }
0x5b: {  	_ =	shalt  }
0x5c: {  	_ =	shalt  }
0x5d: {  	_ =	shalt  }
0x5e: {  	_ =	shalt  }
0x5f: {  	_ =	shalt  }
0x60: {  	_ =	shalt  }
0x61: {  	_ =	shalt  }
0x62: {  	_ =	shalt  }
0x63: {  	_ =	shalt  }
0x64: {  	_ =	shalt  }
0x65: {  	_ =	shalt  }
0x66: {  	_ =	shalt  }
0x67: {  	_ =	shalt  }
0x68: {  	_ =	shalt  }
0x69: {  	_ =	shalt  }
0x6a: {  	_ =	shalt  }
0x6b: {  	_ =	shalt  }
0x6c: {  	_ =	shalt  }
0x6d: {  	_ =	shalt  }
0x6e: {  	_ =	shalt  }
0x6f: {  	_ =	shalt  }
0x70: {  	_ =	shalt  }
0x71: {  	_ =	shalt  }
0x72: {  	_ =	shalt  }
0x73: {  	_ =	shalt  }
0x74: {  	_ =	shalt  }
0x75: {  	_ =	shalt  }
0x76: {  	_ =	shalt  }
0x77: {  	_ =	shalt  }
0x78: {  	_ =	shalt  }
0x79: {  	_ =	shalt  }
0x7a: {  	_ =	shalt  }
0x7b: {  	_ =	shalt  }
0x7c: {  	_ =	shalt  }
0x7d: {  	_ =	shalt  }
0x7e: {  	_ =	shalt  }
0x7f: {  	_ =	shalt  }
0x80: {  	_ =	shalt  }
0x81: {  	_ =	shalt  }
0x82: {  	_ =	shalt  }
0x83: {  	_ =	shalt  }
0x84: {  	_ =	shalt  }
0x85: {  	_ =	shalt  }
0x86: {  	_ =	shalt  }
0x87: {  	_ =	shalt  }
.Lfunc_end0:
.L_simem_size_0:
called_computation_lowered:
.L_overlay_start_0:
0x88: {  	s2 =	sld [smem:$0x3FD9]  }
0x89: {  	s3 =	sld [smem:$0x3FFE];
	_ =	sdelay $0x1  }
0x8a: {  	s1 =	srdreg.scid  }
0x8b: {  	s0 =	sand.u32 $0x1, s1  }
0x8c: {  	s16 =	sshll.u32 s0, $0xA;
	s2 =	sadd.s32 s3, s2  }
0x8d: {  	s2 =	sadd.s32 s2, s16  }
0x8e: {  	[smem:$0x3FB6] =	sst s2  }
0x8f: {  	_ = 	snop  }
0x90: {  	(tm) =	ssettm $0x1  }
0x91: {  	s17 =	sld [smem:$0x3FFB];
	_ =	sdelay $0x3  }
0x92: {  	_ =	strace s17  }
0x93: {  	s2 =	sld [smem:$0x3FFC];
	_ =	sdelay $0x3  }
0x94: {  	_ =	strace s2  }
0x95: {  	s2 =	sld [smem:$0x3FFD];
	_ =	sdelay $0x3  }
0x96: {  	_ =	strace s2  }
0x97: {  	_ =	strace $0x8FFFFFFF  }
0x98: {  	s18 =	sld [smem:$0x3FDB];
	_ =	sdelay $0x1  }
0x99: {  	s19 =	simm.s32 $_scs_section_size  }
0x9a: {  	s4 =	simm.s32 $_size__tile_overlayer_lowered;
	s5 =	simm.s32 $_tile_overlayer_lowered  }
0x9b: {  	s22 =	simm.s32 $0x1BFF;
	s21 =	sshll.u32 s5, $0x1;
	s2 =	sadd.s32 s19, s18  }
0x9c: {  	s6 =	simm.s32 $0x0;
	s20 =	sshll.u32 s4, $0x1;
	s4 =	sadd.s32 s21, s2  }
0x9d: {  	[timem:s6], [sflag:s22] =	dma.local [hbm:s4], s20  }
0x9e: {  	_ =	swait.ge [sflag:s22], s20  }
0x9f: {  	s3 =	ssub.s32 $0x0, s20;
	[sflag:s22] =	ssyncset.done $0x0  }
0xa0: {  	[sflag:s22] =	ssyncadd.s32 s3;
	_ =	sdelay $0x1  }
0xa1: {  	s23 =	simm.s32 $0x1B8B  }
0xa2: {  	_ =	swait.ge [sflag:s23], $0x1  }
0xa3: {  	[sflag:s23] =	ssyncset.done $0x0  }
0xa4: {  	s25 =	simm.s32 $0x1B8E;
	s24 =	sld [smem:$0x3FFE];
	[sflag:s23] =	ssyncadd.s32 $0xFFFFFFFF  }
0xa5: {  	s26 =	simm.s32 $execute0_lowered;
	[smem:$0x3FD2] =	sst s25  }
0xa6: {  	s4 =	sshll.u32 s26, $0x1;
	_ =	strace $0x80000046;
	[dreg:$0x1] =	wrdreg $0xFFFFFFFF  }
0xa7: {  	s28 =	simm.s32 $_size_execute0_lowered;
	s2 =	sadd.s32 s2, s4;
	[dreg:$0x0] =	wrdreg $0x0  }
0xa8: {  	s4 =	sshll.u32 s28, $0x1;
	[dreg:$0x2] =	wrdreg s2  }
0xa9: {  	[dreg:$0x3] =	wrdreg s4  }
0xaa: {  	[dreg:$0x4] =	wrdreg $0xC0  }
0xab: {  	_ =	task [dreg:s6], $0x5FFFF  }
0xac: {  	[dreg:$0x1] =	wrdreg $0xFFFFFFFF  }
0xad: {  	[dreg:$0x0] =	wrdreg $0x60  }
0xae: {  	[dreg:$0x2] =	wrdreg s24  }
0xaf: {  	[dreg:$0x3] =	wrdreg $0x0  }
0xb0: {  	[dreg:$0x4] =	wrdreg $0x28000  }
0xb1: {  	[dreg:$0x5] =	wrdreg $0x9  }
0xb2: {  	_ =	task.clear_ibuf [dreg:s6], $0x6FFFF;
	_ =	strace $0x90000046  }
0xb3: {  	s29 =	simm.s32 $0x9;
	_ =	strace $0x80000048  }
0xb4: {  	_ =	swait.ge [sflag:s29], $0x1  }
0xb5: {  	[sflag:s29] =	ssyncadd.s32 $0xFFFFFFFF  }
0xb6: {  	_ =	strace $0x90000048  }
0xb7: {  	_ =	sfence  }
0xb8: {  	s30 =	sld [smem:$0x0];
	_ =	sdelay $0x2  }
0xb9: {  	s31 =	sshll.u32 s1, $0xD;
	s1 =	sshrl.u32 s1, $0x2  }
0xba: {  	s3 =	sand.u32 $0x4000, s31;
	s1 =	sadd.s32 s1, s30  }
0xbb: {  	s0 =	sor.u32 s3, s0;
	s1 =	sshll.u32 s1, $0x11  }
0xbc: {  	s0 =	sor.u32 s1, s0  }
0xbd: {  	s0 =	sadd.s32 $0x8F2B, s0  }
0xbe: {  	[sflag:s0] =	ssyncadd.remote.s32 $0x1  }
0xbf: {  	_ =	sfence.sel $0xFFFF  }
0xc0: {  	[dreg:$0x0] =	wrdreg $0xFFFFFFFF;
	(pc) =	sbr.abs _section_cstart, $3  }
0xc1: {  	[dreg:$0x1] =	wrdreg $0xFFFFFFFF  }
0xc2: {  	_ =	task.clear_ibuf [dreg:s6], $0x2FFFF;
	_ =	strace $0x9FFFFFFF  }
0xc3: {  	(tm) =	ssettm $0x7FFFFFFF  }
tec
execute0_lowered:
.L_overlay_start_1:
0x0: {  	(tag) =	ssettag $0x1  }
0x1: {  	s5 =	rddreg [dreg:$0x0]  }
0x2: {  	s2 =	rddreg [dreg:$0x1]  }
0x3: {  	s0 =	srdreg.scid;
	s3 =	rddreg [dreg:$0x2]  }
0x4: {  	s1 =	rddreg [dreg:$0x3];
	s4 =	simm.s32 $0x0;
	s6 =	sand.u32 $0x1, s0  }
0x5: {  	s15 =	simm.s32 $0x1;
	s0 =	stileid.u32;
	s7 =	smul.u32 $0x27100, s6  }
0x6: {  	s17 =	simm.s32 $0x16800;
	s18 =	simm.s32 $0x16880;
	s8 =	smul.u32 $0x2710, s0  }
0x7: {  	s19 =	simm.s32 $0x19080;
	s20 =	simm.s32 $0x50;
	s9 =	smul.u32 $0x271000, s6  }
0x8: {  	s21 =	simm.s32 $0x0;
	[smem:$0x7FF] =	sst s4;
	s26 =	smul.u32 $0x14000, s0  }
0x9: {  	s10 =	smul.u32 $0x140000, s6;
	_ =	strace $0x80000047;
	s6 =	ssub.s32 $0x2, s6  }
0xa: {  	s31 =	sshll.u32 s0, $0x6;
	s12 =	smul.u32 $0x27100, s0;
	s30 =	sshrl.u32 s6, $0x1  }
0xb: {  	s7 =	sadd.s32 s8, s7;
	s11 =	sadd.s32 s9, s5;
	s28 =	sshrl.u32 s26, $0x3  }
0xc: {  	s29 =	sadd.s32 s26, s10;
	s10 =	ssub.s32 s6, s30;
	s14 =	sadd.s32 s26, s2  }
0xd: {  	s6 =	sor.u32 $0x1C01, s31;
	s16 =	sadd.s32 s26, s3;
	s7 =	sshrl.u32 s7, $0x3  }
0xe: {  	s9 =	sshrl.u32 s29, $0x3;
	s12 =	sadd.s32 s12, s11;
	s10 =	smax.u32 s10, $0x1  }
0xf: {  	s14 =	sshrl.u32 s14, $0x3;
	s16 =	sshrl.u32 s16, $0x3;
	s13 =	sadd.s32 s7, s5  }
0x10: {  	s7 =	sadd.s32 s28, s5;
	s9 =	sadd.s32 s9, s5;
	s11 =	sadd.s32 $0x9E7600, s12  }
0x11: {  	s12 =	sadd.s32 $0x505600, s12;
	s5 =	sadd.s32 $0x35000, s7;
	s7 =	sadd.s32 $0xD000, s7  }
0x12: {  	s8 =	sadd.s32 $0xAD000, s9;
	s9 =	sadd.s32 $0x5D000, s9;
	s13 =	sadd.s32 $0x4EF000, s13  }
.LBB2_1:
0x13: {  	[spmem:s14], [sflag:s6] =	dma.local [hbm:s5], $0x2800  }
0x14: {  	_ =	swait.ge [sflag:s15], $0x2800  }
0x15: {  	[sflag:s15] =	ssyncset.done $0x0  }
0x16: {  	[sflag:s15] =	ssyncadd.s32 $0xFFFFD800  }
0x17: {  	[spmem:s16], [sflag:s6] =	dma.local [hbm:s7], $0x2800  }
0x18: {  	_ =	swait.ge [sflag:s15], $0x2800  }
0x19: {  	[sflag:s15] =	ssyncset.done $0x0  }
0x1a: {  	[sflag:s15] =	ssyncadd.s32 $0xFFFFD800  }
0x1b: {  	[bflag:$0x0] =	sbarrier.arrive $0xFFFF  }
0x1c: {  	[tilespmem:s17], [sflag:$0x1] =	stream.linear.gather [hbm4b:s13+s4], $0x50, $0x38;
	[tilespmem:$0x1B880] =	vst v63  }
0x1d: {  	_ =	swait.ge [sflag:s15], $0x50  }
0x1e: {  	[sflag:s15] =	ssyncset.done $0x0  }
0x1f: {  	s22 =	sadd.s32 $0x0, s11;
	[sflag:s15] =	ssyncadd.s32 $0xFFFFFFB0  }
0x20: {  	[tilespmem:s18], [sflag:$0x1] =	stream.linear.gather [hbm4b:s22+s4], $0x2800, $0x38;
	[tilespmem:$0x1B880] =	vst v63  }
0x21: {  	_ =	swait.ge [sflag:s15], $0x2800  }
0x22: {  	[sflag:s15] =	ssyncset.done $0x0  }
0x23: {  	s31 =	sadd.s32 $0x0, s12;
	[sflag:s15] =	ssyncadd.s32 $0xFFFFD800  }
0x24: {  	[tilespmem:s19], [sflag:$0x1] =	stream.linear.gather [hbm4b:s31+s4], $0x2800, $0x38;
	[tilespmem:$0x1B880] =	vst v63  }
0x25: {  	_ =	swait.ge [sflag:s15], $0x2800  }
0x26: {  	[sflag:s15] =	ssyncset.done $0x0  }
0x27: {  	[sflag:s15] =	ssyncadd.s32 $0xFFFFD800  }
0x28: {  	[spmem:s2] =	stream.indirect.scatter.add.f32 [tilespmem:s18], [sflag:$0x1], $0x10, s17, s20, $0xb8;
	[tilespmem:$0x1B880] =	vst v63  }
0x29: {  	_ =	swait.ge [sflag:s15], $0x500  }
0x2a: {  	[sflag:s15] =	ssyncset.done $0x0  }
0x2b: {  	[sflag:s15] =	ssyncadd.s32 $0xFFFFFB00  }
0x2c: {  	[spmem:s3] =	stream.indirect.scatter.add.f32 [tilespmem:s19], [sflag:$0x1], $0x80, s17, s20, $0xb8;
	[tilespmem:$0x1B880] =	vst v63  }
0x2d: {  	_ =	swait.ge [sflag:s15], $0x2800  }
0x2e: {  	s23 =	smov.u32 s13;
	s22 =	simm.s32 $0x500;
	[sflag:s15] =	ssyncset.done $0x0  }
.LBB2_2:
0x2f: {  	p0 =	sne.s32 s22, $0x26C00;
	[sflag:s15] =	ssyncadd.s32 $0xFFFFD800;
	s23 =	sadd.s32 $0xA, s23  }
0x30: {  	[tilespmem:s17], [sflag:$0x1] =	stream.linear.gather [hbm4b:s23+s4], $0x50, $0x38;
	[tilespmem:$0x1B880] =	vst v63  }
0x31: {  	s24 =	smov.u32 s22;
	s22 =	sadd.s32 $0x500, s22;
	_ =	swait.ge [sflag:s15], $0x50  }
0x32: {  	[sflag:s15] =	ssyncset.done $0x0  }
0x33: {  	s25 =	sadd.s32 s24, s11;
	[sflag:s15] =	ssyncadd.s32 $0xFFFFFFB0  }
0x34: {  	[tilespmem:s18], [sflag:$0x1] =	stream.linear.gather [hbm4b:s25+s4], $0x2800, $0x38;
	[tilespmem:$0x1B880] =	vst v63  }
0x35: {  	_ =	swait.ge [sflag:s15], $0x2800  }
0x36: {  	[sflag:s15] =	ssyncset.done $0x0  }
0x37: {  	s24 =	sadd.s32 s24, s12;
	[sflag:s15] =	ssyncadd.s32 $0xFFFFD800  }
0x38: {  	[tilespmem:s19], [sflag:$0x1] =	stream.linear.gather [hbm4b:s24+s4], $0x2800, $0x38;
	[tilespmem:$0x1B880] =	vst v63  }
0x39: {  	_ =	swait.ge [sflag:s15], $0x2800  }
0x3a: {  	[sflag:s15] =	ssyncset.done $0x0  }
0x3b: {  	[sflag:s15] =	ssyncadd.s32 $0xFFFFD800  }
0x3c: {  	[spmem:s2] =	stream.indirect.scatter.add.f32 [tilespmem:s18], [sflag:$0x1], $0x10, s17, s20, $0xb8;
	[tilespmem:$0x1B880] =	vst v63  }
0x3d: {  	_ =	swait.ge [sflag:s15], $0x500  }
.Ltmp0:
0x3e: {  	[sflag:s15] =	ssyncset.done $0x0;
	(pc) =	sbr.rel @p0 .LBB2_2-.Ltmp0, $4  }
0x3f: {  	[sflag:s15] =	ssyncadd.s32 $0xFFFFFB00  }
0x40: {  	[spmem:s3] =	stream.indirect.scatter.add.f32 [tilespmem:s19], [sflag:$0x1], $0x80, s17, s20, $0xb8;
	[tilespmem:$0x1B880] =	vst v63  }
0x41: {  	_ =	swait.ge [sflag:s15], $0x2800  }
0x42: {  	[sflag:s15] =	ssyncset.done $0x0  }
0x43: {  	[sflag:s15] =	ssyncadd.s32 $0xFFFFD800  }
0x44: {  	[bflag:$0x0] =	sbarrier.arrive $0xFFFF  }
0x45: {  	[hbm:s8], [sflag:s6] =	dma.local [spmem:s14], $0x2800  }
0x46: {  	s21 =	sadd.s32 $0x1, s21;
	_ =	swait.ge [sflag:s15], $0x2800  }
0x47: {  	p0 =	sne.s32 s21, s10;
	[sflag:s15] =	ssyncset.done $0x0  }
.Ltmp1:
0x48: {  	[sflag:s15] =	ssyncadd.s32 $0xFFFFD800;
	(pc) =	sbr.rel @p0 .LBB2_1-.Ltmp1, $4  }
0x49: {  	[hbm:s9], [sflag:s6] =	dma.local [spmem:s16], $0x2800  }
0x4a: {  	_ =	swait.ge [sflag:s15], $0x2800  }
0x4b: {  	[sflag:s15] =	ssyncset.done $0x0  }
0x4c: {  	[sflag:s15] =	ssyncadd.s32 $0xFFFFD800  }
0x4d: {  	_ =	sfence.sel $0x180000  }
0x4e: {  	[bflag:$0x0] =	sbarrier.arrive $0xFFFF  }
0x4f: {  	p0 =	sne.s32 s0, $0x0;
	_ =	strace $0x90000047  }
0x50: {  	s0 =	sadd.s32 @!p0 $0x100000, s1;
	[bflag:$0x2] =	sbarrier.arrive $0xFFFF  }
0x51: {  	[sflag:s0] =	ssyncadd.tile.s32 @!p0 $0x1;
	_ =	shalt  }
.Lfunc_end2:
_tile_overlayer_lowered:
.L_overlay_start_2:
0x52: {  	(tag) =	ssettag $0x2  }
0x53: {  	s0 =	rddreg [dreg:$0x0];
	s2 =	stileid.u32  }
0x54: {  	s1 =	rddreg [dreg:$0x1];
	p0 =	sne.s32 s2, $0x0  }
0x55: {  	s3 =	rddreg [dreg:$0x2];
	[bflag:$0x3] =	sbarrier.arrive $0xFFFF;
	s2 =	simm.s32 @!p0 $0x1C01  }
0x56: {  	[timem:s3], [sflag:s2] =	dma.local @!p0 [hbm:s0], s1  }
0x57: {  	s0 =	simm.s32 @!p0 $0x1  }
0x58: {  	_ =	swait.ge @!p0 [sflag:s0], s1  }
0x59: {  	s1 =	ssub.s32 @!p0 $0x0, s1;
	[sflag:s0] =	ssyncset.done @!p0 $0x0  }
0x5a: {  	[sflag:s0] =	ssyncadd.s32 @!p0 s1  }
0x5b: {  	[bflag:$0x3] =	sbarrier.arrive $0xFFFF  }
0x5c: {  	_ =	shalt  }

// kernel: kernel.20.cloned.1.call-start
scs
__scs_entry_jumppad:
0x0: {  	(pc) =	sbr.rel $0x88, $3  }
0x1: {  	(tag) =	ssettag $0x0;
	lr =	simm.s32 $0x1  }
0x2: {  	[smem:$0x3F8F] =	sst lr;
	_ =	strace $0xD0000000  }
0x3: {  	_ = 	snop  }
0x4: {  	_ = 	snop  }
0x5: {  	_ = 	snop  }
0x6: {  	_ = 	snop  }
0x7: {  	_ = 	snop  }
__scs_overlays_trampoline_lowered:
0x8: {  	[smem:$0x3F9E] =	sst s0  }
0x9: {  	[smem:$0x3F9F] =	sst s1  }
0xa: {  	[smem:$0x3FA0] =	sst s2  }
0xb: {  	[smem:$0x3FA1] =	sst s3  }
0xc: {  	[smem:$0x3FA2] =	sst s4  }
0xd: {  	[smem:$0x3FA3] =	sst s5  }
0xe: {  	[smem:$0x3FA4] =	sst s6  }
0xf: {  	[smem:$0x3FA5] =	sst s7  }
0x10: {  	[smem:$0x3FA6] =	sst s8  }
0x11: {  	[smem:$0x3FA7] =	sst s9;
	s0 =	simm.s32 @!p0 $0x0  }
0x12: {  	s1 =	sld [smem:$0x3F8D];
	s0 =	simm.s32 @p0 $0x1  }
0x13: {  	[smem:$0x3FA8] =	sst s0;
	s0 =	simm.s32 @!p1 $0x0  }
0x14: {  	s2 =	sld [smem:$0x3F8C];
	s0 =	simm.s32 @p1 $0x1  }
0x15: {  	[smem:$0x3FA9] =	sst s0;
	s0 =	simm.s32 @!p2 $0x0  }
0x16: {  	s3 =	sld [smem:$0x3FDB];
	s0 =	simm.s32 @p2 $0x1  }
0x17: {  	s4 =	simm.s32 $0x1BF5;
	[smem:$0x3FAB] =	sst s0  }
0x18: {  	s0 =	sld [smem:$0x3F8E];
	_ =	swait.ge [sflag:s4], $0x0  }
0x19: {  	s7 =	sld [smem:$0x3F8F]  }
0x1a: {  	s8 =	sadd.s32 $0xFFFFE003, lr  }
0x1b: {  	s9 =	sadd.s32 $0xFFFFFEF7, lr;
	s5 =	simm.s32 $0xFFFFFFFF;
	p2 =	slt.u32 s8, $0xFFFFF086  }
0x1c: {  	p1 =	slt.u32 s9, $0xF7A;
	s5 =	simm.s32 @!p2 $0x0  }
0x1d: {  	s5 =	simm.s32 @p1 $0x1;
	p0 =	seq.s32 s7, s2  }
0x1e: {  	s7 =	smul.u32 @!p0 $0xF7A, s2;
	p2 =	seq.s32 @!p0 s5, $0x0  }
0x1f: {  	s9 =	smul.u32 $0xF7A, s1;
	s8 =	simm.s32 @!p0 $0x1BF5;
	p2 =	por !p2, p0  }
0x20: {  	[sflag:s8] =	ssyncset.s32 @!p0 $0xFFFFF086;
	s6 =	sadd.s32 @!p0 s3, s7;
	s7 =	simm.s32 @!p0 $0x108  }
0x21: {  	s3 =	sadd.s32 s3, s9;
	s6 =	sadd.s32 @!p0 $0x88, s6;
	s7 =	simm.s32 @p2 $0x1082  }
0x22: {  	[simem:s7], [sflag:s8] =	dma.local @!p0 [hbm:s6], $0xF7A  }
0x23: {  	s9 =	sor.u32 $0xD0000000, s2;
	s6 =	simm.s32 $0x108;
	_ =	swait.ge @!p0 [sflag:s8], $0x0  }
0x24: {  	s3 =	sadd.s32 $0x88, s3;
	s6 =	simm.s32 @!p1 $0x1082;
	[sflag:s4] =	ssyncset.s32 $0xFFFFF086  }
0x25: {  	[simem:s6], [sflag:s4] =	dma.local [hbm:s3], $0xF7A  }
0x26: {  	[smem:$0x3F8F] =	sst s1;
	(tag) =	ssettag s2;
	_ =	strace s9  }
0x27: {  	s1 =	sld [smem:$0x3F9F]  }
0x28: {  	s2 =	sld [smem:$0x3FA0]  }
0x29: {  	s4 =	sld [smem:$0x3FA2]  }
0x2a: {  	p0 =	seq.s32 s5, $0x0;
	s5 =	sld [smem:$0x3FA3]  }
0x2b: {  	s6 =	sld [smem:$0x3FA4]  }
0x2c: {  	s7 =	sld [smem:$0x3FA5]  }
0x2d: {  	s3 =	simm.s32 $0x108;
	s8 =	sld [smem:$0x3FA6]  }
0x2e: {  	s3 =	simm.s32 @!p0 $0x1082;
	s9 =	sld [smem:$0x3FA7]  }
0x2f: {  	lr =	sadd.s32 s0, s3;
	s0 =	sld [smem:$0x3F9E]  }
0x30: {  	s3 =	sld [smem:$0x3FA1]  }
0x31: {  	[smem:$0x3FAA] =	sst s10  }
0x32: {  	s10 =	sld [smem:$0x3FA8];
	_ =	sdelay $0x3  }
0x33: {  	p0 =	seq.s32 s10, $0x1;
	s10 =	sld [smem:$0x3FAA];
	_ =	sdelay $0x3  }
0x34: {  	[smem:$0x3FAA] =	sst s10  }
0x35: {  	s10 =	sld [smem:$0x3FA9];
	_ =	sdelay $0x3  }
0x36: {  	p1 =	seq.s32 s10, $0x1;
	s10 =	sld [smem:$0x3FAA];
	_ =	sdelay $0x3  }
0x37: {  	[smem:$0x3FAA] =	sst s10  }
0x38: {  	s10 =	sld [smem:$0x3FAB]  }
0x39: {  	_ = 	snop;
	(pc) =	sbr.ind lr, $3  }
0x3a: {  	_ = 	snop  }
0x3b: {  	_ = 	snop  }
0x3c: {  	p2 =	seq.s32 s10, $0x1;
	s10 =	sld [smem:$0x3FAA]  }
0x3d: {  	_ =	shalt  }
0x3e: {  	_ =	shalt  }
0x3f: {  	_ =	shalt  }
0x40: {  	_ =	shalt  }
0x41: {  	_ =	shalt  }
0x42: {  	_ =	shalt  }
0x43: {  	_ =	shalt  }
0x44: {  	_ =	shalt  }
0x45: {  	_ =	shalt  }
0x46: {  	_ =	shalt  }
0x47: {  	_ =	shalt  }
0x48: {  	_ =	shalt  }
0x49: {  	_ =	shalt  }
0x4a: {  	_ =	shalt  }
0x4b: {  	_ =	shalt  }
0x4c: {  	_ =	shalt  }
0x4d: {  	_ =	shalt  }
0x4e: {  	_ =	shalt  }
0x4f: {  	_ =	shalt  }
0x50: {  	_ =	shalt  }
0x51: {  	_ =	shalt  }
0x52: {  	_ =	shalt  }
0x53: {  	_ =	shalt  }
0x54: {  	_ =	shalt  }
0x55: {  	_ =	shalt  }
0x56: {  	_ =	shalt  }
0x57: {  	_ =	shalt  }
0x58: {  	_ =	shalt  }
0x59: {  	_ =	shalt  }
0x5a: {  	_ =	shalt  }
0x5b: {  	_ =	shalt  }
0x5c: {  	_ =	shalt  }
0x5d: {  	_ =	shalt  }
0x5e: {  	_ =	shalt  }
0x5f: {  	_ =	shalt  }
0x60: {  	_ =	shalt  }
0x61: {  	_ =	shalt  }
0x62: {  	_ =	shalt  }
0x63: {  	_ =	shalt  }
0x64: {  	_ =	shalt  }
0x65: {  	_ =	shalt  }
0x66: {  	_ =	shalt  }
0x67: {  	_ =	shalt  }
0x68: {  	_ =	shalt  }
0x69: {  	_ =	shalt  }
0x6a: {  	_ =	shalt  }
0x6b: {  	_ =	shalt  }
0x6c: {  	_ =	shalt  }
0x6d: {  	_ =	shalt  }
0x6e: {  	_ =	shalt  }
0x6f: {  	_ =	shalt  }
0x70: {  	_ =	shalt  }
0x71: {  	_ =	shalt  }
0x72: {  	_ =	shalt  }
0x73: {  	_ =	shalt  }
0x74: {  	_ =	shalt  }
0x75: {  	_ =	shalt  }
0x76: {  	_ =	shalt  }
0x77: {  	_ =	shalt  }
0x78: {  	_ =	shalt  }
0x79: {  	_ =	shalt  }
0x7a: {  	_ =	shalt  }
0x7b: {  	_ =	shalt  }
0x7c: {  	_ =	shalt  }
0x7d: {  	_ =	shalt  }
0x7e: {  	_ =	shalt  }
0x7f: {  	_ =	shalt  }
0x80: {  	_ =	shalt  }
0x81: {  	_ =	shalt  }
0x82: {  	_ =	shalt  }
0x83: {  	_ =	shalt  }
0x84: {  	_ =	shalt  }
0x85: {  	_ =	shalt  }
0x86: {  	_ =	shalt  }
0x87: {  	_ =	shalt  }
.Lfunc_end0:
.L_simem_size_0:
called_computation.1_lowered:
.L_overlay_start_0:
0x88: {  	s2 =	sld [smem:$0x3FD9]  }
0x89: {  	s3 =	sld [smem:$0x3FFE];
	_ =	sdelay $0x1  }
0x8a: {  	s1 =	srdreg.scid  }
0x8b: {  	s0 =	sand.u32 $0x1, s1  }
0x8c: {  	s16 =	sshll.u32 s0, $0xA;
	s2 =	sadd.s32 s3, s2  }
0x8d: {  	s2 =	sadd.s32 s2, s16  }
0x8e: {  	[smem:$0x3FB6] =	sst s2  }
0x8f: {  	_ = 	snop  }
0x90: {  	(tm) =	ssettm $0x1  }
0x91: {  	s17 =	sld [smem:$0x3FFB];
	_ =	sdelay $0x3  }
0x92: {  	_ =	strace s17  }
0x93: {  	s2 =	sld [smem:$0x3FFC];
	_ =	sdelay $0x3  }
0x94: {  	_ =	strace s2  }
0x95: {  	s2 =	sld [smem:$0x3FFD];
	_ =	sdelay $0x3  }
0x96: {  	_ =	strace s2  }
0x97: {  	_ =	strace $0x8FFFFFFF  }
0x98: {  	s18 =	sld [smem:$0x3FDB];
	_ =	sdelay $0x1  }
0x99: {  	s19 =	simm.s32 $_scs_section_size  }
0x9a: {  	s4 =	simm.s32 $_size__tile_overlayer_lowered;
	s5 =	simm.s32 $_tile_overlayer_lowered  }
0x9b: {  	s22 =	simm.s32 $0x1BFF;
	s21 =	sshll.u32 s5, $0x1;
	s2 =	sadd.s32 s19, s18  }
0x9c: {  	s6 =	simm.s32 $0x0;
	s20 =	sshll.u32 s4, $0x1;
	s4 =	sadd.s32 s21, s2  }
0x9d: {  	[timem:s6], [sflag:s22] =	dma.local [hbm:s4], s20  }
0x9e: {  	_ =	swait.ge [sflag:s22], s20  }
0x9f: {  	s3 =	ssub.s32 $0x0, s20;
	[sflag:s22] =	ssyncset.done $0x0  }
0xa0: {  	[sflag:s22] =	ssyncadd.s32 s3;
	_ =	sdelay $0x1  }
0xa1: {  	s23 =	simm.s32 $0x1B8B  }
0xa2: {  	_ =	swait.ge [sflag:s23], $0x1  }
0xa3: {  	[sflag:s23] =	ssyncset.done $0x0  }
0xa4: {  	s25 =	simm.s32 $0x1B8E;
	s24 =	sld [smem:$0x3FFE];
	[sflag:s23] =	ssyncadd.s32 $0xFFFFFFFF  }
0xa5: {  	s26 =	simm.s32 $execute0_lowered;
	[smem:$0x3FD2] =	sst s25  }
0xa6: {  	s4 =	sshll.u32 s26, $0x1;
	_ =	strace $0x80000049;
	[dreg:$0x1] =	wrdreg $0xFFFFFFFF  }
0xa7: {  	s28 =	simm.s32 $_size_execute0_lowered;
	s2 =	sadd.s32 s2, s4;
	[dreg:$0x0] =	wrdreg $0x0  }
0xa8: {  	s4 =	sshll.u32 s28, $0x1;
	[dreg:$0x2] =	wrdreg s2  }
0xa9: {  	[dreg:$0x3] =	wrdreg s4  }
0xaa: {  	[dreg:$0x4] =	wrdreg $0xC0  }
0xab: {  	_ =	task [dreg:s6], $0x5FFFF  }
0xac: {  	[dreg:$0x1] =	wrdreg $0xFFFFFFFF  }
0xad: {  	[dreg:$0x0] =	wrdreg $0x60  }
0xae: {  	[dreg:$0x2] =	wrdreg s24  }
0xaf: {  	[dreg:$0x3] =	wrdreg $0x9  }
0xb0: {  	_ =	task.clear_ibuf [dreg:s6], $0x4FFFF;
	_ =	strace $0x90000049  }
0xb1: {  	s29 =	simm.s32 $0x9;
	_ =	strace $0x8000004B  }
0xb2: {  	_ =	swait.ge [sflag:s29], $0x1  }
0xb3: {  	[sflag:s29] =	ssyncadd.s32 $0xFFFFFFFF  }
0xb4: {  	_ =	strace $0x9000004B  }
0xb5: {  	_ =	sfence  }
0xb6: {  	s30 =	sld [smem:$0x0];
	_ =	sdelay $0x2  }
0xb7: {  	s31 =	sshll.u32 s1, $0xD;
	s1 =	sshrl.u32 s1, $0x2  }
0xb8: {  	s3 =	sand.u32 $0x4000, s31;
	s1 =	sadd.s32 s1, s30  }
0xb9: {  	s0 =	sor.u32 s3, s0;
	s1 =	sshll.u32 s1, $0x11  }
0xba: {  	s0 =	sor.u32 s1, s0  }
0xbb: {  	s0 =	sadd.s32 $0x8F2B, s0  }
0xbc: {  	[sflag:s0] =	ssyncadd.remote.s32 $0x1  }
0xbd: {  	_ =	sfence.sel $0xFFFF  }
0xbe: {  	[dreg:$0x0] =	wrdreg $0xFFFFFFFF;
	(pc) =	sbr.abs _section_cstart, $3  }
0xbf: {  	[dreg:$0x1] =	wrdreg $0xFFFFFFFF  }
0xc0: {  	_ =	task.clear_ibuf [dreg:s6], $0x2FFFF;
	_ =	strace $0x9FFFFFFF  }
0xc1: {  	(tm) =	ssettm $0x7FFFFFFF  }
tec
execute0_lowered:
.L_overlay_start_1:
0x0: {  	(tag) =	ssettag $0x1  }
0x1: {  	s7 =	rddreg [dreg:$0x0]  }
0x2: {  	s0 =	rddreg [dreg:$0x1];
	s1 =	simm.s32 $0x0;
	s3 =	srdreg.scid  }
0x3: {  	s11 =	simm.s32 $0x100;
	s12 =	simm.s32 $0xC8;
	s13 =	simm.s32 $0x200  }
0x4: {  	s14 =	simm.s32 $0x6600;
	s15 =	simm.s32 $0x1;
	s16 =	simm.s32 $0x2  }
0x5: {  	s17 =	simm.s32 $0x0;
	[smem:$0x7FF] =	sst s1;
	s2 =	sadd.s32 $0x4F8E00, s7  }
0x6: {  	s4 =	sadd.s32 $0x4EF000, s7;
	s5 =	sadd.s32 $0x5D000, s7;
	s6 =	sand.u32 $0x1, s3  }
0x7: {  	s3 =	stileid.u32;
	_ =	strace $0x8000004A;
	s8 =	ssub.s32 $0x2, s6  }
0x8: {  	s9 =	sshll.u32 s6, $0x4;
	s6 =	sadd.s32 $0x85000, s7;
	s10 =	sshrl.u32 s8, $0x1  }
0x9: {  	s7 =	sadd.s32 $0x505600, s7;
	s9 =	sor.u32 s3, s9;
	s10 =	ssub.s32 s8, s10  }
0xa: {  	s8 =	smul.u32 $0x2710, s9;
	s9 =	smax.u32 s10, $0x1;
	s10 =	simm.s32 $0x3  }
.LBB2_1:
0xb: {  	s18 =	simm.s32 $0x0  }
.LBB2_2:
0xc: {  	s19 =	smul.u32 $0xC8, s18;
	_ =	sdelay $0x1  }
0xd: {  	s19 =	sadd.s32 s8, s19  }
0xe: {  	s20 =	sshrl.u32 s19, $0x3  }
0xf: {  	s22 =	simm.s32 $0x0;
	s21 =	sadd.s32 s2, s20  }
0x10: {  	[tilespmem:s22], [sflag:$0x3] =	stream.linear.gather [hbm4b:s21+s22], $0xC8, $0x38;
	[tilespmem:$0xCA00] =	vst v63  }
0x11: {  	_ =	swait.ge [sflag:s10], $0xC8  }
0x12: {  	[sflag:s10] =	ssyncset.done $0x0  }
0x13: {  	s20 =	sadd.s32 s4, s20;
	[sflag:s10] =	ssyncadd.s32 $0xFFFFFF38  }
0x14: {  	[tilespmem:s11], [sflag:$0x3] =	stream.linear.gather [hbm4b:s20+s22], $0xC8, $0x38;
	[tilespmem:$0xCA00] =	vst v63  }
0x15: {  	_ =	swait.ge [sflag:s10], $0xC8  }
0x16: {  	[sflag:s10] =	ssyncset.done $0x0  }
0x17: {  	[sflag:s10] =	ssyncadd.s32 $0xFFFFFF38  }
0x18: {  	[tilespmem:s13], [sflag:$0x1] =	stream.indirect.gather [hbm4b:s5+s12], $0x80, s22, s12, $0xb8;
	[tilespmem:$0xCA00] =	vst v63  }
0x19: {  	_ = 	snop  }
0x1a: {  	[tilespmem:s14], [sflag:$0x2] =	stream.indirect.gather [hbm4b:s6+s12], $0x80, s11, s12, $0xb8;
	[tilespmem:$0xCA00] =	vst v63  }
0x1b: {  	_ =	swait.ge [sflag:s15], $0x6400  }
0x1c: {  	[sflag:s15] =	ssyncset.done $0x0  }
0x1d: {  	[sflag:s15] =	ssyncadd.s32 $0xFFFF9C00  }
0x1e: {  	_ =	swait.ge [sflag:s16], $0x6400  }
0x1f: {  	[sflag:s16] =	ssyncset.done $0x0  }
0x20: {  	s20 =	simm.s32 $0x0;
	[sflag:s16] =	ssyncadd.s32 $0xFFFF9C00  }
0x21: {  	v7 =	vld [tilespmem:s20+$0x6600]  }
0x22: {  	v11 =	vld [tilespmem:s20+$0x6610]  }
0x23: {  	v5 =	vld [tilespmem:s20+$0x6620]  }
0x24: {  	v4 =	vld [tilespmem:s20+$0x6630]  }
0x25: {  	v3 =	vld [tilespmem:s20+$0x6640]  }
0x26: {  	v2 =	vld [tilespmem:s20+$0x6650]  }
0x27: {  	v1 =	vld [tilespmem:s20+$0x6660]  }
0x28: {  	v0 =	vld [tilespmem:s20+$0x6670]  }
0x29: {  	v12 =	vld [tilespmem:s20+$0x200]  }
0x2a: {  	v13 =	vld [tilespmem:s20+$0x210]  }
0x2b: {  	v10 =	vld [tilespmem:s20+$0x220]  }
0x2c: {  	v9 =	vld [tilespmem:s20+$0x230]  }
0x2d: {  	v8 =	vld [tilespmem:s20+$0x240]  }
0x2e: {  	v6 =	vld [tilespmem:s20+$0x250];
	v12 =	vadd.f32 v7, v12  }
0x2f: {  	s21 =	simm.s32 $0x200;
	v11 =	vadd.f32 v11, v13;
	v7 =	vld [tilespmem:s20+$0x260]  }
.LBB2_3:
0x30: {  	s22 =	sshra.s32 s21, $0x2;
	p0 =	sne.s32 s21, $0x18E00;
	[tilespmem:s20+$0x200] =	vst v12;
	v5 =	vadd.f32 v5, v10;
	v10 =	vld [tilespmem:s20+$0x270]  }
0x31: {  	v12 =	vld [tilespmem:s22+$0x6600];
	[tilespmem:s20+$0x210] =	vst v11;
	v4 =	vadd.f32 v4, v9  }
0x32: {  	v11 =	vld [tilespmem:s22+$0x6610];
	[tilespmem:s20+$0x220] =	vst v5;
	v3 =	vadd.f32 v3, v8  }
0x33: {  	v5 =	vld [tilespmem:s22+$0x6620];
	[tilespmem:s20+$0x230] =	vst v4;
	v2 =	vadd.f32 v2, v6  }
0x34: {  	v4 =	vld [tilespmem:s22+$0x6630];
	[tilespmem:s20+$0x240] =	vst v3;
	v1 =	vadd.f32 v1, v7  }
0x35: {  	v3 =	vld [tilespmem:s22+$0x6640];
	[tilespmem:s20+$0x250] =	vst v2;
	v0 =	vadd.f32 v0, v10  }
0x36: {  	v2 =	vld [tilespmem:s22+$0x6650];
	[tilespmem:s20+$0x260] =	vst v1  }
0x37: {  	v1 =	vld [tilespmem:s22+$0x6660];
	[tilespmem:s20+$0x270] =	vst v0;
	s20 =	smov.u32 s22  }
0x38: {  	v0 =	vld [tilespmem:s20+$0x6670]  }
0x39: {  	v6 =	vld [tilespmem:s20+$0x200]  }
0x3a: {  	v7 =	vld [tilespmem:s20+$0x210]  }
.Ltmp0:
0x3b: {  	v10 =	vld [tilespmem:s20+$0x220];
	(pc) =	sbr.rel @p0 .LBB2_3-.Ltmp0, $4  }
0x3c: {  	v9 =	vld [tilespmem:s20+$0x230]  }
0x3d: {  	v8 =	vld [tilespmem:s20+$0x240]  }
0x3e: {  	v12 =	vadd.f32 v12, v6;
	v6 =	vld [tilespmem:s20+$0x250]  }
0x3f: {  	s21 =	sadd.s32 $0x200, s21;
	v11 =	vadd.f32 v11, v7;
	v7 =	vld [tilespmem:s20+$0x260]  }
0x40: {  	[tilespmem:s20+$0x200] =	vst v12;
	v5 =	vadd.f32 v5, v10;
	v63 =	vld [tilespmem:s20+$0x270]  }
0x41: {  	[tilespmem:s20+$0x210] =	vst v11;
	v4 =	vadd.f32 v4, v9  }
0x42: {  	[tilespmem:s20+$0x220] =	vst v5;
	v3 =	vadd.f32 v3, v8  }
0x43: {  	[tilespmem:s20+$0x230] =	vst v4;
	v2 =	vadd.f32 v2, v6  }
0x44: {  	[tilespmem:s20+$0x240] =	vst v3;
	v1 =	vadd.f32 v1, v7  }
0x45: {  	s18 =	sadd.s32 $0x1, s18;
	[tilespmem:s20+$0x250] =	vst v2;
	v0 =	vadd.f32 v0, v63  }
0x46: {  	s19 =	sshll.u32 s19, $0x4;
	p0 =	sne.s32 s18, $0x32;
	[tilespmem:s20+$0x260] =	vst v1  }
.Ltmp1:
0x47: {  	s19 =	sadd.s32 s7, s19;
	[tilespmem:s20+$0x270] =	vst v0;
	(pc) =	sbr.rel @p0 .LBB2_2-.Ltmp1, $4  }
0x48: {  	[hbm4b:s19+s1] =	stream.linear.scatter [tilespmem:s13], [sflag:$0x3], $0x6400, $0x38;
	[tilespmem:$0xCA00] =	vst v63  }
0x49: {  	_ =	swait.ge [sflag:s10], $0x6400  }
0x4a: {  	[sflag:s10] =	ssyncset.done $0x0  }
0x4b: {  	[sflag:s10] =	ssyncadd.s32 $0xFFFF9C00  }
0x4c: {  	s17 =	sadd.s32 $0x1, s17  }
0x4d: {  	p0 =	sne.s32 s17, s9  }
.Ltmp2:
0x4e: {  	_ = 	snop;
	(pc) =	sbr.rel @p0 .LBB2_1-.Ltmp2, $1  }
0x4f: {  	_ =	sdelay $0x3  }
0x50: {  	_ =	sfence.sel $0x180000  }
0x51: {  	[bflag:$0x0] =	sbarrier.arrive $0xFFFF  }
0x52: {  	p0 =	sne.s32 s3, $0x0;
	_ =	strace $0x9000004A  }
0x53: {  	s0 =	sadd.s32 @!p0 $0x100000, s0;
	[bflag:$0x2] =	sbarrier.arrive $0xFFFF  }
0x54: {  	[sflag:s0] =	ssyncadd.tile.s32 @!p0 $0x1;
	_ =	shalt  }
.Lfunc_end2:
_tile_overlayer_lowered:
.L_overlay_start_2:
0x55: {  	(tag) =	ssettag $0x2  }
0x56: {  	s0 =	rddreg [dreg:$0x0];
	s2 =	stileid.u32  }
0x57: {  	s1 =	rddreg [dreg:$0x1];
	p0 =	sne.s32 s2, $0x0  }
0x58: {  	s3 =	rddreg [dreg:$0x2];
	[bflag:$0x3] =	sbarrier.arrive $0xFFFF;
	s2 =	simm.s32 @!p0 $0x1C03  }
0x59: {  	[timem:s3], [sflag:s2] =	dma.local @!p0 [hbm:s0], s1  }
0x5a: {  	s0 =	simm.s32 @!p0 $0x3  }
0x5b: {  	_ =	swait.ge @!p0 [sflag:s0], s1  }
0x5c: {  	s1 =	ssub.s32 @!p0 $0x0, s1;
	[sflag:s0] =	ssyncset.done @!p0 $0x0  }
0x5d: {  	[sflag:s0] =	ssyncadd.s32 @!p0 s1  }
0x5e: {  	[bflag:$0x3] =	sbarrier.arrive $0xFFFF  }
0x5f: {  	_ =	shalt  }

// kernel: kernel.23.cloned.1.call-start
scs
__scs_entry_jumppad:
0x0: {  	(pc) =	sbr.rel $0x88, $3  }
0x1: {  	(tag) =	ssettag $0x0;
	lr =	simm.s32 $0x1  }
0x2: {  	[smem:$0x3F8F] =	sst lr;
	_ =	strace $0xD0000000  }
0x3: {  	_ = 	snop  }
0x4: {  	_ = 	snop  }
0x5: {  	_ = 	snop  }
0x6: {  	_ = 	snop  }
0x7: {  	_ = 	snop  }
__scs_overlays_trampoline_lowered:
0x8: {  	[smem:$0x3F9E] =	sst s0  }
0x9: {  	[smem:$0x3F9F] =	sst s1  }
0xa: {  	[smem:$0x3FA0] =	sst s2  }
0xb: {  	[smem:$0x3FA1] =	sst s3  }
0xc: {  	[smem:$0x3FA2] =	sst s4  }
0xd: {  	[smem:$0x3FA3] =	sst s5  }
0xe: {  	[smem:$0x3FA4] =	sst s6  }
0xf: {  	[smem:$0x3FA5] =	sst s7  }
0x10: {  	[smem:$0x3FA6] =	sst s8  }
0x11: {  	[smem:$0x3FA7] =	sst s9;
	s0 =	simm.s32 @!p0 $0x0  }
0x12: {  	s1 =	sld [smem:$0x3F8D];
	s0 =	simm.s32 @p0 $0x1  }
0x13: {  	[smem:$0x3FA8] =	sst s0;
	s0 =	simm.s32 @!p1 $0x0  }
0x14: {  	s2 =	sld [smem:$0x3F8C];
	s0 =	simm.s32 @p1 $0x1  }
0x15: {  	[smem:$0x3FA9] =	sst s0;
	s0 =	simm.s32 @!p2 $0x0  }
0x16: {  	s3 =	sld [smem:$0x3FDB];
	s0 =	simm.s32 @p2 $0x1  }
0x17: {  	s4 =	simm.s32 $0x1BF5;
	[smem:$0x3FAB] =	sst s0  }
0x18: {  	s0 =	sld [smem:$0x3F8E];
	_ =	swait.ge [sflag:s4], $0x0  }
0x19: {  	s7 =	sld [smem:$0x3F8F]  }
0x1a: {  	s8 =	sadd.s32 $0xFFFFE003, lr  }
0x1b: {  	s9 =	sadd.s32 $0xFFFFFEF7, lr;
	s5 =	simm.s32 $0xFFFFFFFF;
	p2 =	slt.u32 s8, $0xFFFFF086  }
0x1c: {  	p1 =	slt.u32 s9, $0xF7A;
	s5 =	simm.s32 @!p2 $0x0  }
0x1d: {  	s5 =	simm.s32 @p1 $0x1;
	p0 =	seq.s32 s7, s2  }
0x1e: {  	s7 =	smul.u32 @!p0 $0xF7A, s2;
	p2 =	seq.s32 @!p0 s5, $0x0  }
0x1f: {  	s9 =	smul.u32 $0xF7A, s1;
	s8 =	simm.s32 @!p0 $0x1BF5;
	p2 =	por !p2, p0  }
0x20: {  	[sflag:s8] =	ssyncset.s32 @!p0 $0xFFFFF086;
	s6 =	sadd.s32 @!p0 s3, s7;
	s7 =	simm.s32 @!p0 $0x108  }
0x21: {  	s3 =	sadd.s32 s3, s9;
	s6 =	sadd.s32 @!p0 $0x88, s6;
	s7 =	simm.s32 @p2 $0x1082  }
0x22: {  	[simem:s7], [sflag:s8] =	dma.local @!p0 [hbm:s6], $0xF7A  }
0x23: {  	s9 =	sor.u32 $0xD0000000, s2;
	s6 =	simm.s32 $0x108;
	_ =	swait.ge @!p0 [sflag:s8], $0x0  }
0x24: {  	s3 =	sadd.s32 $0x88, s3;
	s6 =	simm.s32 @!p1 $0x1082;
	[sflag:s4] =	ssyncset.s32 $0xFFFFF086  }
0x25: {  	[simem:s6], [sflag:s4] =	dma.local [hbm:s3], $0xF7A  }
0x26: {  	[smem:$0x3F8F] =	sst s1;
	(tag) =	ssettag s2;
	_ =	strace s9  }
0x27: {  	s1 =	sld [smem:$0x3F9F]  }
0x28: {  	s2 =	sld [smem:$0x3FA0]  }
0x29: {  	s4 =	sld [smem:$0x3FA2]  }
0x2a: {  	p0 =	seq.s32 s5, $0x0;
	s5 =	sld [smem:$0x3FA3]  }
0x2b: {  	s6 =	sld [smem:$0x3FA4]  }
0x2c: {  	s7 =	sld [smem:$0x3FA5]  }
0x2d: {  	s3 =	simm.s32 $0x108;
	s8 =	sld [smem:$0x3FA6]  }
0x2e: {  	s3 =	simm.s32 @!p0 $0x1082;
	s9 =	sld [smem:$0x3FA7]  }
0x2f: {  	lr =	sadd.s32 s0, s3;
	s0 =	sld [smem:$0x3F9E]  }
0x30: {  	s3 =	sld [smem:$0x3FA1]  }
0x31: {  	[smem:$0x3FAA] =	sst s10  }
0x32: {  	s10 =	sld [smem:$0x3FA8];
	_ =	sdelay $0x3  }
0x33: {  	p0 =	seq.s32 s10, $0x1;
	s10 =	sld [smem:$0x3FAA];
	_ =	sdelay $0x3  }
0x34: {  	[smem:$0x3FAA] =	sst s10  }
0x35: {  	s10 =	sld [smem:$0x3FA9];
	_ =	sdelay $0x3  }
0x36: {  	p1 =	seq.s32 s10, $0x1;
	s10 =	sld [smem:$0x3FAA];
	_ =	sdelay $0x3  }
0x37: {  	[smem:$0x3FAA] =	sst s10  }
0x38: {  	s10 =	sld [smem:$0x3FAB]  }
0x39: {  	_ = 	snop;
	(pc) =	sbr.ind lr, $3  }
0x3a: {  	_ = 	snop  }
0x3b: {  	_ = 	snop  }
0x3c: {  	p2 =	seq.s32 s10, $0x1;
	s10 =	sld [smem:$0x3FAA]  }
0x3d: {  	_ =	shalt  }
0x3e: {  	_ =	shalt  }
0x3f: {  	_ =	shalt  }
0x40: {  	_ =	shalt  }
0x41: {  	_ =	shalt  }
0x42: {  	_ =	shalt  }
0x43: {  	_ =	shalt  }
0x44: {  	_ =	shalt  }
0x45: {  	_ =	shalt  }
0x46: {  	_ =	shalt  }
0x47: {  	_ =	shalt  }
0x48: {  	_ =	shalt  }
0x49: {  	_ =	shalt  }
0x4a: {  	_ =	shalt  }
0x4b: {  	_ =	shalt  }
0x4c: {  	_ =	shalt  }
0x4d: {  	_ =	shalt  }
0x4e: {  	_ =	shalt  }
0x4f: {  	_ =	shalt  }
0x50: {  	_ =	shalt  }
0x51: {  	_ =	shalt  }
0x52: {  	_ =	shalt  }
0x53: {  	_ =	shalt  }
0x54: {  	_ =	shalt  }
0x55: {  	_ =	shalt  }
0x56: {  	_ =	shalt  }
0x57: {  	_ =	shalt  }
0x58: {  	_ =	shalt  }
0x59: {  	_ =	shalt  }
0x5a: {  	_ =	shalt  }
0x5b: {  	_ =	shalt  }
0x5c: {  	_ =	shalt  }
0x5d: {  	_ =	shalt  }
0x5e: {  	_ =	shalt  }
0x5f: {  	_ =	shalt  }
0x60: {  	_ =	shalt  }
0x61: {  	_ =	shalt  }
0x62: {  	_ =	shalt  }
0x63: {  	_ =	shalt  }
0x64: {  	_ =	shalt  }
0x65: {  	_ =	shalt  }
0x66: {  	_ =	shalt  }
0x67: {  	_ =	shalt  }
0x68: {  	_ =	shalt  }
0x69: {  	_ =	shalt  }
0x6a: {  	_ =	shalt  }
0x6b: {  	_ =	shalt  }
0x6c: {  	_ =	shalt  }
0x6d: {  	_ =	shalt  }
0x6e: {  	_ =	shalt  }
0x6f: {  	_ =	shalt  }
0x70: {  	_ =	shalt  }
0x71: {  	_ =	shalt  }
0x72: {  	_ =	shalt  }
0x73: {  	_ =	shalt  }
0x74: {  	_ =	shalt  }
0x75: {  	_ =	shalt  }
0x76: {  	_ =	shalt  }
0x77: {  	_ =	shalt  }
0x78: {  	_ =	shalt  }
0x79: {  	_ =	shalt  }
0x7a: {  	_ =	shalt  }
0x7b: {  	_ =	shalt  }
0x7c: {  	_ =	shalt  }
0x7d: {  	_ =	shalt  }
0x7e: {  	_ =	shalt  }
0x7f: {  	_ =	shalt  }
0x80: {  	_ =	shalt  }
0x81: {  	_ =	shalt  }
0x82: {  	_ =	shalt  }
0x83: {  	_ =	shalt  }
0x84: {  	_ =	shalt  }
0x85: {  	_ =	shalt  }
0x86: {  	_ =	shalt  }
0x87: {  	_ =	shalt  }
.Lfunc_end0:
.L_simem_size_0:
called_computation.2_lowered:
.L_overlay_start_0:
0x88: {  	s2 =	sld [smem:$0x3FD9]  }
0x89: {  	s3 =	sld [smem:$0x3FFE];
	_ =	sdelay $0x1  }
0x8a: {  	s1 =	srdreg.scid  }
0x8b: {  	s0 =	sand.u32 $0x1, s1  }
0x8c: {  	s17 =	sshll.u32 s0, $0xA;
	s2 =	sadd.s32 s3, s2  }
0x8d: {  	s2 =	sadd.s32 s2, s17  }
0x8e: {  	[smem:$0x3FB6] =	sst s2  }
0x8f: {  	_ = 	snop  }
0x90: {  	s2 =	sld [smem:$0x3FD0];
	(tm) =	ssettm $0x1  }
0x91: {  	s18 =	sld [smem:$0x3FFB];
	_ =	sdelay $0x3  }
0x92: {  	_ =	strace s18  }
0x93: {  	s3 =	sld [smem:$0x3FFC];
	_ =	sdelay $0x3  }
0x94: {  	_ =	strace s3  }
0x95: {  	s3 =	sld [smem:$0x3FFD];
	_ =	sdelay $0x3  }
0x96: {  	_ =	strace s3  }
0x97: {  	_ =	strace $0x8FFFFFFF  }
0x98: {  	s19 =	sld [smem:$0x3FDB];
	_ =	sdelay $0x1  }
0x99: {  	s4 =	simm.s32 $_scs_section_size  }
0x9a: {  	s5 =	simm.s32 $_size__tile_overlayer_lowered;
	s6 =	simm.s32 $_tile_overlayer_lowered  }
0x9b: {  	s22 =	simm.s32 $0x1BFF;
	s21 =	sshll.u32 s6, $0x1;
	s3 =	sadd.s32 s4, s19  }
0x9c: {  	s7 =	simm.s32 $0x0;
	s20 =	sshll.u32 s5, $0x1;
	s5 =	sadd.s32 s21, s3  }
0x9d: {  	[timem:s7], [sflag:s22] =	dma.local [hbm:s5], s20  }
0x9e: {  	_ =	swait.ge [sflag:s22], s20  }
0x9f: {  	s4 =	ssub.s32 $0x0, s20;
	[sflag:s22] =	ssyncset.done $0x0  }
0xa0: {  	[sflag:s22] =	ssyncadd.s32 s4;
	_ =	sdelay $0x1  }
0xa1: {  	s23 =	simm.s32 $0x1B8B  }
0xa2: {  	_ =	swait.ge [sflag:s23], $0x1  }
0xa3: {  	[sflag:s23] =	ssyncset.done $0x0  }
0xa4: {  	s25 =	simm.s32 $0x1B8E;
	s24 =	sld [smem:$0x3FFE];
	[sflag:s23] =	ssyncadd.s32 $0xFFFFFFFF  }
0xa5: {  	s26 =	simm.s32 $execute0_lowered;
	[smem:$0x3FD2] =	sst s25  }
0xa6: {  	s5 =	sshll.u32 s26, $0x1;
	_ =	strace $0x8000004C;
	[dreg:$0x1] =	wrdreg $0xFFFFFFFF  }
0xa7: {  	s28 =	simm.s32 $_size_execute0_lowered;
	s3 =	sadd.s32 s3, s5;
	[dreg:$0x0] =	wrdreg $0x0  }
0xa8: {  	s5 =	sshll.u32 s28, $0x1;
	[dreg:$0x2] =	wrdreg s3  }
0xa9: {  	[dreg:$0x3] =	wrdreg s5  }
0xaa: {  	[dreg:$0x4] =	wrdreg $0xC0  }
0xab: {  	_ =	task [dreg:s7], $0x5FFFF  }
0xac: {  	[dreg:$0x1] =	wrdreg $0xFFFFFFFF  }
0xad: {  	[dreg:$0x0] =	wrdreg $0x60  }
0xae: {  	[dreg:$0x2] =	wrdreg s24  }
0xaf: {  	[dreg:$0x3] =	wrdreg s2  }
0xb0: {  	[dreg:$0x4] =	wrdreg $0x0  }
0xb1: {  	[dreg:$0x5] =	wrdreg $0x28000  }
0xb2: {  	[dreg:$0x6] =	wrdreg $0x9  }
0xb3: {  	_ =	task.clear_ibuf [dreg:s7], $0x7FFFF;
	_ =	strace $0x9000004C  }
0xb4: {  	s29 =	simm.s32 $0x9;
	_ =	strace $0x8000004E  }
0xb5: {  	_ =	swait.ge [sflag:s29], $0x1  }
0xb6: {  	[sflag:s29] =	ssyncadd.s32 $0xFFFFFFFF  }
0xb7: {  	_ =	strace $0x9000004E  }
0xb8: {  	_ =	sfence  }
0xb9: {  	s30 =	sld [smem:$0x0];
	_ =	sdelay $0x2  }
0xba: {  	s31 =	sshll.u32 s1, $0xD;
	s1 =	sshrl.u32 s1, $0x2  }
0xbb: {  	s3 =	sand.u32 $0x4000, s31;
	s1 =	sadd.s32 s1, s30  }
0xbc: {  	s0 =	sor.u32 s3, s0;
	s1 =	sshll.u32 s1, $0x11  }
0xbd: {  	s0 =	sor.u32 s1, s0  }
0xbe: {  	s0 =	sadd.s32 $0x8F2B, s0  }
0xbf: {  	[sflag:s0] =	ssyncadd.remote.s32 $0x1  }
0xc0: {  	_ =	sfence.sel $0xFFFF  }
0xc1: {  	[dreg:$0x0] =	wrdreg $0xFFFFFFFF;
	(pc) =	sbr.abs _section_cstart, $3  }
0xc2: {  	[dreg:$0x1] =	wrdreg $0xFFFFFFFF  }
0xc3: {  	_ =	task.clear_ibuf [dreg:s7], $0x2FFFF;
	_ =	strace $0x9FFFFFFF  }
0xc4: {  	(tm) =	ssettm $0x7FFFFFFF  }
0xc5: {  	_ =	shalt  }
tec
execute0_lowered:
.L_overlay_start_1:
0x0: {  	(tag) =	ssettag $0x1  }
0x1: {  	s5 =	rddreg [dreg:$0x0]  }
0x2: {  	s0 =	srdreg.scid;
	s10 =	rddreg [dreg:$0x1]  }
0x3: {  	s2 =	rddreg [dreg:$0x2];
	s6 =	sand.u32 $0x1, s0  }
0x4: {  	s0 =	stileid.u32;
	s7 =	smul.u32 $0x27100, s6  }
0x5: {  	s3 =	rddreg [dreg:$0x3];
	s8 =	smul.u32 $0x2710, s0  }
0x6: {  	s1 =	rddreg [dreg:$0x4];
	s4 =	simm.s32 $0x0;
	s11 =	smul.u32 $0x271000, s6  }
0x7: {  	s19 =	simm.s32 $0x19080;
	s20 =	simm.s32 $0x50;
	s9 =	smul.u32 $0x14000, s0  }
0x8: {  	s21 =	simm.s32 $0x0;
	[smem:$0x7FF] =	sst s4;
	s25 =	smul.u32 $0x140000, s6  }
0x9: {  	_ =	strace $0x8000004D;
	s6 =	ssub.s32 $0x2, s6;
	s30 =	sshll.u32 s0, $0x6  }
0xa: {  	s17 =	smul.u32 $0x27100, s0;
	s29 =	sshrl.u32 s6, $0x1;
	s7 =	sadd.s32 s8, s7  }
0xb: {  	s12 =	sadd.s32 s11, s5;
	s26 =	sadd.s32 s9, s25;
	s28 =	sshrl.u32 s9, $0x3  }
0xc: {  	s15 =	ssub.s32 s6, s29;
	s16 =	sadd.s32 s9, s2;
	s6 =	sor.u32 $0x1C01, s30  }
0xd: {  	s18 =	sadd.s32 s9, s3;
	s31 =	sadd.s32 s11, s10;
	s7 =	sshrl.u32 s7, $0x3  }
0xe: {  	s8 =	sadd.s32 s28, s5;
	s12 =	sadd.s32 s17, s12;
	s10 =	smax.u32 s15, $0x1  }
0xf: {  	s15 =	simm.s32 $0x1;
	s13 =	sadd.s32 s7, s5;
	s7 =	sshrl.u32 s26, $0x3  }
0x10: {  	s11 =	sadd.s32 $0x505600, s12;
	s12 =	sadd.s32 s17, s31;
	s17 =	simm.s32 $0x16800  }
0x11: {  	s14 =	sadd.s32 s7, s5;
	s5 =	sadd.s32 $0x35000, s8;
	s7 =	sadd.s32 $0xD000, s8  }
0x12: {  	s13 =	sadd.s32 $0x4EF000, s13;
	s8 =	sadd.s32 $0x101800, s14;
	s9 =	sadd.s32 $0x5D000, s14  }
0x13: {  	s14 =	sshrl.u32 s16, $0x3;
	s16 =	sshrl.u32 s18, $0x3;
	s18 =	simm.s32 $0x16880  }
.LBB2_1:
0x14: {  	[spmem:s14], [sflag:s6] =	dma.local [hbm:s5], $0x2800  }
0x15: {  	_ =	swait.ge [sflag:s15], $0x2800  }
0x16: {  	[sflag:s15] =	ssyncset.done $0x0  }
0x17: {  	[sflag:s15] =	ssyncadd.s32 $0xFFFFD800  }
0x18: {  	[spmem:s16], [sflag:s6] =	dma.local [hbm:s7], $0x2800  }
0x19: {  	_ =	swait.ge [sflag:s15], $0x2800  }
0x1a: {  	[sflag:s15] =	ssyncset.done $0x0  }
0x1b: {  	[sflag:s15] =	ssyncadd.s32 $0xFFFFD800  }
0x1c: {  	[bflag:$0x0] =	sbarrier.arrive $0xFFFF  }
0x1d: {  	[tilespmem:s17], [sflag:$0x1] =	stream.linear.gather [hbm4b:s13+s4], $0x50, $0x38;
	[tilespmem:$0x1B880] =	vst v63  }
0x1e: {  	_ =	swait.ge [sflag:s15], $0x50  }
0x1f: {  	[sflag:s15] =	ssyncset.done $0x0  }
0x20: {  	s22 =	sadd.s32 $0x0, s11;
	[sflag:s15] =	ssyncadd.s32 $0xFFFFFFB0  }
0x21: {  	[tilespmem:s18], [sflag:$0x1] =	stream.linear.gather [hbm4b:s22+s4], $0x2800, $0x38;
	[tilespmem:$0x1B880] =	vst v63  }
0x22: {  	_ =	swait.ge [sflag:s15], $0x2800  }
0x23: {  	[sflag:s15] =	ssyncset.done $0x0  }
0x24: {  	s31 =	sadd.s32 $0x0, s12;
	[sflag:s15] =	ssyncadd.s32 $0xFFFFD800  }
0x25: {  	[tilespmem:s19], [sflag:$0x1] =	stream.linear.gather [hbm4b:s31+s4], $0x2800, $0x38;
	[tilespmem:$0x1B880] =	vst v63  }
0x26: {  	_ =	swait.ge [sflag:s15], $0x2800  }
0x27: {  	[sflag:s15] =	ssyncset.done $0x0  }
0x28: {  	[sflag:s15] =	ssyncadd.s32 $0xFFFFD800  }
0x29: {  	[spmem:s2] =	stream.indirect.scatter.add.f32 [tilespmem:s18], [sflag:$0x1], $0x10, s17, s20, $0xb8;
	[tilespmem:$0x1B880] =	vst v63  }
0x2a: {  	_ =	swait.ge [sflag:s15], $0x500  }
0x2b: {  	[sflag:s15] =	ssyncset.done $0x0  }
0x2c: {  	[sflag:s15] =	ssyncadd.s32 $0xFFFFFB00  }
0x2d: {  	[spmem:s3] =	stream.indirect.scatter.add.f32 [tilespmem:s19], [sflag:$0x1], $0x80, s17, s20, $0xb8;
	[tilespmem:$0x1B880] =	vst v63  }
0x2e: {  	_ =	swait.ge [sflag:s15], $0x2800  }
0x2f: {  	s23 =	smov.u32 s13;
	s22 =	simm.s32 $0x500;
	[sflag:s15] =	ssyncset.done $0x0  }
.LBB2_2:
0x30: {  	p0 =	sne.s32 s22, $0x26C00;
	[sflag:s15] =	ssyncadd.s32 $0xFFFFD800;
	s23 =	sadd.s32 $0xA, s23  }
0x31: {  	[tilespmem:s17], [sflag:$0x1] =	stream.linear.gather [hbm4b:s23+s4], $0x50, $0x38;
	[tilespmem:$0x1B880] =	vst v63  }
0x32: {  	s24 =	smov.u32 s22;
	s22 =	sadd.s32 $0x500, s22;
	_ =	swait.ge [sflag:s15], $0x50  }
0x33: {  	[sflag:s15] =	ssyncset.done $0x0  }
0x34: {  	s25 =	sadd.s32 s24, s11;
	[sflag:s15] =	ssyncadd.s32 $0xFFFFFFB0  }
0x35: {  	[tilespmem:s18], [sflag:$0x1] =	stream.linear.gather [hbm4b:s25+s4], $0x2800, $0x38;
	[tilespmem:$0x1B880] =	vst v63  }
0x36: {  	_ =	swait.ge [sflag:s15], $0x2800  }
0x37: {  	[sflag:s15] =	ssyncset.done $0x0  }
0x38: {  	s24 =	sadd.s32 s24, s12;
	[sflag:s15] =	ssyncadd.s32 $0xFFFFD800  }
0x39: {  	[tilespmem:s19], [sflag:$0x1] =	stream.linear.gather [hbm4b:s24+s4], $0x2800, $0x38;
	[tilespmem:$0x1B880] =	vst v63  }
0x3a: {  	_ =	swait.ge [sflag:s15], $0x2800  }
0x3b: {  	[sflag:s15] =	ssyncset.done $0x0  }
0x3c: {  	[sflag:s15] =	ssyncadd.s32 $0xFFFFD800  }
0x3d: {  	[spmem:s2] =	stream.indirect.scatter.add.f32 [tilespmem:s18], [sflag:$0x1], $0x10, s17, s20, $0xb8;
	[tilespmem:$0x1B880] =	vst v63  }
0x3e: {  	_ =	swait.ge [sflag:s15], $0x500  }
.Ltmp0:
0x3f: {  	[sflag:s15] =	ssyncset.done $0x0;
	(pc) =	sbr.rel @p0 .LBB2_2-.Ltmp0, $4  }
0x40: {  	[sflag:s15] =	ssyncadd.s32 $0xFFFFFB00  }
0x41: {  	[spmem:s3] =	stream.indirect.scatter.add.f32 [tilespmem:s19], [sflag:$0x1], $0x80, s17, s20, $0xb8;
	[tilespmem:$0x1B880] =	vst v63  }
0x42: {  	_ =	swait.ge [sflag:s15], $0x2800  }
0x43: {  	[sflag:s15] =	ssyncset.done $0x0  }
0x44: {  	[sflag:s15] =	ssyncadd.s32 $0xFFFFD800  }
0x45: {  	[bflag:$0x0] =	sbarrier.arrive $0xFFFF  }
0x46: {  	[hbm:s8], [sflag:s6] =	dma.local [spmem:s14], $0x2800  }
0x47: {  	s21 =	sadd.s32 $0x1, s21;
	_ =	swait.ge [sflag:s15], $0x2800  }
0x48: {  	p0 =	sne.s32 s21, s10;
	[sflag:s15] =	ssyncset.done $0x0  }
.Ltmp1:
0x49: {  	[sflag:s15] =	ssyncadd.s32 $0xFFFFD800;
	(pc) =	sbr.rel @p0 .LBB2_1-.Ltmp1, $4  }
0x4a: {  	[hbm:s9], [sflag:s6] =	dma.local [spmem:s16], $0x2800  }
0x4b: {  	_ =	swait.ge [sflag:s15], $0x2800  }
0x4c: {  	[sflag:s15] =	ssyncset.done $0x0  }
0x4d: {  	[sflag:s15] =	ssyncadd.s32 $0xFFFFD800  }
0x4e: {  	_ =	sfence.sel $0x180000  }
0x4f: {  	[bflag:$0x0] =	sbarrier.arrive $0xFFFF  }
0x50: {  	p0 =	sne.s32 s0, $0x0;
	_ =	strace $0x9000004D  }
0x51: {  	s0 =	sadd.s32 @!p0 $0x100000, s1;
	[bflag:$0x2] =	sbarrier.arrive $0xFFFF  }
0x52: {  	[sflag:s0] =	ssyncadd.tile.s32 @!p0 $0x1;
	_ =	shalt  }
.Lfunc_end2:
_tile_overlayer_lowered:
.L_overlay_start_2:
0x53: {  	(tag) =	ssettag $0x2  }
0x54: {  	s0 =	rddreg [dreg:$0x0];
	s2 =	stileid.u32  }
0x55: {  	s1 =	rddreg [dreg:$0x1];
	p0 =	sne.s32 s2, $0x0  }
0x56: {  	s3 =	rddreg [dreg:$0x2];
	[bflag:$0x3] =	sbarrier.arrive $0xFFFF;
	s2 =	simm.s32 @!p0 $0x1C01  }
0x57: {  	[timem:s3], [sflag:s2] =	dma.local @!p0 [hbm:s0], s1  }
0x58: {  	s0 =	simm.s32 @!p0 $0x1  }
0x59: {  	_ =	swait.ge @!p0 [sflag:s0], s1  }
0x5a: {  	s1 =	ssub.s32 @!p0 $0x0, s1;
	[sflag:s0] =	ssyncset.done @!p0 $0x0  }
0x5b: {  	[sflag:s0] =	ssyncadd.s32 @!p0 s1  }
0x5c: {  	[bflag:$0x3] =	sbarrier.arrive $0xFFFF  }
0x5d: {  	_ =	shalt  }

// kernel: kernel.26.cloned.1.call-start
scs
__scs_entry_jumppad:
0x0: {  	(pc) =	sbr.rel $0x88, $3  }
0x1: {  	(tag) =	ssettag $0x0;
	lr =	simm.s32 $0x1  }
0x2: {  	[smem:$0x3F8F] =	sst lr;
	_ =	strace $0xD0000000  }
0x3: {  	_ = 	snop  }
0x4: {  	_ = 	snop  }
0x5: {  	_ = 	snop  }
0x6: {  	_ = 	snop  }
0x7: {  	_ = 	snop  }
__scs_overlays_trampoline_lowered:
0x8: {  	[smem:$0x3F9E] =	sst s0  }
0x9: {  	[smem:$0x3F9F] =	sst s1  }
0xa: {  	[smem:$0x3FA0] =	sst s2  }
0xb: {  	[smem:$0x3FA1] =	sst s3  }
0xc: {  	[smem:$0x3FA2] =	sst s4  }
0xd: {  	[smem:$0x3FA3] =	sst s5  }
0xe: {  	[smem:$0x3FA4] =	sst s6  }
0xf: {  	[smem:$0x3FA5] =	sst s7  }
0x10: {  	[smem:$0x3FA6] =	sst s8  }
0x11: {  	[smem:$0x3FA7] =	sst s9;
	s0 =	simm.s32 @!p0 $0x0  }
0x12: {  	s1 =	sld [smem:$0x3F8D];
	s0 =	simm.s32 @p0 $0x1  }
0x13: {  	[smem:$0x3FA8] =	sst s0;
	s0 =	simm.s32 @!p1 $0x0  }
0x14: {  	s2 =	sld [smem:$0x3F8C];
	s0 =	simm.s32 @p1 $0x1  }
0x15: {  	[smem:$0x3FA9] =	sst s0;
	s0 =	simm.s32 @!p2 $0x0  }
0x16: {  	s3 =	sld [smem:$0x3FDB];
	s0 =	simm.s32 @p2 $0x1  }
0x17: {  	s4 =	simm.s32 $0x1BF5;
	[smem:$0x3FAB] =	sst s0  }
0x18: {  	s0 =	sld [smem:$0x3F8E];
	_ =	swait.ge [sflag:s4], $0x0  }
0x19: {  	s7 =	sld [smem:$0x3F8F]  }
0x1a: {  	s8 =	sadd.s32 $0xFFFFE003, lr  }
0x1b: {  	s9 =	sadd.s32 $0xFFFFFEF7, lr;
	s5 =	simm.s32 $0xFFFFFFFF;
	p2 =	slt.u32 s8, $0xFFFFF086  }
0x1c: {  	p1 =	slt.u32 s9, $0xF7A;
	s5 =	simm.s32 @!p2 $0x0  }
0x1d: {  	s5 =	simm.s32 @p1 $0x1;
	p0 =	seq.s32 s7, s2  }
0x1e: {  	s7 =	smul.u32 @!p0 $0xF7A, s2;
	p2 =	seq.s32 @!p0 s5, $0x0  }
0x1f: {  	s9 =	smul.u32 $0xF7A, s1;
	s8 =	simm.s32 @!p0 $0x1BF5;
	p2 =	por !p2, p0  }
0x20: {  	[sflag:s8] =	ssyncset.s32 @!p0 $0xFFFFF086;
	s6 =	sadd.s32 @!p0 s3, s7;
	s7 =	simm.s32 @!p0 $0x108  }
0x21: {  	s3 =	sadd.s32 s3, s9;
	s6 =	sadd.s32 @!p0 $0x88, s6;
	s7 =	simm.s32 @p2 $0x1082  }
0x22: {  	[simem:s7], [sflag:s8] =	dma.local @!p0 [hbm:s6], $0xF7A  }
0x23: {  	s9 =	sor.u32 $0xD0000000, s2;
	s6 =	simm.s32 $0x108;
	_ =	swait.ge @!p0 [sflag:s8], $0x0  }
0x24: {  	s3 =	sadd.s32 $0x88, s3;
	s6 =	simm.s32 @!p1 $0x1082;
	[sflag:s4] =	ssyncset.s32 $0xFFFFF086  }
0x25: {  	[simem:s6], [sflag:s4] =	dma.local [hbm:s3], $0xF7A  }
0x26: {  	[smem:$0x3F8F] =	sst s1;
	(tag) =	ssettag s2;
	_ =	strace s9  }
0x27: {  	s1 =	sld [smem:$0x3F9F]  }
0x28: {  	s2 =	sld [smem:$0x3FA0]  }
0x29: {  	s4 =	sld [smem:$0x3FA2]  }
0x2a: {  	p0 =	seq.s32 s5, $0x0;
	s5 =	sld [smem:$0x3FA3]  }
0x2b: {  	s6 =	sld [smem:$0x3FA4]  }
0x2c: {  	s7 =	sld [smem:$0x3FA5]  }
0x2d: {  	s3 =	simm.s32 $0x108;
	s8 =	sld [smem:$0x3FA6]  }
0x2e: {  	s3 =	simm.s32 @!p0 $0x1082;
	s9 =	sld [smem:$0x3FA7]  }
0x2f: {  	lr =	sadd.s32 s0, s3;
	s0 =	sld [smem:$0x3F9E]  }
0x30: {  	s3 =	sld [smem:$0x3FA1]  }
0x31: {  	[smem:$0x3FAA] =	sst s10  }
0x32: {  	s10 =	sld [smem:$0x3FA8];
	_ =	sdelay $0x3  }
0x33: {  	p0 =	seq.s32 s10, $0x1;
	s10 =	sld [smem:$0x3FAA];
	_ =	sdelay $0x3  }
0x34: {  	[smem:$0x3FAA] =	sst s10  }
0x35: {  	s10 =	sld [smem:$0x3FA9];
	_ =	sdelay $0x3  }
0x36: {  	p1 =	seq.s32 s10, $0x1;
	s10 =	sld [smem:$0x3FAA];
	_ =	sdelay $0x3  }
0x37: {  	[smem:$0x3FAA] =	sst s10  }
0x38: {  	s10 =	sld [smem:$0x3FAB]  }
0x39: {  	_ = 	snop;
	(pc) =	sbr.ind lr, $3  }
0x3a: {  	_ = 	snop  }
0x3b: {  	_ = 	snop  }
0x3c: {  	p2 =	seq.s32 s10, $0x1;
	s10 =	sld [smem:$0x3FAA]  }
0x3d: {  	_ =	shalt  }
0x3e: {  	_ =	shalt  }
0x3f: {  	_ =	shalt  }
0x40: {  	_ =	shalt  }
0x41: {  	_ =	shalt  }
0x42: {  	_ =	shalt  }
0x43: {  	_ =	shalt  }
0x44: {  	_ =	shalt  }
0x45: {  	_ =	shalt  }
0x46: {  	_ =	shalt  }
0x47: {  	_ =	shalt  }
0x48: {  	_ =	shalt  }
0x49: {  	_ =	shalt  }
0x4a: {  	_ =	shalt  }
0x4b: {  	_ =	shalt  }
0x4c: {  	_ =	shalt  }
0x4d: {  	_ =	shalt  }
0x4e: {  	_ =	shalt  }
0x4f: {  	_ =	shalt  }
0x50: {  	_ =	shalt  }
0x51: {  	_ =	shalt  }
0x52: {  	_ =	shalt  }
0x53: {  	_ =	shalt  }
0x54: {  	_ =	shalt  }
0x55: {  	_ =	shalt  }
0x56: {  	_ =	shalt  }
0x57: {  	_ =	shalt  }
0x58: {  	_ =	shalt  }
0x59: {  	_ =	shalt  }
0x5a: {  	_ =	shalt  }
0x5b: {  	_ =	shalt  }
0x5c: {  	_ =	shalt  }
0x5d: {  	_ =	shalt  }
0x5e: {  	_ =	shalt  }
0x5f: {  	_ =	shalt  }
0x60: {  	_ =	shalt  }
0x61: {  	_ =	shalt  }
0x62: {  	_ =	shalt  }
0x63: {  	_ =	shalt  }
0x64: {  	_ =	shalt  }
0x65: {  	_ =	shalt  }
0x66: {  	_ =	shalt  }
0x67: {  	_ =	shalt  }
0x68: {  	_ =	shalt  }
0x69: {  	_ =	shalt  }
0x6a: {  	_ =	shalt  }
0x6b: {  	_ =	shalt  }
0x6c: {  	_ =	shalt  }
0x6d: {  	_ =	shalt  }
0x6e: {  	_ =	shalt  }
0x6f: {  	_ =	shalt  }
0x70: {  	_ =	shalt  }
0x71: {  	_ =	shalt  }
0x72: {  	_ =	shalt  }
0x73: {  	_ =	shalt  }
0x74: {  	_ =	shalt  }
0x75: {  	_ =	shalt  }
0x76: {  	_ =	shalt  }
0x77: {  	_ =	shalt  }
0x78: {  	_ =	shalt  }
0x79: {  	_ =	shalt  }
0x7a: {  	_ =	shalt  }
0x7b: {  	_ =	shalt  }
0x7c: {  	_ =	shalt  }
0x7d: {  	_ =	shalt  }
0x7e: {  	_ =	shalt  }
0x7f: {  	_ =	shalt  }
0x80: {  	_ =	shalt  }
0x81: {  	_ =	shalt  }
0x82: {  	_ =	shalt  }
0x83: {  	_ =	shalt  }
0x84: {  	_ =	shalt  }
0x85: {  	_ =	shalt  }
0x86: {  	_ =	shalt  }
0x87: {  	_ =	shalt  }
.Lfunc_end0:
.L_simem_size_0:
called_computation.3_lowered:
.L_overlay_start_0:
0x88: {  	s2 =	sld [smem:$0x3FD9]  }
0x89: {  	s3 =	sld [smem:$0x3FFE];
	_ =	sdelay $0x1  }
0x8a: {  	s1 =	srdreg.scid  }
0x8b: {  	s0 =	sand.u32 $0x1, s1  }
0x8c: {  	s17 =	sshll.u32 s0, $0xA;
	s2 =	sadd.s32 s3, s2  }
0x8d: {  	s2 =	sadd.s32 s2, s17  }
0x8e: {  	[smem:$0x3FB6] =	sst s2  }
0x8f: {  	_ = 	snop  }
0x90: {  	s2 =	sld [smem:$0x3FD0];
	(tm) =	ssettm $0x1  }
0x91: {  	s18 =	sld [smem:$0x3FFB];
	_ =	sdelay $0x3  }
0x92: {  	_ =	strace s18  }
0x93: {  	s3 =	sld [smem:$0x3FFC];
	_ =	sdelay $0x3  }
0x94: {  	_ =	strace s3  }
0x95: {  	s3 =	sld [smem:$0x3FFD];
	_ =	sdelay $0x3  }
0x96: {  	_ =	strace s3  }
0x97: {  	_ =	strace $0x8FFFFFFF  }
0x98: {  	s19 =	sld [smem:$0x3FDB];
	_ =	sdelay $0x1  }
0x99: {  	s4 =	simm.s32 $_scs_section_size  }
0x9a: {  	s5 =	simm.s32 $_size__tile_overlayer_lowered;
	s6 =	simm.s32 $_tile_overlayer_lowered  }
0x9b: {  	s22 =	simm.s32 $0x1BFF;
	s21 =	sshll.u32 s6, $0x1;
	s3 =	sadd.s32 s4, s19  }
0x9c: {  	s7 =	simm.s32 $0x0;
	s20 =	sshll.u32 s5, $0x1;
	s5 =	sadd.s32 s21, s3  }
0x9d: {  	[timem:s7], [sflag:s22] =	dma.local [hbm:s5], s20  }
0x9e: {  	_ =	swait.ge [sflag:s22], s20  }
0x9f: {  	s4 =	ssub.s32 $0x0, s20;
	[sflag:s22] =	ssyncset.done $0x0  }
0xa0: {  	[sflag:s22] =	ssyncadd.s32 s4;
	_ =	sdelay $0x1  }
0xa1: {  	s23 =	simm.s32 $0x1B8B  }
0xa2: {  	_ =	swait.ge [sflag:s23], $0x1  }
0xa3: {  	[sflag:s23] =	ssyncset.done $0x0  }
0xa4: {  	s25 =	simm.s32 $0x1B8E;
	s24 =	sld [smem:$0x3FFE];
	[sflag:s23] =	ssyncadd.s32 $0xFFFFFFFF  }
0xa5: {  	s26 =	simm.s32 $execute0_lowered;
	[smem:$0x3FD2] =	sst s25  }
0xa6: {  	s5 =	sshll.u32 s26, $0x1;
	_ =	strace $0x8000004F;
	[dreg:$0x1] =	wrdreg $0xFFFFFFFF  }
0xa7: {  	s28 =	simm.s32 $_size_execute0_lowered;
	s3 =	sadd.s32 s3, s5;
	[dreg:$0x0] =	wrdreg $0x0  }
0xa8: {  	s5 =	sshll.u32 s28, $0x1;
	[dreg:$0x2] =	wrdreg s3  }
0xa9: {  	[dreg:$0x3] =	wrdreg s5  }
0xaa: {  	[dreg:$0x4] =	wrdreg $0xC0  }
0xab: {  	_ =	task [dreg:s7], $0x5FFFF  }
0xac: {  	[dreg:$0x1] =	wrdreg $0xFFFFFFFF  }
0xad: {  	[dreg:$0x0] =	wrdreg $0x60  }
0xae: {  	[dreg:$0x2] =	wrdreg s24  }
0xaf: {  	[dreg:$0x3] =	wrdreg s2  }
0xb0: {  	[dreg:$0x4] =	wrdreg $0x9  }
0xb1: {  	_ =	task.clear_ibuf [dreg:s7], $0x5FFFF;
	_ =	strace $0x9000004F  }
0xb2: {  	s29 =	simm.s32 $0x9;
	_ =	strace $0x80000051  }
0xb3: {  	_ =	swait.ge [sflag:s29], $0x1  }
0xb4: {  	[sflag:s29] =	ssyncadd.s32 $0xFFFFFFFF  }
0xb5: {  	_ =	strace $0x90000051  }
0xb6: {  	_ =	sfence  }
0xb7: {  	s30 =	sld [smem:$0x0];
	_ =	sdelay $0x2  }
0xb8: {  	s31 =	sshll.u32 s1, $0xD;
	s1 =	sshrl.u32 s1, $0x2  }
0xb9: {  	s3 =	sand.u32 $0x4000, s31;
	s1 =	sadd.s32 s1, s30  }
0xba: {  	s0 =	sor.u32 s3, s0;
	s1 =	sshll.u32 s1, $0x11  }
0xbb: {  	s0 =	sor.u32 s1, s0  }
0xbc: {  	s0 =	sadd.s32 $0x8F2B, s0  }
0xbd: {  	[sflag:s0] =	ssyncadd.remote.s32 $0x1  }
0xbe: {  	_ =	sfence.sel $0xFFFF  }
0xbf: {  	[dreg:$0x0] =	wrdreg $0xFFFFFFFF;
	(pc) =	sbr.abs _section_cstart, $3  }
0xc0: {  	[dreg:$0x1] =	wrdreg $0xFFFFFFFF  }
0xc1: {  	_ =	task.clear_ibuf [dreg:s7], $0x2FFFF;
	_ =	strace $0x9FFFFFFF  }
0xc2: {  	(tm) =	ssettm $0x7FFFFFFF  }
0xc3: {  	_ =	shalt  }
tec
execute0_lowered:
.L_overlay_start_1:
0x0: {  	(tag) =	ssettag $0x1  }
0x1: {  	s7 =	rddreg [dreg:$0x0]  }
0x2: {  	s1 =	rddreg [dreg:$0x1]  }
0x3: {  	s0 =	rddreg [dreg:$0x2];
	s2 =	simm.s32 $0x0  }
0x4: {  	s3 =	srdreg.scid;
	s11 =	simm.s32 $0x100;
	s12 =	simm.s32 $0xC8  }
0x5: {  	s13 =	simm.s32 $0x200;
	s14 =	simm.s32 $0x6600;
	s15 =	simm.s32 $0x1  }
0x6: {  	s16 =	simm.s32 $0x2;
	s17 =	simm.s32 $0x0;
	[smem:$0x7FF] =	sst s2  }
0x7: {  	s4 =	sadd.s32 $0x4F8E00, s7;
	s5 =	sadd.s32 $0x4EF000, s7;
	s6 =	sand.u32 $0x1, s3  }
0x8: {  	s3 =	stileid.u32;
	_ =	strace $0x80000050;
	s8 =	ssub.s32 $0x2, s6  }
0x9: {  	s9 =	sshll.u32 s6, $0x4;
	s6 =	sadd.s32 $0xB5800, s7;
	s10 =	sshrl.u32 s8, $0x1  }
0xa: {  	s7 =	sadd.s32 $0x5D000, s7;
	s9 =	sor.u32 s3, s9;
	s10 =	ssub.s32 s8, s10  }
0xb: {  	s8 =	smul.u32 $0x2710, s9;
	s9 =	smax.u32 s10, $0x1;
	s10 =	simm.s32 $0x3  }
.LBB2_1:
0xc: {  	s18 =	simm.s32 $0x0  }
.LBB2_2:
0xd: {  	s19 =	smul.u32 $0xC8, s18;
	_ =	sdelay $0x1  }
0xe: {  	s19 =	sadd.s32 s8, s19  }
0xf: {  	s20 =	sshrl.u32 s19, $0x3  }
0x10: {  	s22 =	simm.s32 $0x0;
	s21 =	sadd.s32 s4, s20  }
0x11: {  	[tilespmem:s22], [sflag:$0x3] =	stream.linear.gather [hbm4b:s21+s22], $0xC8, $0x38;
	[tilespmem:$0xCA00] =	vst v63  }
0x12: {  	_ =	swait.ge [sflag:s10], $0xC8  }
0x13: {  	[sflag:s10] =	ssyncset.done $0x0  }
0x14: {  	s20 =	sadd.s32 s5, s20;
	[sflag:s10] =	ssyncadd.s32 $0xFFFFFF38  }
0x15: {  	[tilespmem:s11], [sflag:$0x3] =	stream.linear.gather [hbm4b:s20+s22], $0xC8, $0x38;
	[tilespmem:$0xCA00] =	vst v63  }
0x16: {  	_ =	swait.ge [sflag:s10], $0xC8  }
0x17: {  	[sflag:s10] =	ssyncset.done $0x0  }
0x18: {  	[sflag:s10] =	ssyncadd.s32 $0xFFFFFF38  }
0x19: {  	[tilespmem:s13], [sflag:$0x1] =	stream.indirect.gather [hbm4b:s6+s12], $0x80, s22, s12, $0xb8;
	[tilespmem:$0xCA00] =	vst v63  }
0x1a: {  	_ = 	snop  }
0x1b: {  	[tilespmem:s14], [sflag:$0x2] =	stream.indirect.gather [hbm4b:s7+s12], $0x80, s11, s12, $0xb8;
	[tilespmem:$0xCA00] =	vst v63  }
0x1c: {  	_ =	swait.ge [sflag:s15], $0x6400  }
0x1d: {  	[sflag:s15] =	ssyncset.done $0x0  }
0x1e: {  	[sflag:s15] =	ssyncadd.s32 $0xFFFF9C00  }
0x1f: {  	_ =	swait.ge [sflag:s16], $0x6400  }
0x20: {  	[sflag:s16] =	ssyncset.done $0x0  }
0x21: {  	s20 =	simm.s32 $0x0;
	[sflag:s16] =	ssyncadd.s32 $0xFFFF9C00  }
0x22: {  	v7 =	vld [tilespmem:s20+$0x6600]  }
0x23: {  	v11 =	vld [tilespmem:s20+$0x6610]  }
0x24: {  	v5 =	vld [tilespmem:s20+$0x6620]  }
0x25: {  	v4 =	vld [tilespmem:s20+$0x6630]  }
0x26: {  	v3 =	vld [tilespmem:s20+$0x6640]  }
0x27: {  	v2 =	vld [tilespmem:s20+$0x6650]  }
0x28: {  	v1 =	vld [tilespmem:s20+$0x6660]  }
0x29: {  	v0 =	vld [tilespmem:s20+$0x6670]  }
0x2a: {  	v12 =	vld [tilespmem:s20+$0x200]  }
0x2b: {  	v13 =	vld [tilespmem:s20+$0x210]  }
0x2c: {  	v10 =	vld [tilespmem:s20+$0x220]  }
0x2d: {  	v9 =	vld [tilespmem:s20+$0x230]  }
0x2e: {  	v8 =	vld [tilespmem:s20+$0x240]  }
0x2f: {  	v6 =	vld [tilespmem:s20+$0x250];
	v12 =	vadd.f32 v7, v12  }
0x30: {  	s21 =	simm.s32 $0x200;
	v11 =	vadd.f32 v11, v13;
	v7 =	vld [tilespmem:s20+$0x260]  }
.LBB2_3:
0x31: {  	s22 =	sshra.s32 s21, $0x2;
	p0 =	sne.s32 s21, $0x18E00;
	[tilespmem:s20+$0x200] =	vst v12;
	v5 =	vadd.f32 v5, v10;
	v10 =	vld [tilespmem:s20+$0x270]  }
0x32: {  	v12 =	vld [tilespmem:s22+$0x6600];
	[tilespmem:s20+$0x210] =	vst v11;
	v4 =	vadd.f32 v4, v9  }
0x33: {  	v11 =	vld [tilespmem:s22+$0x6610];
	[tilespmem:s20+$0x220] =	vst v5;
	v3 =	vadd.f32 v3, v8  }
0x34: {  	v5 =	vld [tilespmem:s22+$0x6620];
	[tilespmem:s20+$0x230] =	vst v4;
	v2 =	vadd.f32 v2, v6  }
0x35: {  	v4 =	vld [tilespmem:s22+$0x6630];
	[tilespmem:s20+$0x240] =	vst v3;
	v1 =	vadd.f32 v1, v7  }
0x36: {  	v3 =	vld [tilespmem:s22+$0x6640];
	[tilespmem:s20+$0x250] =	vst v2;
	v0 =	vadd.f32 v0, v10  }
0x37: {  	v2 =	vld [tilespmem:s22+$0x6650];
	[tilespmem:s20+$0x260] =	vst v1  }
0x38: {  	v1 =	vld [tilespmem:s22+$0x6660];
	[tilespmem:s20+$0x270] =	vst v0;
	s20 =	smov.u32 s22  }
0x39: {  	v0 =	vld [tilespmem:s20+$0x6670]  }
0x3a: {  	v6 =	vld [tilespmem:s20+$0x200]  }
0x3b: {  	v7 =	vld [tilespmem:s20+$0x210]  }
.Ltmp0:
0x3c: {  	v10 =	vld [tilespmem:s20+$0x220];
	(pc) =	sbr.rel @p0 .LBB2_3-.Ltmp0, $4  }
0x3d: {  	v9 =	vld [tilespmem:s20+$0x230]  }
0x3e: {  	v8 =	vld [tilespmem:s20+$0x240]  }
0x3f: {  	v12 =	vadd.f32 v12, v6;
	v6 =	vld [tilespmem:s20+$0x250]  }
0x40: {  	s21 =	sadd.s32 $0x200, s21;
	v11 =	vadd.f32 v11, v7;
	v7 =	vld [tilespmem:s20+$0x260]  }
0x41: {  	[tilespmem:s20+$0x200] =	vst v12;
	v5 =	vadd.f32 v5, v10;
	v63 =	vld [tilespmem:s20+$0x270]  }
0x42: {  	[tilespmem:s20+$0x210] =	vst v11;
	v4 =	vadd.f32 v4, v9  }
0x43: {  	[tilespmem:s20+$0x220] =	vst v5;
	v3 =	vadd.f32 v3, v8  }
0x44: {  	[tilespmem:s20+$0x230] =	vst v4;
	v2 =	vadd.f32 v2, v6  }
0x45: {  	[tilespmem:s20+$0x240] =	vst v3;
	v1 =	vadd.f32 v1, v7  }
0x46: {  	s18 =	sadd.s32 $0x1, s18;
	[tilespmem:s20+$0x250] =	vst v2;
	v0 =	vadd.f32 v0, v63  }
0x47: {  	s19 =	sshll.u32 s19, $0x4;
	p0 =	sne.s32 s18, $0x32;
	[tilespmem:s20+$0x260] =	vst v1  }
.Ltmp1:
0x48: {  	s19 =	sadd.s32 s1, s19;
	[tilespmem:s20+$0x270] =	vst v0;
	(pc) =	sbr.rel @p0 .LBB2_2-.Ltmp1, $4  }
0x49: {  	[hbm4b:s19+s2] =	stream.linear.scatter [tilespmem:s13], [sflag:$0x3], $0x6400, $0x38;
	[tilespmem:$0xCA00] =	vst v63  }
0x4a: {  	_ =	swait.ge [sflag:s10], $0x6400  }
0x4b: {  	[sflag:s10] =	ssyncset.done $0x0  }
0x4c: {  	[sflag:s10] =	ssyncadd.s32 $0xFFFF9C00  }
0x4d: {  	s17 =	sadd.s32 $0x1, s17  }
0x4e: {  	p0 =	sne.s32 s17, s9  }
.Ltmp2:
0x4f: {  	_ = 	snop;
	(pc) =	sbr.rel @p0 .LBB2_1-.Ltmp2, $1  }
0x50: {  	_ =	sdelay $0x3  }
0x51: {  	_ =	sfence.sel $0x180000  }
0x52: {  	[bflag:$0x0] =	sbarrier.arrive $0xFFFF  }
0x53: {  	p0 =	sne.s32 s3, $0x0;
	_ =	strace $0x90000050  }
0x54: {  	s0 =	sadd.s32 @!p0 $0x100000, s0;
	[bflag:$0x2] =	sbarrier.arrive $0xFFFF  }
0x55: {  	[sflag:s0] =	ssyncadd.tile.s32 @!p0 $0x1;
	_ =	shalt  }
.Lfunc_end2:
_tile_overlayer_lowered:
.L_overlay_start_2:
0x56: {  	(tag) =	ssettag $0x2  }
0x57: {  	s0 =	rddreg [dreg:$0x0];
	s2 =	stileid.u32  }
0x58: {  	s1 =	rddreg [dreg:$0x1];
	p0 =	sne.s32 s2, $0x0  }
0x59: {  	s3 =	rddreg [dreg:$0x2];
	[bflag:$0x3] =	sbarrier.arrive $0xFFFF;
	s2 =	simm.s32 @!p0 $0x1C03  }
0x5a: {  	[timem:s3], [sflag:s2] =	dma.local @!p0 [hbm:s0], s1  }
0x5b: {  	s0 =	simm.s32 @!p0 $0x3  }
0x5c: {  	_ =	swait.ge @!p0 [sflag:s0], s1  }
0x5d: {  	s1 =	ssub.s32 @!p0 $0x0, s1;
	[sflag:s0] =	ssyncset.done @!p0 $0x0  }
0x5e: {  	[sflag:s0] =	ssyncadd.s32 @!p0 s1  }
0x5f: {  	[bflag:$0x3] =	sbarrier.arrive $0xFFFF  }
0x60: {  	_ =	shalt  }

// kernel: kernel.29.cloned.1.call-start
scs
__scs_entry_jumppad:
0x0: {  	(pc) =	sbr.rel $0x88, $3  }
0x1: {  	(tag) =	ssettag $0x0;
	lr =	simm.s32 $0x1  }
0x2: {  	[smem:$0x3F8F] =	sst lr;
	_ =	strace $0xD0000000  }
0x3: {  	_ = 	snop  }
0x4: {  	_ = 	snop  }
0x5: {  	_ = 	snop  }
0x6: {  	_ = 	snop  }
0x7: {  	_ = 	snop  }
__scs_overlays_trampoline_lowered:
0x8: {  	[smem:$0x3F9E] =	sst s0  }
0x9: {  	[smem:$0x3F9F] =	sst s1  }
0xa: {  	[smem:$0x3FA0] =	sst s2  }
0xb: {  	[smem:$0x3FA1] =	sst s3  }
0xc: {  	[smem:$0x3FA2] =	sst s4  }
0xd: {  	[smem:$0x3FA3] =	sst s5  }
0xe: {  	[smem:$0x3FA4] =	sst s6  }
0xf: {  	[smem:$0x3FA5] =	sst s7  }
0x10: {  	[smem:$0x3FA6] =	sst s8  }
0x11: {  	[smem:$0x3FA7] =	sst s9;
	s0 =	simm.s32 @!p0 $0x0  }
0x12: {  	s1 =	sld [smem:$0x3F8D];
	s0 =	simm.s32 @p0 $0x1  }
0x13: {  	[smem:$0x3FA8] =	sst s0;
	s0 =	simm.s32 @!p1 $0x0  }
0x14: {  	s2 =	sld [smem:$0x3F8C];
	s0 =	simm.s32 @p1 $0x1  }
0x15: {  	[smem:$0x3FA9] =	sst s0;
	s0 =	simm.s32 @!p2 $0x0  }
0x16: {  	s3 =	sld [smem:$0x3FDB];
	s0 =	simm.s32 @p2 $0x1  }
0x17: {  	s4 =	simm.s32 $0x1BF5;
	[smem:$0x3FAB] =	sst s0  }
0x18: {  	s0 =	sld [smem:$0x3F8E];
	_ =	swait.ge [sflag:s4], $0x0  }
0x19: {  	s7 =	sld [smem:$0x3F8F]  }
0x1a: {  	s8 =	sadd.s32 $0xFFFFE003, lr  }
0x1b: {  	s9 =	sadd.s32 $0xFFFFFEF7, lr;
	s5 =	simm.s32 $0xFFFFFFFF;
	p2 =	slt.u32 s8, $0xFFFFF086  }
0x1c: {  	p1 =	slt.u32 s9, $0xF7A;
	s5 =	simm.s32 @!p2 $0x0  }
0x1d: {  	s5 =	simm.s32 @p1 $0x1;
	p0 =	seq.s32 s7, s2  }
0x1e: {  	s7 =	smul.u32 @!p0 $0xF7A, s2;
	p2 =	seq.s32 @!p0 s5, $0x0  }
0x1f: {  	s9 =	smul.u32 $0xF7A, s1;
	s8 =	simm.s32 @!p0 $0x1BF5;
	p2 =	por !p2, p0  }
0x20: {  	[sflag:s8] =	ssyncset.s32 @!p0 $0xFFFFF086;
	s6 =	sadd.s32 @!p0 s3, s7;
	s7 =	simm.s32 @!p0 $0x108  }
0x21: {  	s3 =	sadd.s32 s3, s9;
	s6 =	sadd.s32 @!p0 $0x88, s6;
	s7 =	simm.s32 @p2 $0x1082  }
0x22: {  	[simem:s7], [sflag:s8] =	dma.local @!p0 [hbm:s6], $0xF7A  }
0x23: {  	s9 =	sor.u32 $0xD0000000, s2;
	s6 =	simm.s32 $0x108;
	_ =	swait.ge @!p0 [sflag:s8], $0x0  }
0x24: {  	s3 =	sadd.s32 $0x88, s3;
	s6 =	simm.s32 @!p1 $0x1082;
	[sflag:s4] =	ssyncset.s32 $0xFFFFF086  }
0x25: {  	[simem:s6], [sflag:s4] =	dma.local [hbm:s3], $0xF7A  }
0x26: {  	[smem:$0x3F8F] =	sst s1;
	(tag) =	ssettag s2;
	_ =	strace s9  }
0x27: {  	s1 =	sld [smem:$0x3F9F]  }
0x28: {  	s2 =	sld [smem:$0x3FA0]  }
0x29: {  	s4 =	sld [smem:$0x3FA2]  }
0x2a: {  	p0 =	seq.s32 s5, $0x0;
	s5 =	sld [smem:$0x3FA3]  }
0x2b: {  	s6 =	sld [smem:$0x3FA4]  }
0x2c: {  	s7 =	sld [smem:$0x3FA5]  }
0x2d: {  	s3 =	simm.s32 $0x108;
	s8 =	sld [smem:$0x3FA6]  }
0x2e: {  	s3 =	simm.s32 @!p0 $0x1082;
	s9 =	sld [smem:$0x3FA7]  }
0x2f: {  	lr =	sadd.s32 s0, s3;
	s0 =	sld [smem:$0x3F9E]  }
0x30: {  	s3 =	sld [smem:$0x3FA1]  }
0x31: {  	[smem:$0x3FAA] =	sst s10  }
0x32: {  	s10 =	sld [smem:$0x3FA8];
	_ =	sdelay $0x3  }
0x33: {  	p0 =	seq.s32 s10, $0x1;
	s10 =	sld [smem:$0x3FAA];
	_ =	sdelay $0x3  }
0x34: {  	[smem:$0x3FAA] =	sst s10  }
0x35: {  	s10 =	sld [smem:$0x3FA9];
	_ =	sdelay $0x3  }
0x36: {  	p1 =	seq.s32 s10, $0x1;
	s10 =	sld [smem:$0x3FAA];
	_ =	sdelay $0x3  }
0x37: {  	[smem:$0x3FAA] =	sst s10  }
0x38: {  	s10 =	sld [smem:$0x3FAB]  }
0x39: {  	_ = 	snop;
	(pc) =	sbr.ind lr, $3  }
0x3a: {  	_ = 	snop  }
0x3b: {  	_ = 	snop  }
0x3c: {  	p2 =	seq.s32 s10, $0x1;
	s10 =	sld [smem:$0x3FAA]  }
0x3d: {  	_ =	shalt  }
0x3e: {  	_ =	shalt  }
0x3f: {  	_ =	shalt  }
0x40: {  	_ =	shalt  }
0x41: {  	_ =	shalt  }
0x42: {  	_ =	shalt  }
0x43: {  	_ =	shalt  }
0x44: {  	_ =	shalt  }
0x45: {  	_ =	shalt  }
0x46: {  	_ =	shalt  }
0x47: {  	_ =	shalt  }
0x48: {  	_ =	shalt  }
0x49: {  	_ =	shalt  }
0x4a: {  	_ =	shalt  }
0x4b: {  	_ =	shalt  }
0x4c: {  	_ =	shalt  }
0x4d: {  	_ =	shalt  }
0x4e: {  	_ =	shalt  }
0x4f: {  	_ =	shalt  }
0x50: {  	_ =	shalt  }
0x51: {  	_ =	shalt  }
0x52: {  	_ =	shalt  }
0x53: {  	_ =	shalt  }
0x54: {  	_ =	shalt  }
0x55: {  	_ =	shalt  }
0x56: {  	_ =	shalt  }
0x57: {  	_ =	shalt  }
0x58: {  	_ =	shalt  }
0x59: {  	_ =	shalt  }
0x5a: {  	_ =	shalt  }
0x5b: {  	_ =	shalt  }
0x5c: {  	_ =	shalt  }
0x5d: {  	_ =	shalt  }
0x5e: {  	_ =	shalt  }
0x5f: {  	_ =	shalt  }
0x60: {  	_ =	shalt  }
0x61: {  	_ =	shalt  }
0x62: {  	_ =	shalt  }
0x63: {  	_ =	shalt  }
0x64: {  	_ =	shalt  }
0x65: {  	_ =	shalt  }
0x66: {  	_ =	shalt  }
0x67: {  	_ =	shalt  }
0x68: {  	_ =	shalt  }
0x69: {  	_ =	shalt  }
0x6a: {  	_ =	shalt  }
0x6b: {  	_ =	shalt  }
0x6c: {  	_ =	shalt  }
0x6d: {  	_ =	shalt  }
0x6e: {  	_ =	shalt  }
0x6f: {  	_ =	shalt  }
0x70: {  	_ =	shalt  }
0x71: {  	_ =	shalt  }
0x72: {  	_ =	shalt  }
0x73: {  	_ =	shalt  }
0x74: {  	_ =	shalt  }
0x75: {  	_ =	shalt  }
0x76: {  	_ =	shalt  }
0x77: {  	_ =	shalt  }
0x78: {  	_ =	shalt  }
0x79: {  	_ =	shalt  }
0x7a: {  	_ =	shalt  }
0x7b: {  	_ =	shalt  }
0x7c: {  	_ =	shalt  }
0x7d: {  	_ =	shalt  }
0x7e: {  	_ =	shalt  }
0x7f: {  	_ =	shalt  }
0x80: {  	_ =	shalt  }
0x81: {  	_ =	shalt  }
0x82: {  	_ =	shalt  }
0x83: {  	_ =	shalt  }
0x84: {  	_ =	shalt  }
0x85: {  	_ =	shalt  }
0x86: {  	_ =	shalt  }
0x87: {  	_ =	shalt  }
.Lfunc_end0:
.L_simem_size_0:
called_computation.4_lowered:
.L_overlay_start_0:
0x88: {  	s2 =	sld [smem:$0x3FD9]  }
0x89: {  	s3 =	sld [smem:$0x3FFE];
	_ =	sdelay $0x1  }
0x8a: {  	s1 =	srdreg.scid  }
0x8b: {  	s0 =	sand.u32 $0x1, s1  }
0x8c: {  	s17 =	sshll.u32 s0, $0xA;
	s2 =	sadd.s32 s3, s2  }
0x8d: {  	s2 =	sadd.s32 s2, s17  }
0x8e: {  	[smem:$0x3FB6] =	sst s2  }
0x8f: {  	_ = 	snop  }
0x90: {  	s2 =	sld [smem:$0x3FD0];
	(tm) =	ssettm $0x1  }
0x91: {  	s18 =	sld [smem:$0x3FFB];
	_ =	sdelay $0x3  }
0x92: {  	_ =	strace s18  }
0x93: {  	s3 =	sld [smem:$0x3FFC];
	_ =	sdelay $0x3  }
0x94: {  	_ =	strace s3  }
0x95: {  	s3 =	sld [smem:$0x3FFD];
	_ =	sdelay $0x3  }
0x96: {  	_ =	strace s3  }
0x97: {  	_ =	strace $0x8FFFFFFF  }
0x98: {  	s19 =	sld [smem:$0x3FDB];
	_ =	sdelay $0x1  }
0x99: {  	s4 =	simm.s32 $_scs_section_size  }
0x9a: {  	s5 =	simm.s32 $_size__tile_overlayer_lowered;
	s6 =	simm.s32 $_tile_overlayer_lowered  }
0x9b: {  	s22 =	simm.s32 $0x1BFF;
	s21 =	sshll.u32 s6, $0x1;
	s3 =	sadd.s32 s4, s19  }
0x9c: {  	s7 =	simm.s32 $0x0;
	s20 =	sshll.u32 s5, $0x1;
	s5 =	sadd.s32 s21, s3  }
0x9d: {  	[timem:s7], [sflag:s22] =	dma.local [hbm:s5], s20  }
0x9e: {  	_ =	swait.ge [sflag:s22], s20  }
0x9f: {  	s4 =	ssub.s32 $0x0, s20;
	[sflag:s22] =	ssyncset.done $0x0  }
0xa0: {  	[sflag:s22] =	ssyncadd.s32 s4;
	_ =	sdelay $0x1  }
0xa1: {  	s23 =	simm.s32 $0x1B8B  }
0xa2: {  	_ =	swait.ge [sflag:s23], $0x1  }
0xa3: {  	[sflag:s23] =	ssyncset.done $0x0  }
0xa4: {  	s25 =	simm.s32 $0x1B8E;
	s24 =	sld [smem:$0x3FFE];
	[sflag:s23] =	ssyncadd.s32 $0xFFFFFFFF  }
0xa5: {  	s26 =	simm.s32 $execute0_lowered;
	[smem:$0x3FD2] =	sst s25  }
0xa6: {  	s5 =	sshll.u32 s26, $0x1;
	_ =	strace $0x80000052;
	[dreg:$0x1] =	wrdreg $0xFFFFFFFF  }
0xa7: {  	s28 =	simm.s32 $_size_execute0_lowered;
	s3 =	sadd.s32 s3, s5;
	[dreg:$0x0] =	wrdreg $0x0  }
0xa8: {  	s5 =	sshll.u32 s28, $0x1;
	[dreg:$0x2] =	wrdreg s3  }
0xa9: {  	[dreg:$0x3] =	wrdreg s5  }
0xaa: {  	[dreg:$0x4] =	wrdreg $0xC0  }
0xab: {  	_ =	task [dreg:s7], $0x5FFFF  }
0xac: {  	[dreg:$0x1] =	wrdreg $0xFFFFFFFF  }
0xad: {  	[dreg:$0x0] =	wrdreg $0x60  }
0xae: {  	[dreg:$0x2] =	wrdreg s24  }
0xaf: {  	[dreg:$0x3] =	wrdreg s2  }
0xb0: {  	[dreg:$0x4] =	wrdreg $0x0  }
0xb1: {  	[dreg:$0x5] =	wrdreg $0x28000  }
0xb2: {  	[dreg:$0x6] =	wrdreg $0x9  }
0xb3: {  	_ =	task.clear_ibuf [dreg:s7], $0x7FFFF;
	_ =	strace $0x90000052  }
0xb4: {  	s29 =	simm.s32 $0x9;
	_ =	strace $0x80000054  }
0xb5: {  	_ =	swait.ge [sflag:s29], $0x1  }
0xb6: {  	[sflag:s29] =	ssyncadd.s32 $0xFFFFFFFF  }
0xb7: {  	_ =	strace $0x90000054  }
0xb8: {  	_ =	sfence  }
0xb9: {  	s30 =	sld [smem:$0x0];
	_ =	sdelay $0x2  }
0xba: {  	s31 =	sshll.u32 s1, $0xD;
	s1 =	sshrl.u32 s1, $0x2  }
0xbb: {  	s3 =	sand.u32 $0x4000, s31;
	s1 =	sadd.s32 s1, s30  }
0xbc: {  	s0 =	sor.u32 s3, s0;
	s1 =	sshll.u32 s1, $0x11  }
0xbd: {  	s0 =	sor.u32 s1, s0  }
0xbe: {  	s0 =	sadd.s32 $0x8F2B, s0  }
0xbf: {  	[sflag:s0] =	ssyncadd.remote.s32 $0x1  }
0xc0: {  	_ =	sfence.sel $0xFFFF  }
0xc1: {  	[dreg:$0x0] =	wrdreg $0xFFFFFFFF;
	(pc) =	sbr.abs _section_cstart, $3  }
0xc2: {  	[dreg:$0x1] =	wrdreg $0xFFFFFFFF  }
0xc3: {  	_ =	task.clear_ibuf [dreg:s7], $0x2FFFF;
	_ =	strace $0x9FFFFFFF  }
0xc4: {  	(tm) =	ssettm $0x7FFFFFFF  }
0xc5: {  	_ =	shalt  }
tec
execute0_lowered:
.L_overlay_start_1:
0x0: {  	(tag) =	ssettag $0x1  }
0x1: {  	s5 =	rddreg [dreg:$0x0]  }
0x2: {  	s0 =	srdreg.scid;
	s10 =	rddreg [dreg:$0x1]  }
0x3: {  	s2 =	rddreg [dreg:$0x2];
	s6 =	sand.u32 $0x1, s0  }
0x4: {  	s0 =	stileid.u32;
	s7 =	smul.u32 $0x27100, s6  }
0x5: {  	s3 =	rddreg [dreg:$0x3];
	s8 =	smul.u32 $0x2710, s0  }
0x6: {  	s1 =	rddreg [dreg:$0x4];
	s4 =	simm.s32 $0x0;
	s11 =	smul.u32 $0x271000, s6  }
0x7: {  	s19 =	simm.s32 $0x19080;
	s20 =	simm.s32 $0x50;
	s9 =	smul.u32 $0x14000, s0  }
0x8: {  	s21 =	simm.s32 $0x0;
	[smem:$0x7FF] =	sst s4;
	s25 =	smul.u32 $0x140000, s6  }
0x9: {  	_ =	strace $0x80000053;
	s6 =	ssub.s32 $0x2, s6;
	s30 =	sshll.u32 s0, $0x6  }
0xa: {  	s17 =	smul.u32 $0x27100, s0;
	s29 =	sshrl.u32 s6, $0x1;
	s7 =	sadd.s32 s8, s7  }
0xb: {  	s12 =	sadd.s32 s11, s5;
	s26 =	sadd.s32 s9, s25;
	s28 =	sshrl.u32 s9, $0x3  }
0xc: {  	s15 =	ssub.s32 s6, s29;
	s16 =	sadd.s32 s9, s2;
	s6 =	sor.u32 $0x1C01, s30  }
0xd: {  	s18 =	sadd.s32 s9, s3;
	s31 =	sadd.s32 s11, s10;
	s7 =	sshrl.u32 s7, $0x3  }
0xe: {  	s8 =	sadd.s32 s28, s5;
	s12 =	sadd.s32 s17, s12;
	s10 =	smax.u32 s15, $0x1  }
0xf: {  	s15 =	simm.s32 $0x1;
	s13 =	sadd.s32 s7, s5;
	s7 =	sshrl.u32 s26, $0x3  }
0x10: {  	s11 =	sadd.s32 $0x9E7600, s12;
	s12 =	sadd.s32 s17, s31;
	s17 =	simm.s32 $0x16800  }
0x11: {  	s14 =	sadd.s32 s7, s5;
	s5 =	sadd.s32 $0x35000, s8;
	s7 =	sadd.s32 $0xD000, s8  }
0x12: {  	s13 =	sadd.s32 $0x4EF000, s13;
	s8 =	sadd.s32 $0x101800, s14;
	s9 =	sadd.s32 $0x5D000, s14  }
0x13: {  	s14 =	sshrl.u32 s16, $0x3;
	s16 =	sshrl.u32 s18, $0x3;
	s18 =	simm.s32 $0x16880  }
.LBB2_1:
0x14: {  	[spmem:s14], [sflag:s6] =	dma.local [hbm:s5], $0x2800  }
0x15: {  	_ =	swait.ge [sflag:s15], $0x2800  }
0x16: {  	[sflag:s15] =	ssyncset.done $0x0  }
0x17: {  	[sflag:s15] =	ssyncadd.s32 $0xFFFFD800  }
0x18: {  	[spmem:s16], [sflag:s6] =	dma.local [hbm:s7], $0x2800  }
0x19: {  	_ =	swait.ge [sflag:s15], $0x2800  }
0x1a: {  	[sflag:s15] =	ssyncset.done $0x0  }
0x1b: {  	[sflag:s15] =	ssyncadd.s32 $0xFFFFD800  }
0x1c: {  	[bflag:$0x0] =	sbarrier.arrive $0xFFFF  }
0x1d: {  	[tilespmem:s17], [sflag:$0x1] =	stream.linear.gather [hbm4b:s13+s4], $0x50, $0x38;
	[tilespmem:$0x1B880] =	vst v63  }
0x1e: {  	_ =	swait.ge [sflag:s15], $0x50  }
0x1f: {  	[sflag:s15] =	ssyncset.done $0x0  }
0x20: {  	s22 =	sadd.s32 $0x0, s11;
	[sflag:s15] =	ssyncadd.s32 $0xFFFFFFB0  }
0x21: {  	[tilespmem:s18], [sflag:$0x1] =	stream.linear.gather [hbm4b:s22+s4], $0x2800, $0x38;
	[tilespmem:$0x1B880] =	vst v63  }
0x22: {  	_ =	swait.ge [sflag:s15], $0x2800  }
0x23: {  	[sflag:s15] =	ssyncset.done $0x0  }
0x24: {  	s31 =	sadd.s32 $0x0, s12;
	[sflag:s15] =	ssyncadd.s32 $0xFFFFD800  }
0x25: {  	[tilespmem:s19], [sflag:$0x1] =	stream.linear.gather [hbm4b:s31+s4], $0x2800, $0x38;
	[tilespmem:$0x1B880] =	vst v63  }
0x26: {  	_ =	swait.ge [sflag:s15], $0x2800  }
0x27: {  	[sflag:s15] =	ssyncset.done $0x0  }
0x28: {  	[sflag:s15] =	ssyncadd.s32 $0xFFFFD800  }
0x29: {  	[spmem:s2] =	stream.indirect.scatter.add.f32 [tilespmem:s18], [sflag:$0x1], $0x10, s17, s20, $0xb8;
	[tilespmem:$0x1B880] =	vst v63  }
0x2a: {  	_ =	swait.ge [sflag:s15], $0x500  }
0x2b: {  	[sflag:s15] =	ssyncset.done $0x0  }
0x2c: {  	[sflag:s15] =	ssyncadd.s32 $0xFFFFFB00  }
0x2d: {  	[spmem:s3] =	stream.indirect.scatter.add.f32 [tilespmem:s19], [sflag:$0x1], $0x80, s17, s20, $0xb8;
	[tilespmem:$0x1B880] =	vst v63  }
0x2e: {  	_ =	swait.ge [sflag:s15], $0x2800  }
0x2f: {  	s23 =	smov.u32 s13;
	s22 =	simm.s32 $0x500;
	[sflag:s15] =	ssyncset.done $0x0  }
.LBB2_2:
0x30: {  	p0 =	sne.s32 s22, $0x26C00;
	[sflag:s15] =	ssyncadd.s32 $0xFFFFD800;
	s23 =	sadd.s32 $0xA, s23  }
0x31: {  	[tilespmem:s17], [sflag:$0x1] =	stream.linear.gather [hbm4b:s23+s4], $0x50, $0x38;
	[tilespmem:$0x1B880] =	vst v63  }
0x32: {  	s24 =	smov.u32 s22;
	s22 =	sadd.s32 $0x500, s22;
	_ =	swait.ge [sflag:s15], $0x50  }
0x33: {  	[sflag:s15] =	ssyncset.done $0x0  }
0x34: {  	s25 =	sadd.s32 s24, s11;
	[sflag:s15] =	ssyncadd.s32 $0xFFFFFFB0  }
0x35: {  	[tilespmem:s18], [sflag:$0x1] =	stream.linear.gather [hbm4b:s25+s4], $0x2800, $0x38;
	[tilespmem:$0x1B880] =	vst v63  }
0x36: {  	_ =	swait.ge [sflag:s15], $0x2800  }
0x37: {  	[sflag:s15] =	ssyncset.done $0x0  }
0x38: {  	s24 =	sadd.s32 s24, s12;
	[sflag:s15] =	ssyncadd.s32 $0xFFFFD800  }
0x39: {  	[tilespmem:s19], [sflag:$0x1] =	stream.linear.gather [hbm4b:s24+s4], $0x2800, $0x38;
	[tilespmem:$0x1B880] =	vst v63  }
0x3a: {  	_ =	swait.ge [sflag:s15], $0x2800  }
0x3b: {  	[sflag:s15] =	ssyncset.done $0x0  }
0x3c: {  	[sflag:s15] =	ssyncadd.s32 $0xFFFFD800  }
0x3d: {  	[spmem:s2] =	stream.indirect.scatter.add.f32 [tilespmem:s18], [sflag:$0x1], $0x10, s17, s20, $0xb8;
	[tilespmem:$0x1B880] =	vst v63  }
0x3e: {  	_ =	swait.ge [sflag:s15], $0x500  }
.Ltmp0:
0x3f: {  	[sflag:s15] =	ssyncset.done $0x0;
	(pc) =	sbr.rel @p0 .LBB2_2-.Ltmp0, $4  }
0x40: {  	[sflag:s15] =	ssyncadd.s32 $0xFFFFFB00  }
0x41: {  	[spmem:s3] =	stream.indirect.scatter.add.f32 [tilespmem:s19], [sflag:$0x1], $0x80, s17, s20, $0xb8;
	[tilespmem:$0x1B880] =	vst v63  }
0x42: {  	_ =	swait.ge [sflag:s15], $0x2800  }
0x43: {  	[sflag:s15] =	ssyncset.done $0x0  }
0x44: {  	[sflag:s15] =	ssyncadd.s32 $0xFFFFD800  }
0x45: {  	[bflag:$0x0] =	sbarrier.arrive $0xFFFF  }
0x46: {  	[hbm:s8], [sflag:s6] =	dma.local [spmem:s14], $0x2800  }
0x47: {  	s21 =	sadd.s32 $0x1, s21;
	_ =	swait.ge [sflag:s15], $0x2800  }
0x48: {  	p0 =	sne.s32 s21, s10;
	[sflag:s15] =	ssyncset.done $0x0  }
.Ltmp1:
0x49: {  	[sflag:s15] =	ssyncadd.s32 $0xFFFFD800;
	(pc) =	sbr.rel @p0 .LBB2_1-.Ltmp1, $4  }
0x4a: {  	[hbm:s9], [sflag:s6] =	dma.local [spmem:s16], $0x2800  }
0x4b: {  	_ =	swait.ge [sflag:s15], $0x2800  }
0x4c: {  	[sflag:s15] =	ssyncset.done $0x0  }
0x4d: {  	[sflag:s15] =	ssyncadd.s32 $0xFFFFD800  }
0x4e: {  	_ =	sfence.sel $0x180000  }
0x4f: {  	[bflag:$0x0] =	sbarrier.arrive $0xFFFF  }
0x50: {  	p0 =	sne.s32 s0, $0x0;
	_ =	strace $0x90000053  }
0x51: {  	s0 =	sadd.s32 @!p0 $0x100000, s1;
	[bflag:$0x2] =	sbarrier.arrive $0xFFFF  }
0x52: {  	[sflag:s0] =	ssyncadd.tile.s32 @!p0 $0x1;
	_ =	shalt  }
.Lfunc_end2:
_tile_overlayer_lowered:
.L_overlay_start_2:
0x53: {  	(tag) =	ssettag $0x2  }
0x54: {  	s0 =	rddreg [dreg:$0x0];
	s2 =	stileid.u32  }
0x55: {  	s1 =	rddreg [dreg:$0x1];
	p0 =	sne.s32 s2, $0x0  }
0x56: {  	s3 =	rddreg [dreg:$0x2];
	[bflag:$0x3] =	sbarrier.arrive $0xFFFF;
	s2 =	simm.s32 @!p0 $0x1C01  }
0x57: {  	[timem:s3], [sflag:s2] =	dma.local @!p0 [hbm:s0], s1  }
0x58: {  	s0 =	simm.s32 @!p0 $0x1  }
0x59: {  	_ =	swait.ge @!p0 [sflag:s0], s1  }
0x5a: {  	s1 =	ssub.s32 @!p0 $0x0, s1;
	[sflag:s0] =	ssyncset.done @!p0 $0x0  }
0x5b: {  	[sflag:s0] =	ssyncadd.s32 @!p0 s1  }
0x5c: {  	[bflag:$0x3] =	sbarrier.arrive $0xFFFF  }
0x5d: {  	_ =	shalt  }

// kernel: kernel.32.cloned.1.call-start
scs
__scs_entry_jumppad:
0x0: {  	(pc) =	sbr.rel $0x88, $3  }
0x1: {  	(tag) =	ssettag $0x0;
	lr =	simm.s32 $0x1  }
0x2: {  	[smem:$0x3F8F] =	sst lr;
	_ =	strace $0xD0000000  }
0x3: {  	_ = 	snop  }
0x4: {  	_ = 	snop  }
0x5: {  	_ = 	snop  }
0x6: {  	_ = 	snop  }
0x7: {  	_ = 	snop  }
__scs_overlays_trampoline_lowered:
0x8: {  	[smem:$0x3F9E] =	sst s0  }
0x9: {  	[smem:$0x3F9F] =	sst s1  }
0xa: {  	[smem:$0x3FA0] =	sst s2  }
0xb: {  	[smem:$0x3FA1] =	sst s3  }
0xc: {  	[smem:$0x3FA2] =	sst s4  }
0xd: {  	[smem:$0x3FA3] =	sst s5  }
0xe: {  	[smem:$0x3FA4] =	sst s6  }
0xf: {  	[smem:$0x3FA5] =	sst s7  }
0x10: {  	[smem:$0x3FA6] =	sst s8  }
0x11: {  	[smem:$0x3FA7] =	sst s9;
	s0 =	simm.s32 @!p0 $0x0  }
0x12: {  	s1 =	sld [smem:$0x3F8D];
	s0 =	simm.s32 @p0 $0x1  }
0x13: {  	[smem:$0x3FA8] =	sst s0;
	s0 =	simm.s32 @!p1 $0x0  }
0x14: {  	s2 =	sld [smem:$0x3F8C];
	s0 =	simm.s32 @p1 $0x1  }
0x15: {  	[smem:$0x3FA9] =	sst s0;
	s0 =	simm.s32 @!p2 $0x0  }
0x16: {  	s3 =	sld [smem:$0x3FDB];
	s0 =	simm.s32 @p2 $0x1  }
0x17: {  	s4 =	simm.s32 $0x1BF5;
	[smem:$0x3FAB] =	sst s0  }
0x18: {  	s0 =	sld [smem:$0x3F8E];
	_ =	swait.ge [sflag:s4], $0x0  }
0x19: {  	s7 =	sld [smem:$0x3F8F]  }
0x1a: {  	s8 =	sadd.s32 $0xFFFFE003, lr  }
0x1b: {  	s9 =	sadd.s32 $0xFFFFFEF7, lr;
	s5 =	simm.s32 $0xFFFFFFFF;
	p2 =	slt.u32 s8, $0xFFFFF086  }
0x1c: {  	p1 =	slt.u32 s9, $0xF7A;
	s5 =	simm.s32 @!p2 $0x0  }
0x1d: {  	s5 =	simm.s32 @p1 $0x1;
	p0 =	seq.s32 s7, s2  }
0x1e: {  	s7 =	smul.u32 @!p0 $0xF7A, s2;
	p2 =	seq.s32 @!p0 s5, $0x0  }
0x1f: {  	s9 =	smul.u32 $0xF7A, s1;
	s8 =	simm.s32 @!p0 $0x1BF5;
	p2 =	por !p2, p0  }
0x20: {  	[sflag:s8] =	ssyncset.s32 @!p0 $0xFFFFF086;
	s6 =	sadd.s32 @!p0 s3, s7;
	s7 =	simm.s32 @!p0 $0x108  }
0x21: {  	s3 =	sadd.s32 s3, s9;
	s6 =	sadd.s32 @!p0 $0x88, s6;
	s7 =	simm.s32 @p2 $0x1082  }
0x22: {  	[simem:s7], [sflag:s8] =	dma.local @!p0 [hbm:s6], $0xF7A  }
0x23: {  	s9 =	sor.u32 $0xD0000000, s2;
	s6 =	simm.s32 $0x108;
	_ =	swait.ge @!p0 [sflag:s8], $0x0  }
0x24: {  	s3 =	sadd.s32 $0x88, s3;
	s6 =	simm.s32 @!p1 $0x1082;
	[sflag:s4] =	ssyncset.s32 $0xFFFFF086  }
0x25: {  	[simem:s6], [sflag:s4] =	dma.local [hbm:s3], $0xF7A  }
0x26: {  	[smem:$0x3F8F] =	sst s1;
	(tag) =	ssettag s2;
	_ =	strace s9  }
0x27: {  	s1 =	sld [smem:$0x3F9F]  }
0x28: {  	s2 =	sld [smem:$0x3FA0]  }
0x29: {  	s4 =	sld [smem:$0x3FA2]  }
0x2a: {  	p0 =	seq.s32 s5, $0x0;
	s5 =	sld [smem:$0x3FA3]  }
0x2b: {  	s6 =	sld [smem:$0x3FA4]  }
0x2c: {  	s7 =	sld [smem:$0x3FA5]  }
0x2d: {  	s3 =	simm.s32 $0x108;
	s8 =	sld [smem:$0x3FA6]  }
0x2e: {  	s3 =	simm.s32 @!p0 $0x1082;
	s9 =	sld [smem:$0x3FA7]  }
0x2f: {  	lr =	sadd.s32 s0, s3;
	s0 =	sld [smem:$0x3F9E]  }
0x30: {  	s3 =	sld [smem:$0x3FA1]  }
0x31: {  	[smem:$0x3FAA] =	sst s10  }
0x32: {  	s10 =	sld [smem:$0x3FA8];
	_ =	sdelay $0x3  }
0x33: {  	p0 =	seq.s32 s10, $0x1;
	s10 =	sld [smem:$0x3FAA];
	_ =	sdelay $0x3  }
0x34: {  	[smem:$0x3FAA] =	sst s10  }
0x35: {  	s10 =	sld [smem:$0x3FA9];
	_ =	sdelay $0x3  }
0x36: {  	p1 =	seq.s32 s10, $0x1;
	s10 =	sld [smem:$0x3FAA];
	_ =	sdelay $0x3  }
0x37: {  	[smem:$0x3FAA] =	sst s10  }
0x38: {  	s10 =	sld [smem:$0x3FAB]  }
0x39: {  	_ = 	snop;
	(pc) =	sbr.ind lr, $3  }
0x3a: {  	_ = 	snop  }
0x3b: {  	_ = 	snop  }
0x3c: {  	p2 =	seq.s32 s10, $0x1;
	s10 =	sld [smem:$0x3FAA]  }
0x3d: {  	_ =	shalt  }
0x3e: {  	_ =	shalt  }
0x3f: {  	_ =	shalt  }
0x40: {  	_ =	shalt  }
0x41: {  	_ =	shalt  }
0x42: {  	_ =	shalt  }
0x43: {  	_ =	shalt  }
0x44: {  	_ =	shalt  }
0x45: {  	_ =	shalt  }
0x46: {  	_ =	shalt  }
0x47: {  	_ =	shalt  }
0x48: {  	_ =	shalt  }
0x49: {  	_ =	shalt  }
0x4a: {  	_ =	shalt  }
0x4b: {  	_ =	shalt  }
0x4c: {  	_ =	shalt  }
0x4d: {  	_ =	shalt  }
0x4e: {  	_ =	shalt  }
0x4f: {  	_ =	shalt  }
0x50: {  	_ =	shalt  }
0x51: {  	_ =	shalt  }
0x52: {  	_ =	shalt  }
0x53: {  	_ =	shalt  }
0x54: {  	_ =	shalt  }
0x55: {  	_ =	shalt  }
0x56: {  	_ =	shalt  }
0x57: {  	_ =	shalt  }
0x58: {  	_ =	shalt  }
0x59: {  	_ =	shalt  }
0x5a: {  	_ =	shalt  }
0x5b: {  	_ =	shalt  }
0x5c: {  	_ =	shalt  }
0x5d: {  	_ =	shalt  }
0x5e: {  	_ =	shalt  }
0x5f: {  	_ =	shalt  }
0x60: {  	_ =	shalt  }
0x61: {  	_ =	shalt  }
0x62: {  	_ =	shalt  }
0x63: {  	_ =	shalt  }
0x64: {  	_ =	shalt  }
0x65: {  	_ =	shalt  }
0x66: {  	_ =	shalt  }
0x67: {  	_ =	shalt  }
0x68: {  	_ =	shalt  }
0x69: {  	_ =	shalt  }
0x6a: {  	_ =	shalt  }
0x6b: {  	_ =	shalt  }
0x6c: {  	_ =	shalt  }
0x6d: {  	_ =	shalt  }
0x6e: {  	_ =	shalt  }
0x6f: {  	_ =	shalt  }
0x70: {  	_ =	shalt  }
0x71: {  	_ =	shalt  }
0x72: {  	_ =	shalt  }
0x73: {  	_ =	shalt  }
0x74: {  	_ =	shalt  }
0x75: {  	_ =	shalt  }
0x76: {  	_ =	shalt  }
0x77: {  	_ =	shalt  }
0x78: {  	_ =	shalt  }
0x79: {  	_ =	shalt  }
0x7a: {  	_ =	shalt  }
0x7b: {  	_ =	shalt  }
0x7c: {  	_ =	shalt  }
0x7d: {  	_ =	shalt  }
0x7e: {  	_ =	shalt  }
0x7f: {  	_ =	shalt  }
0x80: {  	_ =	shalt  }
0x81: {  	_ =	shalt  }
0x82: {  	_ =	shalt  }
0x83: {  	_ =	shalt  }
0x84: {  	_ =	shalt  }
0x85: {  	_ =	shalt  }
0x86: {  	_ =	shalt  }
0x87: {  	_ =	shalt  }
.Lfunc_end0:
.L_simem_size_0:
called_computation.5_lowered:
.L_overlay_start_0:
0x88: {  	s2 =	sld [smem:$0x3FD9]  }
0x89: {  	s3 =	sld [smem:$0x3FFE];
	_ =	sdelay $0x1  }
0x8a: {  	s1 =	srdreg.scid  }
0x8b: {  	s0 =	sand.u32 $0x1, s1  }
0x8c: {  	s17 =	sshll.u32 s0, $0xA;
	s2 =	sadd.s32 s3, s2  }
0x8d: {  	s2 =	sadd.s32 s2, s17  }
0x8e: {  	[smem:$0x3FB6] =	sst s2  }
0x8f: {  	_ = 	snop  }
0x90: {  	s2 =	sld [smem:$0x3FD0];
	(tm) =	ssettm $0x1  }
0x91: {  	s18 =	sld [smem:$0x3FFB];
	_ =	sdelay $0x3  }
0x92: {  	_ =	strace s18  }
0x93: {  	s3 =	sld [smem:$0x3FFC];
	_ =	sdelay $0x3  }
0x94: {  	_ =	strace s3  }
0x95: {  	s3 =	sld [smem:$0x3FFD];
	_ =	sdelay $0x3  }
0x96: {  	_ =	strace s3  }
0x97: {  	_ =	strace $0x8FFFFFFF  }
0x98: {  	s19 =	sld [smem:$0x3FDB];
	_ =	sdelay $0x1  }
0x99: {  	s4 =	simm.s32 $_scs_section_size  }
0x9a: {  	s5 =	simm.s32 $_size__tile_overlayer_lowered;
	s6 =	simm.s32 $_tile_overlayer_lowered  }
0x9b: {  	s22 =	simm.s32 $0x1BFF;
	s21 =	sshll.u32 s6, $0x1;
	s3 =	sadd.s32 s4, s19  }
0x9c: {  	s7 =	simm.s32 $0x0;
	s20 =	sshll.u32 s5, $0x1;
	s5 =	sadd.s32 s21, s3  }
0x9d: {  	[timem:s7], [sflag:s22] =	dma.local [hbm:s5], s20  }
0x9e: {  	_ =	swait.ge [sflag:s22], s20  }
0x9f: {  	s4 =	ssub.s32 $0x0, s20;
	[sflag:s22] =	ssyncset.done $0x0  }
0xa0: {  	[sflag:s22] =	ssyncadd.s32 s4;
	_ =	sdelay $0x1  }
0xa1: {  	s23 =	simm.s32 $0x1B8B  }
0xa2: {  	_ =	swait.ge [sflag:s23], $0x1  }
0xa3: {  	[sflag:s23] =	ssyncset.done $0x0  }
0xa4: {  	s25 =	simm.s32 $0x1B8E;
	s24 =	sld [smem:$0x3FFE];
	[sflag:s23] =	ssyncadd.s32 $0xFFFFFFFF  }
0xa5: {  	s26 =	simm.s32 $execute0_lowered;
	[smem:$0x3FD2] =	sst s25  }
0xa6: {  	s5 =	sshll.u32 s26, $0x1;
	_ =	strace $0x80000055;
	[dreg:$0x1] =	wrdreg $0xFFFFFFFF  }
0xa7: {  	s28 =	simm.s32 $_size_execute0_lowered;
	s3 =	sadd.s32 s3, s5;
	[dreg:$0x0] =	wrdreg $0x0  }
0xa8: {  	s5 =	sshll.u32 s28, $0x1;
	[dreg:$0x2] =	wrdreg s3  }
0xa9: {  	[dreg:$0x3] =	wrdreg s5  }
0xaa: {  	[dreg:$0x4] =	wrdreg $0xC0  }
0xab: {  	_ =	task [dreg:s7], $0x5FFFF  }
0xac: {  	[dreg:$0x1] =	wrdreg $0xFFFFFFFF  }
0xad: {  	[dreg:$0x0] =	wrdreg $0x60  }
0xae: {  	[dreg:$0x2] =	wrdreg s24  }
0xaf: {  	[dreg:$0x3] =	wrdreg s2  }
0xb0: {  	[dreg:$0x4] =	wrdreg $0x9  }
0xb1: {  	_ =	task.clear_ibuf [dreg:s7], $0x5FFFF;
	_ =	strace $0x90000055  }
0xb2: {  	s29 =	simm.s32 $0x9;
	_ =	strace $0x80000057  }
0xb3: {  	_ =	swait.ge [sflag:s29], $0x1  }
0xb4: {  	[sflag:s29] =	ssyncadd.s32 $0xFFFFFFFF  }
0xb5: {  	_ =	strace $0x90000057  }
0xb6: {  	_ =	sfence  }
0xb7: {  	s30 =	sld [smem:$0x0];
	_ =	sdelay $0x2  }
0xb8: {  	s31 =	sshll.u32 s1, $0xD;
	s1 =	sshrl.u32 s1, $0x2  }
0xb9: {  	s3 =	sand.u32 $0x4000, s31;
	s1 =	sadd.s32 s1, s30  }
0xba: {  	s0 =	sor.u32 s3, s0;
	s1 =	sshll.u32 s1, $0x11  }
0xbb: {  	s0 =	sor.u32 s1, s0  }
0xbc: {  	s0 =	sadd.s32 $0x8F2B, s0  }
0xbd: {  	[sflag:s0] =	ssyncadd.remote.s32 $0x1  }
0xbe: {  	_ =	sfence.sel $0xFFFF  }
0xbf: {  	[dreg:$0x0] =	wrdreg $0xFFFFFFFF;
	(pc) =	sbr.abs _section_cstart, $3  }
0xc0: {  	[dreg:$0x1] =	wrdreg $0xFFFFFFFF  }
0xc1: {  	_ =	task.clear_ibuf [dreg:s7], $0x2FFFF;
	_ =	strace $0x9FFFFFFF  }
0xc2: {  	(tm) =	ssettm $0x7FFFFFFF  }
0xc3: {  	_ =	shalt  }
tec
execute0_lowered:
.L_overlay_start_1:
0x0: {  	(tag) =	ssettag $0x1  }
0x1: {  	s7 =	rddreg [dreg:$0x0]  }
0x2: {  	s1 =	rddreg [dreg:$0x1]  }
0x3: {  	s0 =	rddreg [dreg:$0x2];
	s2 =	simm.s32 $0x0  }
0x4: {  	s3 =	srdreg.scid;
	s11 =	simm.s32 $0x100;
	s12 =	simm.s32 $0xC8  }
0x5: {  	s13 =	simm.s32 $0x200;
	s14 =	simm.s32 $0x6600;
	s15 =	simm.s32 $0x1  }
0x6: {  	s16 =	simm.s32 $0x2;
	s17 =	simm.s32 $0x0;
	[smem:$0x7FF] =	sst s2  }
0x7: {  	s4 =	sadd.s32 $0x4F8E00, s7;
	s5 =	sadd.s32 $0x4EF000, s7;
	s6 =	sand.u32 $0x1, s3  }
0x8: {  	s3 =	stileid.u32;
	_ =	strace $0x80000056;
	s8 =	ssub.s32 $0x2, s6  }
0x9: {  	s9 =	sshll.u32 s6, $0x4;
	s6 =	sadd.s32 $0xB400, s7;
	s10 =	sshrl.u32 s8, $0x1  }
0xa: {  	s7 =	sadd.s32 $0x9E7600, s7;
	s9 =	sor.u32 s3, s9;
	s10 =	ssub.s32 s8, s10  }
0xb: {  	s8 =	smul.u32 $0x2710, s9;
	s9 =	smax.u32 s10, $0x1;
	s10 =	simm.s32 $0x3  }
.LBB2_1:
0xc: {  	s18 =	simm.s32 $0x0  }
.LBB2_2:
0xd: {  	s19 =	smul.u32 $0xC8, s18;
	_ =	sdelay $0x1  }
0xe: {  	s19 =	sadd.s32 s8, s19  }
0xf: {  	s20 =	sshrl.u32 s19, $0x3  }
0x10: {  	s22 =	simm.s32 $0x0;
	s21 =	sadd.s32 s4, s20  }
0x11: {  	[tilespmem:s22], [sflag:$0x3] =	stream.linear.gather [hbm4b:s21+s22], $0xC8, $0x38;
	[tilespmem:$0xCA00] =	vst v63  }
0x12: {  	_ =	swait.ge [sflag:s10], $0xC8  }
0x13: {  	[sflag:s10] =	ssyncset.done $0x0  }
0x14: {  	s20 =	sadd.s32 s5, s20;
	[sflag:s10] =	ssyncadd.s32 $0xFFFFFF38  }
0x15: {  	[tilespmem:s11], [sflag:$0x3] =	stream.linear.gather [hbm4b:s20+s22], $0xC8, $0x38;
	[tilespmem:$0xCA00] =	vst v63  }
0x16: {  	_ =	swait.ge [sflag:s10], $0xC8  }
0x17: {  	[sflag:s10] =	ssyncset.done $0x0  }
0x18: {  	[sflag:s10] =	ssyncadd.s32 $0xFFFFFF38  }
0x19: {  	[tilespmem:s13], [sflag:$0x1] =	stream.indirect.gather [hbm4b:s1+s12], $0x80, s22, s12, $0xb8;
	[tilespmem:$0xCA00] =	vst v63  }
0x1a: {  	_ = 	snop  }
0x1b: {  	[tilespmem:s14], [sflag:$0x2] =	stream.indirect.gather [hbm4b:s6+s12], $0x80, s11, s12, $0xb8;
	[tilespmem:$0xCA00] =	vst v63  }
0x1c: {  	_ =	swait.ge [sflag:s15], $0x6400  }
0x1d: {  	[sflag:s15] =	ssyncset.done $0x0  }
0x1e: {  	[sflag:s15] =	ssyncadd.s32 $0xFFFF9C00  }
0x1f: {  	_ =	swait.ge [sflag:s16], $0x6400  }
0x20: {  	[sflag:s16] =	ssyncset.done $0x0  }
0x21: {  	s20 =	simm.s32 $0x0;
	[sflag:s16] =	ssyncadd.s32 $0xFFFF9C00  }
0x22: {  	v7 =	vld [tilespmem:s20+$0x6600]  }
0x23: {  	v11 =	vld [tilespmem:s20+$0x6610]  }
0x24: {  	v5 =	vld [tilespmem:s20+$0x6620]  }
0x25: {  	v4 =	vld [tilespmem:s20+$0x6630]  }
0x26: {  	v3 =	vld [tilespmem:s20+$0x6640]  }
0x27: {  	v2 =	vld [tilespmem:s20+$0x6650]  }
0x28: {  	v1 =	vld [tilespmem:s20+$0x6660]  }
0x29: {  	v0 =	vld [tilespmem:s20+$0x6670]  }
0x2a: {  	v12 =	vld [tilespmem:s20+$0x200]  }
0x2b: {  	v13 =	vld [tilespmem:s20+$0x210]  }
0x2c: {  	v10 =	vld [tilespmem:s20+$0x220]  }
0x2d: {  	v9 =	vld [tilespmem:s20+$0x230]  }
0x2e: {  	v8 =	vld [tilespmem:s20+$0x240]  }
0x2f: {  	v6 =	vld [tilespmem:s20+$0x250];
	v12 =	vadd.f32 v7, v12  }
0x30: {  	s21 =	simm.s32 $0x200;
	v11 =	vadd.f32 v11, v13;
	v7 =	vld [tilespmem:s20+$0x260]  }
.LBB2_3:
0x31: {  	s22 =	sshra.s32 s21, $0x2;
	p0 =	sne.s32 s21, $0x18E00;
	[tilespmem:s20+$0x200] =	vst v12;
	v5 =	vadd.f32 v5, v10;
	v10 =	vld [tilespmem:s20+$0x270]  }
0x32: {  	v12 =	vld [tilespmem:s22+$0x6600];
	[tilespmem:s20+$0x210] =	vst v11;
	v4 =	vadd.f32 v4, v9  }
0x33: {  	v11 =	vld [tilespmem:s22+$0x6610];
	[tilespmem:s20+$0x220] =	vst v5;
	v3 =	vadd.f32 v3, v8  }
0x34: {  	v5 =	vld [tilespmem:s22+$0x6620];
	[tilespmem:s20+$0x230] =	vst v4;
	v2 =	vadd.f32 v2, v6  }
0x35: {  	v4 =	vld [tilespmem:s22+$0x6630];
	[tilespmem:s20+$0x240] =	vst v3;
	v1 =	vadd.f32 v1, v7  }
0x36: {  	v3 =	vld [tilespmem:s22+$0x6640];
	[tilespmem:s20+$0x250] =	vst v2;
	v0 =	vadd.f32 v0, v10  }
0x37: {  	v2 =	vld [tilespmem:s22+$0x6650];
	[tilespmem:s20+$0x260] =	vst v1  }
0x38: {  	v1 =	vld [tilespmem:s22+$0x6660];
	[tilespmem:s20+$0x270] =	vst v0;
	s20 =	smov.u32 s22  }
0x39: {  	v0 =	vld [tilespmem:s20+$0x6670]  }
0x3a: {  	v6 =	vld [tilespmem:s20+$0x200]  }
0x3b: {  	v7 =	vld [tilespmem:s20+$0x210]  }
.Ltmp0:
0x3c: {  	v10 =	vld [tilespmem:s20+$0x220];
	(pc) =	sbr.rel @p0 .LBB2_3-.Ltmp0, $4  }
0x3d: {  	v9 =	vld [tilespmem:s20+$0x230]  }
0x3e: {  	v8 =	vld [tilespmem:s20+$0x240]  }
0x3f: {  	v12 =	vadd.f32 v12, v6;
	v6 =	vld [tilespmem:s20+$0x250]  }
0x40: {  	s21 =	sadd.s32 $0x200, s21;
	v11 =	vadd.f32 v11, v7;
	v7 =	vld [tilespmem:s20+$0x260]  }
0x41: {  	[tilespmem:s20+$0x200] =	vst v12;
	v5 =	vadd.f32 v5, v10;
	v63 =	vld [tilespmem:s20+$0x270]  }
0x42: {  	[tilespmem:s20+$0x210] =	vst v11;
	v4 =	vadd.f32 v4, v9  }
0x43: {  	[tilespmem:s20+$0x220] =	vst v5;
	v3 =	vadd.f32 v3, v8  }
0x44: {  	[tilespmem:s20+$0x230] =	vst v4;
	v2 =	vadd.f32 v2, v6  }
0x45: {  	[tilespmem:s20+$0x240] =	vst v3;
	v1 =	vadd.f32 v1, v7  }
0x46: {  	s18 =	sadd.s32 $0x1, s18;
	[tilespmem:s20+$0x250] =	vst v2;
	v0 =	vadd.f32 v0, v63  }
0x47: {  	s19 =	sshll.u32 s19, $0x4;
	p0 =	sne.s32 s18, $0x32;
	[tilespmem:s20+$0x260] =	vst v1  }
.Ltmp1:
0x48: {  	s19 =	sadd.s32 s7, s19;
	[tilespmem:s20+$0x270] =	vst v0;
	(pc) =	sbr.rel @p0 .LBB2_2-.Ltmp1, $4  }
0x49: {  	[hbm4b:s19+s2] =	stream.linear.scatter [tilespmem:s13], [sflag:$0x3], $0x6400, $0x38;
	[tilespmem:$0xCA00] =	vst v63  }
0x4a: {  	_ =	swait.ge [sflag:s10], $0x6400  }
0x4b: {  	[sflag:s10] =	ssyncset.done $0x0  }
0x4c: {  	[sflag:s10] =	ssyncadd.s32 $0xFFFF9C00  }
0x4d: {  	s17 =	sadd.s32 $0x1, s17  }
0x4e: {  	p0 =	sne.s32 s17, s9  }
.Ltmp2:
0x4f: {  	_ = 	snop;
	(pc) =	sbr.rel @p0 .LBB2_1-.Ltmp2, $1  }
0x50: {  	_ =	sdelay $0x3  }
0x51: {  	_ =	sfence.sel $0x180000  }
0x52: {  	[bflag:$0x0] =	sbarrier.arrive $0xFFFF  }
0x53: {  	p0 =	sne.s32 s3, $0x0;
	_ =	strace $0x90000056  }
0x54: {  	s0 =	sadd.s32 @!p0 $0x100000, s0;
	[bflag:$0x2] =	sbarrier.arrive $0xFFFF  }
0x55: {  	[sflag:s0] =	ssyncadd.tile.s32 @!p0 $0x1;
	_ =	shalt  }
.Lfunc_end2:
_tile_overlayer_lowered:
.L_overlay_start_2:
0x56: {  	(tag) =	ssettag $0x2  }
0x57: {  	s0 =	rddreg [dreg:$0x0];
	s2 =	stileid.u32  }
0x58: {  	s1 =	rddreg [dreg:$0x1];
	p0 =	sne.s32 s2, $0x0  }
0x59: {  	s3 =	rddreg [dreg:$0x2];
	[bflag:$0x3] =	sbarrier.arrive $0xFFFF;
	s2 =	simm.s32 @!p0 $0x1C03  }
0x5a: {  	[timem:s3], [sflag:s2] =	dma.local @!p0 [hbm:s0], s1  }
0x5b: {  	s0 =	simm.s32 @!p0 $0x3  }
0x5c: {  	_ =	swait.ge @!p0 [sflag:s0], s1  }
0x5d: {  	s1 =	ssub.s32 @!p0 $0x0, s1;
	[sflag:s0] =	ssyncset.done @!p0 $0x0  }
0x5e: {  	[sflag:s0] =	ssyncadd.s32 @!p0 s1  }
0x5f: {  	[bflag:$0x3] =	sbarrier.arrive $0xFFFF  }
0x60: {  	_ =	shalt  }

</sc_bundles>
